<compile_context>
chip_gen: v7x
topology: tpu7x:2x2x1
jax: 0.10.2.dev20260603
libtpu: 0.0.44.dev20260713+nightly
codegen_flags: <defaults>
</compile_context>

<pallas_src>
import functools
import math

import jax
import jax.numpy as jnp
from jax import lax
from jax.experimental import pallas as pl
from jax.experimental.pallas import tpu as pltpu
from jax.experimental.pallas import tpu_sc as plsc

N = 8
P = 512
NY = 64
NX = 64
INV_STEP = 1.0 / 64.0
NW = 32
ROWS_PER_W = 4096
JPW = 16
CHUNK = NX * 4 * 128
L = 16


def _sc_body(b_hbm, d_hbm, v_hbm, out_hbm, bv, dv, vv, gxb, gyb, ck0, ck1,
             sem0, sem1):
    c = lax.axis_index("c")
    s = lax.axis_index("s")
    w = s * 2 + c
    n = w // 4
    jbase = (w % 4) * JPW

    pltpu.sync_copy(b_hbm.at[pl.ds(n * P, P)], bv)
    pltpu.sync_copy(d_hbm.at[pl.ds(n * P, P)], dv)
    pltpu.sync_copy(v_hbm, vv)

    var = vv[...]
    inv2s2 = 1.0 / (2.0 * var * var)
    norm = 1.0 / (2.0 * math.pi * var * var)

    def gx_row(i, _):
        xi = jnp.full((L,), i.astype(jnp.float32) * INV_STEP)
        for v in range(P // L):
            bvec = bv[pl.ds(v * L, L)]
            g = jnp.exp(-((bvec - xi) * (bvec - xi)) * inv2s2) * norm
            gxb[pl.ds(i * P + v * L, L)] = g
        return 0

    lax.fori_loop(0, NX, gx_row, 0)

    def gy_row(jj, _):
        yj = jnp.full((L,), (jbase + jj).astype(jnp.float32) * INV_STEP)
        for v in range(P // L):
            qvec = dv[pl.ds(v * L, L)] - bv[pl.ds(v * L, L)]
            g = jnp.exp(-((qvec - yj) * (qvec - yj)) * inv2s2)
            gyb[pl.ds(jj * P + v * L, L)] = g
        return 0

    lax.fori_loop(0, JPW, gy_row, 0)

    base = w * ROWS_PER_W * 128
    cks = (ck0, ck1)
    sems = (sem0, sem1)

    def pair(k, _):
        for par in range(2):
            jj = k * 2 + par
            ck, sem = cks[par], sems[par]

            @pl.when(k > 0)
            def _wait():
                pltpu.make_async_copy(
                    ck, out_hbm.at[pl.ds(base, CHUNK)], sem
                ).wait()

            def fill(i, _):
                for pc in range(4):
                    off = i * P + pc * 128
                    dst = (i * 4 + pc) * 128
                    for v in range(8):
                        g = gxb[pl.ds(off + v * L, L)] \
                            * gyb[pl.ds(jj * P + pc * 128 + v * L, L)]
                        ck[pl.ds(dst + v * L, L)] = g
                return 0

            pltpu.async_copy(
                ck, out_hbm.at[pl.ds(base + jj * CHUNK, CHUNK)], sem
            )
        return 0

    lax.fori_loop(0, JPW // 2, pair, 0)
    for par in range(2):
        pltpu.make_async_copy(
            cks[par], out_hbm.at[pl.ds(base, CHUNK)], sems[par]
        ).wait()


def kernel(diagrams, variance):
    barr = diagrams[:, :, 0].reshape(N * P)
    darr = diagrams[:, :, 1].reshape(N * P)
    var16 = jnp.full((L,), variance, jnp.float32)

    sc = functools.partial(
        pl.kernel,
        out_type=jax.ShapeDtypeStruct((N * NY * NX * P,), jnp.float32),
        mesh=plsc.VectorSubcoreMesh(core_axis_name="c", subcore_axis_name="s"),
        scratch_types=[
            pltpu.VMEM((P,), jnp.float32),
            pltpu.VMEM((P,), jnp.float32),
            pltpu.VMEM((L,), jnp.float32),
            pltpu.VMEM((NX * P,), jnp.float32),
            pltpu.VMEM((JPW * P,), jnp.float32),
            pltpu.VMEM((CHUNK,), jnp.float32),
            pltpu.VMEM((CHUNK,), jnp.float32),
            pltpu.SemaphoreType.DMA,
            pltpu.SemaphoreType.DMA,
        ],
    )(_sc_body)

    out = sc(barr, darr, var16)
    return out.reshape(N, NY, NX, 1, P).transpose(0, 4, 1, 2, 3)

# --- scband reference (transcript-rebuilt; emitter-appended) ---
"""Pipeline reference for scband-gaussian-perslay-phi-1614907703769 (READ-ONLY COPY).

The authoritative reference and input builder live on the scoring server;
editing this copy changes nothing except your own understanding.
"""

import jax, jax.numpy as jnp
import numpy as np
import math

IMAGE_SIZE = [64, 64]
IMAGE_BNDS = [[0.0, 1.0], [0.0, 1.0]]


def setup_inputs(seed: int = 0) -> dict:
    key = jax.random.key(seed)
    diagrams = jax.random.uniform(key, (8, 512, 2), dtype=jnp.float32)
    variance = jnp.float32(0.1)  # trainable scalar parameter from __init__
    return {"diagrams": diagrams, "variance": variance}


def reference(diagrams, variance):
    image_size = IMAGE_SIZE
    image_bnds = IMAGE_BNDS
    # birth / persistence transform: [n, P, 2]
    diagrams_d = jnp.concatenate(
        [diagrams[:, :, 0:1], diagrams[:, :, 1:2] - diagrams[:, :, 0:1]], axis=2
    )
    step = [(image_bnds[i][1] - image_bnds[i][0]) / image_size[i] for i in range(2)]
    # tf.range(min, max, step) -> exactly image_size[i] points here
    coords = [
        image_bnds[i][0] + step[i] * jnp.arange(image_size[i], dtype=jnp.float32)
        for i in range(2)
    ]
    M = jnp.meshgrid(*coords)  # default 'xy' indexing, same as tf.meshgrid
    mu = jnp.concatenate([jnp.expand_dims(t, 0) for t in M], axis=0)  # [2, ny, nx]
    d = diagrams_d
    for _ in range(2):
        d = jnp.expand_dims(d, -1)  # [n, P, 2, 1, 1]
    dists = jnp.square(d - mu) / (2.0 * jnp.square(variance))  # [n, P, 2, ny, nx]
    gauss = jnp.exp(jnp.sum(-dists, axis=2)) / (2.0 * math.pi * jnp.square(variance))
    output = jnp.expand_dims(gauss, -1)  # [n, P, ny, nx, 1]
    return output

if __name__ == "__main__":
    import jax
    _d = setup_inputs()
    print(jax.jit(kernel)(*tuple(_d.values())))

</pallas_src>

<mosaic_0001>
#map = affine_map<(d0, d1) -> (0)>
module attributes {stable_mosaic.version = 14 : i64} {
  func.func @_sc_body(%arg0: i32, %arg1: i32, %arg2: memref<4096xf32, #tpu.memory_space<hbm>>, %arg3: memref<4096xf32, #tpu.memory_space<hbm>>, %arg4: memref<16xf32, #tpu.memory_space<hbm>>, %arg5: memref<16777216xf32, #tpu.memory_space<hbm>>, %arg6: memref<512xf32, #tpu.memory_space<vmem>>, %arg7: memref<512xf32, #tpu.memory_space<vmem>>, %arg8: memref<16xf32, #tpu.memory_space<vmem>>, %arg9: memref<32768xf32, #tpu.memory_space<vmem>>, %arg10: memref<8192xf32, #tpu.memory_space<vmem>>, %arg11: memref<32768xf32, #tpu.memory_space<vmem>>, %arg12: memref<32768xf32, #tpu.memory_space<vmem>>, %arg13: memref<!tpu.dma_semaphore, #tpu.memory_space<semaphore_mem>>, %arg14: memref<!tpu.dma_semaphore, #tpu.memory_space<semaphore_mem>>) attributes {dimension_semantics = [#tpu.dimension_semantics<core_parallel>, #tpu.dimension_semantics<subcore_parallel>], iteration_bounds = array<i64: 2, 16>, scalar_prefetch = 0 : i64, scratch_operands = 9 : i64, tpu.core_type = #tpu.core_type<sc_vector_subcore>, window_params = [{transform_indices = #map}, {transform_indices = #map}, {transform_indices = #map}, {transform_indices = #map}]} {
    %mul3A = arith.constant 2 : i32
    %mul3A_0 = arith.muli %arg1, %mul3A : i32
    %add3A = arith.addi %mul3A_0, %arg0 : i32
    %jit3A = arith.constant 4 : i32
    %div3A = arith.divsi %add3A, %jit3A : i32
    %sign3A = arith.constant 0 : i32
    %sign3A_1 = arith.cmpi sgt, %add3A, %sign3A : i32
    %sign3A_2 = arith.extui %sign3A_1 : i1 to i32
    %sign3A_3 = arith.constant 0 : i32
    %sign3A_4 = arith.cmpi slt, %add3A, %sign3A_3 : i32
    %sign3A_5 = arith.extui %sign3A_4 : i1 to i32
    %sign3A_6 = arith.subi %sign3A_2, %sign3A_5 : i32
    %sign3A_7 = arith.constant 0 : i32
    %sign3A_8 = arith.cmpi sgt, %jit3A, %sign3A_7 : i32
    %sign3A_9 = arith.extui %sign3A_8 : i1 to i32
    %sign3A_10 = arith.constant 0 : i32
    %sign3A_11 = arith.cmpi slt, %jit3A, %sign3A_10 : i32
    %sign3A_12 = arith.extui %sign3A_11 : i1 to i32
    %sign3A_13 = arith.subi %sign3A_9, %sign3A_12 : i32
    %ne3A = arith.cmpi ne, %sign3A_6, %sign3A_13 : i32
    %rem3A = arith.remsi %add3A, %jit3A : i32
    %ne3A_14 = arith.constant 0 : i32
    %ne3A_15 = arith.cmpi ne, %rem3A, %ne3A_14 : i32
    %and3A = arith.andi %ne3A, %ne3A_15 : i1
    %sub3A = arith.constant 1 : i32
    %sub3A_16 = arith.subi %div3A, %sub3A : i32
    %select_n3A = arith.select %and3A, %sub3A_16, %div3A : i32
    %jit3A_17 = arith.constant 4 : i32
    %eq3A = arith.constant 0 : i32
    %eq3A_18 = arith.cmpi eq, %jit3A_17, %eq3A : i32
    %jit3A_19 = arith.constant 1 : i32
    %select_n3A_20 = arith.select %eq3A_18, %jit3A_19, %jit3A_17 : i32
    %rem3A_21 = arith.remsi %add3A, %select_n3A_20 : i32
    %ne3A_22 = arith.constant 0 : i32
    %ne3A_23 = arith.cmpi ne, %rem3A_21, %ne3A_22 : i32
    %lt3A = arith.constant 0 : i32
    %lt3A_24 = arith.cmpi slt, %rem3A_21, %lt3A : i32
    %lt3A_25 = arith.constant 0 : i32
    %lt3A_26 = arith.cmpi slt, %select_n3A_20, %lt3A_25 : i32
    %ne3A_27 = arith.xori %lt3A_24, %lt3A_26 : i1
    %and3A_28 = arith.andi %ne3A_27, %ne3A_23 : i1
    %add3A_29 = arith.addi %rem3A_21, %select_n3A_20 : i32
    %select_n3A_30 = arith.select %and3A_28, %add3A_29, %rem3A_21 : i32
    %mul3A_31 = arith.constant 16 : i32
    %mul3A_32 = arith.muli %select_n3A_30, %mul3A_31 : i32
    %mul3A_33 = arith.constant 512 : i32
    %mul3A_34 = arith.muli %select_n3A, %mul3A_33 : i32
    "tpu.region"() ({
      %run_scoped3A = tpu.sem_alloc : memref<!tpu.dma_semaphore, #tpu.memory_space<semaphore_mem>>
      %dma_start3A = tpu.memref_slice %arg2[%mul3A_34] : memref<4096xf32, #tpu.memory_space<hbm>> -> memref<512xf32, #tpu.memory_space<hbm>>
      %dma_start3A_80 = tpu.memref_slice %arg2[%mul3A_34] : memref<4096xf32, #tpu.memory_space<hbm>> -> memref<512xf32, #tpu.memory_space<hbm>>
      tpu.enqueue_dma source(%dma_start3A_80 : memref<512xf32, #tpu.memory_space<hbm>>) target(%arg6 : memref<512xf32, #tpu.memory_space<vmem>>) target_semaphore(%run_scoped3A : memref<!tpu.dma_semaphore, #tpu.memory_space<semaphore_mem>>)
      %dma_wait3A_81 = tpu.memref_slice %arg2[%mul3A_34] : memref<4096xf32, #tpu.memory_space<hbm>> -> memref<512xf32, #tpu.memory_space<hbm>>
      %dma_wait3A_82 = tpu.memref_slice %arg2[%mul3A_34] : memref<4096xf32, #tpu.memory_space<hbm>> -> memref<512xf32, #tpu.memory_space<hbm>>
      tpu.wait_dma2 semaphore(%run_scoped3A : memref<!tpu.dma_semaphore, #tpu.memory_space<semaphore_mem>>) src(%dma_wait3A_82 : memref<512xf32, #tpu.memory_space<hbm>>) dst(%arg6 : memref<512xf32, #tpu.memory_space<vmem>>)
      tpu.yield
    }) : () -> ()
    %mul3A_35 = arith.constant 512 : i32
    %mul3A_36 = arith.muli %select_n3A, %mul3A_35 : i32
    "tpu.region"() ({
      %run_scoped3A = tpu.sem_alloc : memref<!tpu.dma_semaphore, #tpu.memory_space<semaphore_mem>>
      %dma_start3A = tpu.memref_slice %arg3[%mul3A_36] : memref<4096xf32, #tpu.memory_space<hbm>> -> memref<512xf32, #tpu.memory_space<hbm>>
      %dma_start3A_80 = tpu.memref_slice %arg3[%mul3A_36] : memref<4096xf32, #tpu.memory_space<hbm>> -> memref<512xf32, #tpu.memory_space<hbm>>
      tpu.enqueue_dma source(%dma_start3A_80 : memref<512xf32, #tpu.memory_space<hbm>>) target(%arg7 : memref<512xf32, #tpu.memory_space<vmem>>) target_semaphore(%run_scoped3A : memref<!tpu.dma_semaphore, #tpu.memory_space<semaphore_mem>>)
      %dma_wait3A_81 = tpu.memref_slice %arg3[%mul3A_36] : memref<4096xf32, #tpu.memory_space<hbm>> -> memref<512xf32, #tpu.memory_space<hbm>>
      %dma_wait3A_82 = tpu.memref_slice %arg3[%mul3A_36] : memref<4096xf32, #tpu.memory_space<hbm>> -> memref<512xf32, #tpu.memory_space<hbm>>
      tpu.wait_dma2 semaphore(%run_scoped3A : memref<!tpu.dma_semaphore, #tpu.memory_space<semaphore_mem>>) src(%dma_wait3A_82 : memref<512xf32, #tpu.memory_space<hbm>>) dst(%arg7 : memref<512xf32, #tpu.memory_space<vmem>>)
      tpu.yield
    }) : () -> ()
    "tpu.region"() ({
      %run_scoped3A = tpu.sem_alloc : memref<!tpu.dma_semaphore, #tpu.memory_space<semaphore_mem>>
      tpu.enqueue_dma source(%arg4 : memref<16xf32, #tpu.memory_space<hbm>>) target(%arg8 : memref<16xf32, #tpu.memory_space<vmem>>) target_semaphore(%run_scoped3A : memref<!tpu.dma_semaphore, #tpu.memory_space<semaphore_mem>>)
      tpu.wait_dma2 semaphore(%run_scoped3A : memref<!tpu.dma_semaphore, #tpu.memory_space<semaphore_mem>>) src(%arg4 : memref<16xf32, #tpu.memory_space<hbm>>) dst(%arg8 : memref<16xf32, #tpu.memory_space<vmem>>)
      tpu.yield
    }) : () -> ()
    %get3A = arith.constant 0 : index
    %get3A_37 = tpu.vector_load %arg8[%get3A] {strides = array<i32>} : memref<16xf32, #tpu.memory_space<vmem>>, vector<16xf32>,
    %get3A_38 = vector.shape_cast %get3A_37 : vector<16xf32> to vector<16xf32>
    %mul3A_39 = arith.constant 2.000000e+00 : f32
    %mul3A_40 = vector.broadcast %mul3A_39 : f32 to vector<16xf32>
    %mul3A_41 = arith.mulf %mul3A_40, %get3A_38 : vector<16xf32>
    %mul3A_42 = arith.mulf %mul3A_41, %get3A_38 : vector<16xf32>
    %div3A_43 = arith.constant 1.000000e+00 : f32
    %div3A_44 = vector.broadcast %div3A_43 : f32 to vector<16xf32>
    %div3A_45 = arith.divf %div3A_44, %mul3A_42 : vector<16xf32>
    %mul3A_46 = arith.constant 6.28318548 : f32
    %mul3A_47 = vector.broadcast %mul3A_46 : f32 to vector<16xf32>
    %mul3A_48 = arith.mulf %mul3A_47, %get3A_38 : vector<16xf32>
    %mul3A_49 = arith.mulf %mul3A_48, %get3A_38 : vector<16xf32>
    %div3A_50 = arith.constant 1.000000e+00 : f32
    %div3A_51 = vector.broadcast %div3A_50 : f32 to vector<16xf32>
    %div3A_52 = arith.divf %div3A_51, %mul3A_49 : vector<16xf32>
    %scan3A = arith.constant 0 : i32
    %scan3A_53 = arith.constant 0 : i32
    %scan3A_54 = arith.constant 64 : i32
    %scan3A_55 = arith.addi %scan3A_53, %scan3A_54 : i32
    %scan3A_56 = arith.constant 1 : i32
    %scan3A_57 = scf.for %scan3A_80 = %scan3A_53 to %scan3A_55 step %scan3A_56 iter_args(%scan3A_81 = %scan3A) -> (i32)  : i32 {
      %convert_element_type3A = arith.sitofp %scan3A_80 : i32 to f32
      %mul3A_82 = arith.constant 1.562500e-02 : f32
      %mul3A_83 = arith.mulf %convert_element_type3A, %mul3A_82 : f32
      %broadcast_in_dim3A = vector.broadcast %mul3A_83 : f32 to vector<16xf32>
      %get3A_84 = arith.constant 0 : index
      %get3A_85 = tpu.vector_load %arg6[%get3A_84] {strides = array<i32>} : memref<512xf32, #tpu.memory_space<vmem>>, vector<16xf32>,
      %get3A_86 = vector.shape_cast %get3A_85 : vector<16xf32> to vector<16xf32>
      %sub3A_87 = arith.subf %get3A_86, %broadcast_in_dim3A : vector<16xf32>
      %sub3A_88 = arith.subf %get3A_86, %broadcast_in_dim3A : vector<16xf32>
      %mul3A_89 = arith.mulf %sub3A_87, %sub3A_88 : vector<16xf32>
      %neg3A = arith.constant 0.000000e+00 : f32
      %neg3A_90 = vector.broadcast %neg3A : f32 to vector<16xf32>
      %neg3A_91 = arith.subf %neg3A_90, %mul3A_89 : vector<16xf32>
      %mul3A_92 = arith.mulf %neg3A_91, %div3A_45 : vector<16xf32>
      %exp3A = math.exp %mul3A_92 : vector<16xf32>
      %mul3A_93 = arith.mulf %exp3A, %div3A_52 : vector<16xf32>
      %mul3A_94 = arith.constant 512 : i32
      %mul3A_95 = arith.muli %scan3A_80, %mul3A_94 : i32
      %add3A_96 = arith.constant 0 : i32
      %add3A_97 = arith.addi %mul3A_95, %add3A_96 : i32
      %swap3A = arith.index_cast %add3A_97 : i32 to index
      %swap3A_98 = tpu.vector_load %arg9[%swap3A] {strides = array<i32>} : memref<32768xf32, #tpu.memory_space<vmem>>, vector<16xf32>,
      %swap3A_99 = vector.shape_cast %swap3A_98 : vector<16xf32> to vector<16xf32>
      %swap3A_100 = vector.shape_cast %mul3A_93 : vector<16xf32> to vector<16xf32>
      tpu.vector_store %arg9[%swap3A], %swap3A_100 {strides = array<i32>} : memref<32768xf32, #tpu.memory_space<vmem>>, vector<16xf32>,
      %get3A_101 = arith.constant 16 : index
      %get3A_102 = tpu.vector_load %arg6[%get3A_101] {strides = array<i32>} : memref<512xf32, #tpu.memory_space<vmem>>, vector<16xf32>,
      %get3A_103 = vector.shape_cast %get3A_102 : vector<16xf32> to vector<16xf32>
      %sub3A_104 = arith.subf %get3A_103, %broadcast_in_dim3A : vector<16xf32>
      %sub3A_105 = arith.subf %get3A_103, %broadcast_in_dim3A : vector<16xf32>
      %mul3A_106 = arith.mulf %sub3A_104, %sub3A_105 : vector<16xf32>
      %neg3A_107 = arith.constant 0.000000e+00 : f32
      %neg3A_108 = vector.broadcast %neg3A_107 : f32 to vector<16xf32>
      %neg3A_109 = arith.subf %neg3A_108, %mul3A_106 : vector<16xf32>
      %mul3A_110 = arith.mulf %neg3A_109, %div3A_45 : vector<16xf32>
      %exp3A_111 = math.exp %mul3A_110 : vector<16xf32>
      %mul3A_112 = arith.mulf %exp3A_111, %div3A_52 : vector<16xf32>
      %mul3A_113 = arith.constant 512 : i32
      %mul3A_114 = arith.muli %scan3A_80, %mul3A_113 : i32
      %add3A_115 = arith.constant 16 : i32
      %add3A_116 = arith.addi %mul3A_114, %add3A_115 : i32
      %swap3A_117 = arith.index_cast %add3A_116 : i32 to index
      %swap3A_118 = tpu.vector_load %arg9[%swap3A_117] {strides = array<i32>} : memref<32768xf32, #tpu.memory_space<vmem>>, vector<16xf32>,
      %swap3A_119 = vector.shape_cast %swap3A_118 : vector<16xf32> to vector<16xf32>
      %swap3A_120 = vector.shape_cast %mul3A_112 : vector<16xf32> to vector<16xf32>
      tpu.vector_store %arg9[%swap3A_117], %swap3A_120 {strides = array<i32>} : memref<32768xf32, #tpu.memory_space<vmem>>, vector<16xf32>,
      %get3A_121 = arith.constant 32 : index
      %get3A_122 = tpu.vector_load %arg6[%get3A_121] {strides = array<i32>} : memref<512xf32, #tpu.memory_space<vmem>>, vector<16xf32>,
      %get3A_123 = vector.shape_cast %get3A_122 : vector<16xf32> to vector<16xf32>
      %sub3A_124 = arith.subf %get3A_123, %broadcast_in_dim3A : vector<16xf32>
      %sub3A_125 = arith.subf %get3A_123, %broadcast_in_dim3A : vector<16xf32>
      %mul3A_126 = arith.mulf %sub3A_124, %sub3A_125 : vector<16xf32>
      %neg3A_127 = arith.constant 0.000000e+00 : f32
      %neg3A_128 = vector.broadcast %neg3A_127 : f32 to vector<16xf32>
      %neg3A_129 = arith.subf %neg3A_128, %mul3A_126 : vector<16xf32>
      %mul3A_130 = arith.mulf %neg3A_129, %div3A_45 : vector<16xf32>
      %exp3A_131 = math.exp %mul3A_130 : vector<16xf32>
      %mul3A_132 = arith.mulf %exp3A_131, %div3A_52 : vector<16xf32>
      %mul3A_133 = arith.constant 512 : i32
      %mul3A_134 = arith.muli %scan3A_80, %mul3A_133 : i32
      %add3A_135 = arith.constant 32 : i32
      %add3A_136 = arith.addi %mul3A_134, %add3A_135 : i32
      %swap3A_137 = arith.index_cast %add3A_136 : i32 to index
      %swap3A_138 = tpu.vector_load %arg9[%swap3A_137] {strides = array<i32>} : memref<32768xf32, #tpu.memory_space<vmem>>, vector<16xf32>,
      %swap3A_139 = vector.shape_cast %swap3A_138 : vector<16xf32> to vector<16xf32>
      %swap3A_140 = vector.shape_cast %mul3A_132 : vector<16xf32> to vector<16xf32>
      tpu.vector_store %arg9[%swap3A_137], %swap3A_140 {strides = array<i32>} : memref<32768xf32, #tpu.memory_space<vmem>>, vector<16xf32>,
      %get3A_141 = arith.constant 48 : index
      %get3A_142 = tpu.vector_load %arg6[%get3A_141] {strides = array<i32>} : memref<512xf32, #tpu.memory_space<vmem>>, vector<16xf32>,
      %get3A_143 = vector.shape_cast %get3A_142 : vector<16xf32> to vector<16xf32>
      %sub3A_144 = arith.subf %get3A_143, %broadcast_in_dim3A : vector<16xf32>
      %sub3A_145 = arith.subf %get3A_143, %broadcast_in_dim3A : vector<16xf32>
      %mul3A_146 = arith.mulf %sub3A_144, %sub3A_145 : vector<16xf32>
      %neg3A_147 = arith.constant 0.000000e+00 : f32
      %neg3A_148 = vector.broadcast %neg3A_147 : f32 to vector<16xf32>
      %neg3A_149 = arith.subf %neg3A_148, %mul3A_146 : vector<16xf32>
      %mul3A_150 = arith.mulf %neg3A_149, %div3A_45 : vector<16xf32>
      %exp3A_151 = math.exp %mul3A_150 : vector<16xf32>
      %mul3A_152 = arith.mulf %exp3A_151, %div3A_52 : vector<16xf32>
      %mul3A_153 = arith.constant 512 : i32
      %mul3A_154 = arith.muli %scan3A_80, %mul3A_153 : i32
      %add3A_155 = arith.constant 48 : i32
      %add3A_156 = arith.addi %mul3A_154, %add3A_155 : i32
      %swap3A_157 = arith.index_cast %add3A_156 : i32 to index
      %swap3A_158 = tpu.vector_load %arg9[%swap3A_157] {strides = array<i32>} : memref<32768xf32, #tpu.memory_space<vmem>>, vector<16xf32>,
      %swap3A_159 = vector.shape_cast %swap3A_158 : vector<16xf32> to vector<16xf32>
      %swap3A_160 = vector.shape_cast %mul3A_152 : vector<16xf32> to vector<16xf32>
      tpu.vector_store %arg9[%swap3A_157], %swap3A_160 {strides = array<i32>} : memref<32768xf32, #tpu.memory_space<vmem>>, vector<16xf32>,
      %get3A_161 = arith.constant 64 : index
      %get3A_162 = tpu.vector_load %arg6[%get3A_161] {strides = array<i32>} : memref<512xf32, #tpu.memory_space<vmem>>, vector<16xf32>,
      %get3A_163 = vector.shape_cast %get3A_162 : vector<16xf32> to vector<16xf32>
      %sub3A_164 = arith.subf %get3A_163, %broadcast_in_dim3A : vector<16xf32>
      %sub3A_165 = arith.subf %get3A_163, %broadcast_in_dim3A : vector<16xf32>
      %mul3A_166 = arith.mulf %sub3A_164, %sub3A_165 : vector<16xf32>
      %neg3A_167 = arith.constant 0.000000e+00 : f32
      %neg3A_168 = vector.broadcast %neg3A_167 : f32 to vector<16xf32>
      %neg3A_169 = arith.subf %neg3A_168, %mul3A_166 : vector<16xf32>
      %mul3A_170 = arith.mulf %neg3A_169, %div3A_45 : vector<16xf32>
      %exp3A_171 = math.exp %mul3A_170 : vector<16xf32>
      %mul3A_172 = arith.mulf %exp3A_171, %div3A_52 : vector<16xf32>
      %mul3A_173 = arith.constant 512 : i32
      %mul3A_174 = arith.muli %scan3A_80, %mul3A_173 : i32
      %add3A_175 = arith.constant 64 : i32
      %add3A_176 = arith.addi %mul3A_174, %add3A_175 : i32
      %swap3A_177 = arith.index_cast %add3A_176 : i32 to index
      %swap3A_178 = tpu.vector_load %arg9[%swap3A_177] {strides = array<i32>} : memref<32768xf32, #tpu.memory_space<vmem>>, vector<16xf32>,
      %swap3A_179 = vector.shape_cast %swap3A_178 : vector<16xf32> to vector<16xf32>
      %swap3A_180 = vector.shape_cast %mul3A_172 : vector<16xf32> to vector<16xf32>
      tpu.vector_store %arg9[%swap3A_177], %swap3A_180 {strides = array<i32>} : memref<32768xf32, #tpu.memory_space<vmem>>, vector<16xf32>,
      %get3A_181 = arith.constant 80 : index
      %get3A_182 = tpu.vector_load %arg6[%get3A_181] {strides = array<i32>} : memref<512xf32, #tpu.memory_space<vmem>>, vector<16xf32>,
      %get3A_183 = vector.shape_cast %get3A_182 : vector<16xf32> to vector<16xf32>
      %sub3A_184 = arith.subf %get3A_183, %broadcast_in_dim3A : vector<16xf32>
      %sub3A_185 = arith.subf %get3A_183, %broadcast_in_dim3A : vector<16xf32>
      %mul3A_186 = arith.mulf %sub3A_184, %sub3A_185 : vector<16xf32>
      %neg3A_187 = arith.constant 0.000000e+00 : f32
      %neg3A_188 = vector.broadcast %neg3A_187 : f32 to vector<16xf32>
      %neg3A_189 = arith.subf %neg3A_188, %mul3A_186 : vector<16xf32>
      %mul3A_190 = arith.mulf %neg3A_189, %div3A_45 : vector<16xf32>
      %exp3A_191 = math.exp %mul3A_190 : vector<16xf32>
      %mul3A_192 = arith.mulf %exp3A_191, %div3A_52 : vector<16xf32>
      %mul3A_193 = arith.constant 512 : i32
      %mul3A_194 = arith.muli %scan3A_80, %mul3A_193 : i32
      %add3A_195 = arith.constant 80 : i32
      %add3A_196 = arith.addi %mul3A_194, %add3A_195 : i32
      %swap3A_197 = arith.index_cast %add3A_196 : i32 to index
      %swap3A_198 = tpu.vector_load %arg9[%swap3A_197] {strides = array<i32>} : memref<32768xf32, #tpu.memory_space<vmem>>, vector<16xf32>,
      %swap3A_199 = vector.shape_cast %swap3A_198 : vector<16xf32> to vector<16xf32>
      %swap3A_200 = vector.shape_cast %mul3A_192 : vector<16xf32> to vector<16xf32>
      tpu.vector_store %arg9[%swap3A_197], %swap3A_200 {strides = array<i32>} : memref<32768xf32, #tpu.memory_space<vmem>>, vector<16xf32>,
      %get3A_201 = arith.constant 96 : index
      %get3A_202 = tpu.vector_load %arg6[%get3A_201] {strides = array<i32>} : memref<512xf32, #tpu.memory_space<vmem>>, vector<16xf32>,
      %get3A_203 = vector.shape_cast %get3A_202 : vector<16xf32> to vector<16xf32>
      %sub3A_204 = arith.subf %get3A_203, %broadcast_in_dim3A : vector<16xf32>
      %sub3A_205 = arith.subf %get3A_203, %broadcast_in_dim3A : vector<16xf32>
      %mul3A_206 = arith.mulf %sub3A_204, %sub3A_205 : vector<16xf32>
      %neg3A_207 = arith.constant 0.000000e+00 : f32
      %neg3A_208 = vector.broadcast %neg3A_207 : f32 to vector<16xf32>
      %neg3A_209 = arith.subf %neg3A_208, %mul3A_206 : vector<16xf32>
      %mul3A_210 = arith.mulf %neg3A_209, %div3A_45 : vector<16xf32>
      %exp3A_211 = math.exp %mul3A_210 : vector<16xf32>
      %mul3A_212 = arith.mulf %exp3A_211, %div3A_52 : vector<16xf32>
      %mul3A_213 = arith.constant 512 : i32
      %mul3A_214 = arith.muli %scan3A_80, %mul3A_213 : i32
      %add3A_215 = arith.constant 96 : i32
      %add3A_216 = arith.addi %mul3A_214, %add3A_215 : i32
      %swap3A_217 = arith.index_cast %add3A_216 : i32 to index
      %swap3A_218 = tpu.vector_load %arg9[%swap3A_217] {strides = array<i32>} : memref<32768xf32, #tpu.memory_space<vmem>>, vector<16xf32>,
      %swap3A_219 = vector.shape_cast %swap3A_218 : vector<16xf32> to vector<16xf32>
      %swap3A_220 = vector.shape_cast %mul3A_212 : vector<16xf32> to vector<16xf32>
      tpu.vector_store %arg9[%swap3A_217], %swap3A_220 {strides = array<i32>} : memref<32768xf32, #tpu.memory_space<vmem>>, vector<16xf32>,
      %get3A_221 = arith.constant 112 : index
      %get3A_222 = tpu.vector_load %arg6[%get3A_221] {strides = array<i32>} : memref<512xf32, #tpu.memory_space<vmem>>, vector<16xf32>,
      %get3A_223 = vector.shape_cast %get3A_222 : vector<16xf32> to vector<16xf32>
      %sub3A_224 = arith.subf %get3A_223, %broadcast_in_dim3A : vector<16xf32>
      %sub3A_225 = arith.subf %get3A_223, %broadcast_in_dim3A : vector<16xf32>
      %mul3A_226 = arith.mulf %sub3A_224, %sub3A_225 : vector<16xf32>
      %neg3A_227 = arith.constant 0.000000e+00 : f32
      %neg3A_228 = vector.broadcast %neg3A_227 : f32 to vector<16xf32>
      %neg3A_229 = arith.subf %neg3A_228, %mul3A_226 : vector<16xf32>
      %mul3A_230 = arith.mulf %neg3A_229, %div3A_45 : vector<16xf32>
      %exp3A_231 = math.exp %mul3A_230 : vector<16xf32>
      %mul3A_232 = arith.mulf %exp3A_231, %div3A_52 : vector<16xf32>
      %mul3A_233 = arith.constant 512 : i32
      %mul3A_234 = arith.muli %scan3A_80, %mul3A_233 : i32
      %add3A_235 = arith.constant 112 : i32
      %add3A_236 = arith.addi %mul3A_234, %add3A_235 : i32
      %swap3A_237 = arith.index_cast %add3A_236 : i32 to index
      %swap3A_238 = tpu.vector_load %arg9[%swap3A_237] {strides = array<i32>} : memref<32768xf32, #tpu.memory_space<vmem>>, vector<16xf32>,
      %swap3A_239 = vector.shape_cast %swap3A_238 : vector<16xf32> to vector<16xf32>
      %swap3A_240 = vector.shape_cast %mul3A_232 : vector<16xf32> to vector<16xf32>
      tpu.vector_store %arg9[%swap3A_237], %swap3A_240 {strides = array<i32>} : memref<32768xf32, #tpu.memory_space<vmem>>, vector<16xf32>,
      %get3A_241 = arith.constant 128 : index
      %get3A_242 = tpu.vector_load %arg6[%get3A_241] {strides = array<i32>} : memref<512xf32, #tpu.memory_space<vmem>>, vector<16xf32>,
      %get3A_243 = vector.shape_cast %get3A_242 : vector<16xf32> to vector<16xf32>
      %sub3A_244 = arith.subf %get3A_243, %broadcast_in_dim3A : vector<16xf32>
      %sub3A_245 = arith.subf %get3A_243, %broadcast_in_dim3A : vector<16xf32>
      %mul3A_246 = arith.mulf %sub3A_244, %sub3A_245 : vector<16xf32>
      %neg3A_247 = arith.constant 0.000000e+00 : f32
      %neg3A_248 = vector.broadcast %neg3A_247 : f32 to vector<16xf32>
      %neg3A_249 = arith.subf %neg3A_248, %mul3A_246 : vector<16xf32>
      %mul3A_250 = arith.mulf %neg3A_249, %div3A_45 : vector<16xf32>
      %exp3A_251 = math.exp %mul3A_250 : vector<16xf32>
      %mul3A_252 = arith.mulf %exp3A_251, %div3A_52 : vector<16xf32>
      %mul3A_253 = arith.constant 512 : i32
      %mul3A_254 = arith.muli %scan3A_80, %mul3A_253 : i32
      %add3A_255 = arith.constant 128 : i32
      %add3A_256 = arith.addi %mul3A_254, %add3A_255 : i32
      %swap3A_257 = arith.index_cast %add3A_256 : i32 to index
      %swap3A_258 = tpu.vector_load %arg9[%swap3A_257] {strides = array<i32>} : memref<32768xf32, #tpu.memory_space<vmem>>, vector<16xf32>,
      %swap3A_259 = vector.shape_cast %swap3A_258 : vector<16xf32> to vector<16xf32>
      %swap3A_260 = vector.shape_cast %mul3A_252 : vector<16xf32> to vector<16xf32>
      tpu.vector_store %arg9[%swap3A_257], %swap3A_260 {strides = array<i32>} : memref<32768xf32, #tpu.memory_space<vmem>>, vector<16xf32>,
      %get3A_261 = arith.constant 144 : index
      %get3A_262 = tpu.vector_load %arg6[%get3A_261] {strides = array<i32>} : memref<512xf32, #tpu.memory_space<vmem>>, vector<16xf32>,
      %get3A_263 = vector.shape_cast %get3A_262 : vector<16xf32> to vector<16xf32>
      %sub3A_264 = arith.subf %get3A_263, %broadcast_in_dim3A : vector<16xf32>
      %sub3A_265 = arith.subf %get3A_263, %broadcast_in_dim3A : vector<16xf32>
      %mul3A_266 = arith.mulf %sub3A_264, %sub3A_265 : vector<16xf32>
      %neg3A_267 = arith.constant 0.000000e+00 : f32
      %neg3A_268 = vector.broadcast %neg3A_267 : f32 to vector<16xf32>
      %neg3A_269 = arith.subf %neg3A_268, %mul3A_266 : vector<16xf32>
      %mul3A_270 = arith.mulf %neg3A_269, %div3A_45 : vector<16xf32>
      %exp3A_271 = math.exp %mul3A_270 : vector<16xf32>
      %mul3A_272 = arith.mulf %exp3A_271, %div3A_52 : vector<16xf32>
      %mul3A_273 = arith.constant 512 : i32
      %mul3A_274 = arith.muli %scan3A_80, %mul3A_273 : i32
      %add3A_275 = arith.constant 144 : i32
      %add3A_276 = arith.addi %mul3A_274, %add3A_275 : i32
      %swap3A_277 = arith.index_cast %add3A_276 : i32 to index
      %swap3A_278 = tpu.vector_load %arg9[%swap3A_277] {strides = array<i32>} : memref<32768xf32, #tpu.memory_space<vmem>>, vector<16xf32>,
      %swap3A_279 = vector.shape_cast %swap3A_278 : vector<16xf32> to vector<16xf32>
      %swap3A_280 = vector.shape_cast %mul3A_272 : vector<16xf32> to vector<16xf32>
      tpu.vector_store %arg9[%swap3A_277], %swap3A_280 {strides = array<i32>} : memref<32768xf32, #tpu.memory_space<vmem>>, vector<16xf32>,
      %get3A_281 = arith.constant 160 : index
      %get3A_282 = tpu.vector_load %arg6[%get3A_281] {strides = array<i32>} : memref<512xf32, #tpu.memory_space<vmem>>, vector<16xf32>,
      %get3A_283 = vector.shape_cast %get3A_282 : vector<16xf32> to vector<16xf32>
      %sub3A_284 = arith.subf %get3A_283, %broadcast_in_dim3A : vector<16xf32>
      %sub3A_285 = arith.subf %get3A_283, %broadcast_in_dim3A : vector<16xf32>
      %mul3A_286 = arith.mulf %sub3A_284, %sub3A_285 : vector<16xf32>
      %neg3A_287 = arith.constant 0.000000e+00 : f32
      %neg3A_288 = vector.broadcast %neg3A_287 : f32 to vector<16xf32>
      %neg3A_289 = arith.subf %neg3A_288, %mul3A_286 : vector<16xf32>
      %mul3A_290 = arith.mulf %neg3A_289, %div3A_45 : vector<16xf32>
      %exp3A_291 = math.exp %mul3A_290 : vector<16xf32>
      %mul3A_292 = arith.mulf %exp3A_291, %div3A_52 : vector<16xf32>
      %mul3A_293 = arith.constant 512 : i32
      %mul3A_294 = arith.muli %scan3A_80, %mul3A_293 : i32
      %add3A_295 = arith.constant 160 : i32
      %add3A_296 = arith.addi %mul3A_294, %add3A_295 : i32
      %swap3A_297 = arith.index_cast %add3A_296 : i32 to index
      %swap3A_298 = tpu.vector_load %arg9[%swap3A_297] {strides = array<i32>} : memref<32768xf32, #tpu.memory_space<vmem>>, vector<16xf32>,
      %swap3A_299 = vector.shape_cast %swap3A_298 : vector<16xf32> to vector<16xf32>
      %swap3A_300 = vector.shape_cast %mul3A_292 : vector<16xf32> to vector<16xf32>
      tpu.vector_store %arg9[%swap3A_297], %swap3A_300 {strides = array<i32>} : memref<32768xf32, #tpu.memory_space<vmem>>, vector<16xf32>,
      %get3A_301 = arith.constant 176 : index
      %get3A_302 = tpu.vector_load %arg6[%get3A_301] {strides = array<i32>} : memref<512xf32, #tpu.memory_space<vmem>>, vector<16xf32>,
      %get3A_303 = vector.shape_cast %get3A_302 : vector<16xf32> to vector<16xf32>
      %sub3A_304 = arith.subf %get3A_303, %broadcast_in_dim3A : vector<16xf32>
      %sub3A_305 = arith.subf %get3A_303, %broadcast_in_dim3A : vector<16xf32>
      %mul3A_306 = arith.mulf %sub3A_304, %sub3A_305 : vector<16xf32>
      %neg3A_307 = arith.constant 0.000000e+00 : f32
      %neg3A_308 = vector.broadcast %neg3A_307 : f32 to vector<16xf32>
      %neg3A_309 = arith.subf %neg3A_308, %mul3A_306 : vector<16xf32>
      %mul3A_310 = arith.mulf %neg3A_309, %div3A_45 : vector<16xf32>
      %exp3A_311 = math.exp %mul3A_310 : vector<16xf32>
      %mul3A_312 = arith.mulf %exp3A_311, %div3A_52 : vector<16xf32>
      %mul3A_313 = arith.constant 512 : i32
      %mul3A_314 = arith.muli %scan3A_80, %mul3A_313 : i32
      %add3A_315 = arith.constant 176 : i32
      %add3A_316 = arith.addi %mul3A_314, %add3A_315 : i32
      %swap3A_317 = arith.index_cast %add3A_316 : i32 to index
      %swap3A_318 = tpu.vector_load %arg9[%swap3A_317] {strides = array<i32>} : memref<32768xf32, #tpu.memory_space<vmem>>, vector<16xf32>,
      %swap3A_319 = vector.shape_cast %swap3A_318 : vector<16xf32> to vector<16xf32>
      %swap3A_320 = vector.shape_cast %mul3A_312 : vector<16xf32> to vector<16xf32>
      tpu.vector_store %arg9[%swap3A_317], %swap3A_320 {strides = array<i32>} : memref<32768xf32, #tpu.memory_space<vmem>>, vector<16xf32>,
      %get3A_321 = arith.constant 192 : index
      %get3A_322 = tpu.vector_load %arg6[%get3A_321] {strides = array<i32>} : memref<512xf32, #tpu.memory_space<vmem>>, vector<16xf32>,
      %get3A_323 = vector.shape_cast %get3A_322 : vector<16xf32> to vector<16xf32>
      %sub3A_324 = arith.subf %get3A_323, %broadcast_in_dim3A : vector<16xf32>
      %sub3A_325 = arith.subf %get3A_323, %broadcast_in_dim3A : vector<16xf32>
      %mul3A_326 = arith.mulf %sub3A_324, %sub3A_325 : vector<16xf32>
      %neg3A_327 = arith.constant 0.000000e+00 : f32
      %neg3A_328 = vector.broadcast %neg3A_327 : f32 to vector<16xf32>
      %neg3A_329 = arith.subf %neg3A_328, %mul3A_326 : vector<16xf32>
      %mul3A_330 = arith.mulf %neg3A_329, %div3A_45 : vector<16xf32>
      %exp3A_331 = math.exp %mul3A_330 : vector<16xf32>
      %mul3A_332 = arith.mulf %exp3A_331, %div3A_52 : vector<16xf32>
      %mul3A_333 = arith.constant 512 : i32
      %mul3A_334 = arith.muli %scan3A_80, %mul3A_333 : i32
      %add3A_335 = arith.constant 192 : i32
      %add3A_336 = arith.addi %mul3A_334, %add3A_335 : i32
      %swap3A_337 = arith.index_cast %add3A_336 : i32 to index
      %swap3A_338 = tpu.vector_load %arg9[%swap3A_337] {strides = array<i32>} : memref<32768xf32, #tpu.memory_space<vmem>>, vector<16xf32>,
      %swap3A_339 = vector.shape_cast %swap3A_338 : vector<16xf32> to vector<16xf32>
      %swap3A_340 = vector.shape_cast %mul3A_332 : vector<16xf32> to vector<16xf32>
      tpu.vector_store %arg9[%swap3A_337], %swap3A_340 {strides = array<i32>} : memref<32768xf32, #tpu.memory_space<vmem>>, vector<16xf32>,
      %get3A_341 = arith.constant 208 : index
      %get3A_342 = tpu.vector_load %arg6[%get3A_341] {strides = array<i32>} : memref<512xf32, #tpu.memory_space<vmem>>, vector<16xf32>,
      %get3A_343 = vector.shape_cast %get3A_342 : vector<16xf32> to vector<16xf32>
      %sub3A_344 = arith.subf %get3A_343, %broadcast_in_dim3A : vector<16xf32>
      %sub3A_345 = arith.subf %get3A_343, %broadcast_in_dim3A : vector<16xf32>
      %mul3A_346 = arith.mulf %sub3A_344, %sub3A_345 : vector<16xf32>
      %neg3A_347 = arith.constant 0.000000e+00 : f32
      %neg3A_348 = vector.broadcast %neg3A_347 : f32 to vector<16xf32>
      %neg3A_349 = arith.subf %neg3A_348, %mul3A_346 : vector<16xf32>
      %mul3A_350 = arith.mulf %neg3A_349, %div3A_45 : vector<16xf32>
      %exp3A_351 = math.exp %mul3A_350 : vector<16xf32>
      %mul3A_352 = arith.mulf %exp3A_351, %div3A_52 : vector<16xf32>
      %mul3A_353 = arith.constant 512 : i32
      %mul3A_354 = arith.muli %scan3A_80, %mul3A_353 : i32
      %add3A_355 = arith.constant 208 : i32
      %add3A_356 = arith.addi %mul3A_354, %add3A_355 : i32
      %swap3A_357 = arith.index_cast %add3A_356 : i32 to index
      %swap3A_358 = tpu.vector_load %arg9[%swap3A_357] {strides = array<i32>} : memref<32768xf32, #tpu.memory_space<vmem>>, vector<16xf32>,
      %swap3A_359 = vector.shape_cast %swap3A_358 : vector<16xf32> to vector<16xf32>
      %swap3A_360 = vector.shape_cast %mul3A_352 : vector<16xf32> to vector<16xf32>
      tpu.vector_store %arg9[%swap3A_357], %swap3A_360 {strides = array<i32>} : memref<32768xf32, #tpu.memory_space<vmem>>, vector<16xf32>,
      %get3A_361 = arith.constant 224 : index
      %get3A_362 = tpu.vector_load %arg6[%get3A_361] {strides = array<i32>} : memref<512xf32, #tpu.memory_space<vmem>>, vector<16xf32>,
      %get3A_363 = vector.shape_cast %get3A_362 : vector<16xf32> to vector<16xf32>
      %sub3A_364 = arith.subf %get3A_363, %broadcast_in_dim3A : vector<16xf32>
      %sub3A_365 = arith.subf %get3A_363, %broadcast_in_dim3A : vector<16xf32>
      %mul3A_366 = arith.mulf %sub3A_364, %sub3A_365 : vector<16xf32>
      %neg3A_367 = arith.constant 0.000000e+00 : f32
      %neg3A_368 = vector.broadcast %neg3A_367 : f32 to vector<16xf32>
      %neg3A_369 = arith.subf %neg3A_368, %mul3A_366 : vector<16xf32>
      %mul3A_370 = arith.mulf %neg3A_369, %div3A_45 : vector<16xf32>
      %exp3A_371 = math.exp %mul3A_370 : vector<16xf32>
      %mul3A_372 = arith.mulf %exp3A_371, %div3A_52 : vector<16xf32>
      %mul3A_373 = arith.constant 512 : i32
      %mul3A_374 = arith.muli %scan3A_80, %mul3A_373 : i32
      %add3A_375 = arith.constant 224 : i32
      %add3A_376 = arith.addi %mul3A_374, %add3A_375 : i32
      %swap3A_377 = arith.index_cast %add3A_376 : i32 to index
      %swap3A_378 = tpu.vector_load %arg9[%swap3A_377] {strides = array<i32>} : memref<32768xf32, #tpu.memory_space<vmem>>, vector<16xf32>,
      %swap3A_379 = vector.shape_cast %swap3A_378 : vector<16xf32> to vector<16xf32>
      %swap3A_380 = vector.shape_cast %mul3A_372 : vector<16xf32> to vector<16xf32>
      tpu.vector_store %arg9[%swap3A_377], %swap3A_380 {strides = array<i32>} : memref<32768xf32, #tpu.memory_space<vmem>>, vector<16xf32>,
      %get3A_381 = arith.constant 240 : index
      %get3A_382 = tpu.vector_load %arg6[%get3A_381] {strides = array<i32>} : memref<512xf32, #tpu.memory_space<vmem>>, vector<16xf32>,
      %get3A_383 = vector.shape_cast %get3A_382 : vector<16xf32> to vector<16xf32>
      %sub3A_384 = arith.subf %get3A_383, %broadcast_in_dim3A : vector<16xf32>
      %sub3A_385 = arith.subf %get3A_383, %broadcast_in_dim3A : vector<16xf32>
      %mul3A_386 = arith.mulf %sub3A_384, %sub3A_385 : vector<16xf32>
      %neg3A_387 = arith.constant 0.000000e+00 : f32
      %neg3A_388 = vector.broadcast %neg3A_387 : f32 to vector<16xf32>
      %neg3A_389 = arith.subf %neg3A_388, %mul3A_386 : vector<16xf32>
      %mul3A_390 = arith.mulf %neg3A_389, %div3A_45 : vector<16xf32>
      %exp3A_391 = math.exp %mul3A_390 : vector<16xf32>
      %mul3A_392 = arith.mulf %exp3A_391, %div3A_52 : vector<16xf32>
      %mul3A_393 = arith.constant 512 : i32
      %mul3A_394 = arith.muli %scan3A_80, %mul3A_393 : i32
      %add3A_395 = arith.constant 240 : i32
      %add3A_396 = arith.addi %mul3A_394, %add3A_395 : i32
      %swap3A_397 = arith.index_cast %add3A_396 : i32 to index
      %swap3A_398 = tpu.vector_load %arg9[%swap3A_397] {strides = array<i32>} : memref<32768xf32, #tpu.memory_space<vmem>>, vector<16xf32>,
      %swap3A_399 = vector.shape_cast %swap3A_398 : vector<16xf32> to vector<16xf32>
      %swap3A_400 = vector.shape_cast %mul3A_392 : vector<16xf32> to vector<16xf32>
      tpu.vector_store %arg9[%swap3A_397], %swap3A_400 {strides = array<i32>} : memref<32768xf32, #tpu.memory_space<vmem>>, vector<16xf32>,
      %get3A_401 = arith.constant 256 : index
      %get3A_402 = tpu.vector_load %arg6[%get3A_401] {strides = array<i32>} : memref<512xf32, #tpu.memory_space<vmem>>, vector<16xf32>,
      %get3A_403 = vector.shape_cast %get3A_402 : vector<16xf32> to vector<16xf32>
      %sub3A_404 = arith.subf %get3A_403, %broadcast_in_dim3A : vector<16xf32>
      %sub3A_405 = arith.subf %get3A_403, %broadcast_in_dim3A : vector<16xf32>
      %mul3A_406 = arith.mulf %sub3A_404, %sub3A_405 : vector<16xf32>
      %neg3A_407 = arith.constant 0.000000e+00 : f32
      %neg3A_408 = vector.broadcast %neg3A_407 : f32 to vector<16xf32>
      %neg3A_409 = arith.subf %neg3A_408, %mul3A_406 : vector<16xf32>
      %mul3A_410 = arith.mulf %neg3A_409, %div3A_45 : vector<16xf32>
      %exp3A_411 = math.exp %mul3A_410 : vector<16xf32>
      %mul3A_412 = arith.mulf %exp3A_411, %div3A_52 : vector<16xf32>
      %mul3A_413 = arith.constant 512 : i32
      %mul3A_414 = arith.muli %scan3A_80, %mul3A_413 : i32
      %add3A_415 = arith.constant 256 : i32
      %add3A_416 = arith.addi %mul3A_414, %add3A_415 : i32
      %swap3A_417 = arith.index_cast %add3A_416 : i32 to index
      %swap3A_418 = tpu.vector_load %arg9[%swap3A_417] {strides = array<i32>} : memref<32768xf32, #tpu.memory_space<vmem>>, vector<16xf32>,
      %swap3A_419 = vector.shape_cast %swap3A_418 : vector<16xf32> to vector<16xf32>
      %swap3A_420 = vector.shape_cast %mul3A_412 : vector<16xf32> to vector<16xf32>
      tpu.vector_store %arg9[%swap3A_417], %swap3A_420 {strides = array<i32>} : memref<32768xf32, #tpu.memory_space<vmem>>, vector<16xf32>,
      %get3A_421 = arith.constant 272 : index
      %get3A_422 = tpu.vector_load %arg6[%get3A_421] {strides = array<i32>} : memref<512xf32, #tpu.memory_space<vmem>>, vector<16xf32>,
      %get3A_423 = vector.shape_cast %get3A_422 : vector<16xf32> to vector<16xf32>
      %sub3A_424 = arith.subf %get3A_423, %broadcast_in_dim3A : vector<16xf32>
      %sub3A_425 = arith.subf %get3A_423, %broadcast_in_dim3A : vector<16xf32>
      %mul3A_426 = arith.mulf %sub3A_424, %sub3A_425 : vector<16xf32>
      %neg3A_427 = arith.constant 0.000000e+00 : f32
      %neg3A_428 = vector.broadcast %neg3A_427 : f32 to vector<16xf32>
      %neg3A_429 = arith.subf %neg3A_428, %mul3A_426 : vector<16xf32>
      %mul3A_430 = arith.mulf %neg3A_429, %div3A_45 : vector<16xf32>
      %exp3A_431 = math.exp %mul3A_430 : vector<16xf32>
      %mul3A_432 = arith.mulf %exp3A_431, %div3A_52 : vector<16xf32>
      %mul3A_433 = arith.constant 512 : i32
      %mul3A_434 = arith.muli %scan3A_80, %mul3A_433 : i32
      %add3A_435 = arith.constant 272 : i32
      %add3A_436 = arith.addi %mul3A_434, %add3A_435 : i32
      %swap3A_437 = arith.index_cast %add3A_436 : i32 to index
      %swap3A_438 = tpu.vector_load %arg9[%swap3A_437] {strides = array<i32>} : memref<32768xf32, #tpu.memory_space<vmem>>, vector<16xf32>,
      %swap3A_439 = vector.shape_cast %swap3A_438 : vector<16xf32> to vector<16xf32>
      %swap3A_440 = vector.shape_cast %mul3A_432 : vector<16xf32> to vector<16xf32>
      tpu.vector_store %arg9[%swap3A_437], %swap3A_440 {strides = array<i32>} : memref<32768xf32, #tpu.memory_space<vmem>>, vector<16xf32>,
      %get3A_441 = arith.constant 288 : index
      %get3A_442 = tpu.vector_load %arg6[%get3A_441] {strides = array<i32>} : memref<512xf32, #tpu.memory_space<vmem>>, vector<16xf32>,
      %get3A_443 = vector.shape_cast %get3A_442 : vector<16xf32> to vector<16xf32>
      %sub3A_444 = arith.subf %get3A_443, %broadcast_in_dim3A : vector<16xf32>
      %sub3A_445 = arith.subf %get3A_443, %broadcast_in_dim3A : vector<16xf32>
      %mul3A_446 = arith.mulf %sub3A_444, %sub3A_445 : vector<16xf32>
      %neg3A_447 = arith.constant 0.000000e+00 : f32
      %neg3A_448 = vector.broadcast %neg3A_447 : f32 to vector<16xf32>
      %neg3A_449 = arith.subf %neg3A_448, %mul3A_446 : vector<16xf32>
      %mul3A_450 = arith.mulf %neg3A_449, %div3A_45 : vector<16xf32>
      %exp3A_451 = math.exp %mul3A_450 : vector<16xf32>
      %mul3A_452 = arith.mulf %exp3A_451, %div3A_52 : vector<16xf32>
      %mul3A_453 = arith.constant 512 : i32
      %mul3A_454 = arith.muli %scan3A_80, %mul3A_453 : i32
      %add3A_455 = arith.constant 288 : i32
      %add3A_456 = arith.addi %mul3A_454, %add3A_455 : i32
      %swap3A_457 = arith.index_cast %add3A_456 : i32 to index
      %swap3A_458 = tpu.vector_load %arg9[%swap3A_457] {strides = array<i32>} : memref<32768xf32, #tpu.memory_space<vmem>>, vector<16xf32>,
      %swap3A_459 = vector.shape_cast %swap3A_458 : vector<16xf32> to vector<16xf32>
      %swap3A_460 = vector.shape_cast %mul3A_452 : vector<16xf32> to vector<16xf32>
      tpu.vector_store %arg9[%swap3A_457], %swap3A_460 {strides = array<i32>} : memref<32768xf32, #tpu.memory_space<vmem>>, vector<16xf32>,
      %get3A_461 = arith.constant 304 : index
      %get3A_462 = tpu.vector_load %arg6[%get3A_461] {strides = array<i32>} : memref<512xf32, #tpu.memory_space<vmem>>, vector<16xf32>,
      %get3A_463 = vector.shape_cast %get3A_462 : vector<16xf32> to vector<16xf32>
      %sub3A_464 = arith.subf %get3A_463, %broadcast_in_dim3A : vector<16xf32>
      %sub3A_465 = arith.subf %get3A_463, %broadcast_in_dim3A : vector<16xf32>
      %mul3A_466 = arith.mulf %sub3A_464, %sub3A_465 : vector<16xf32>
      %neg3A_467 = arith.constant 0.000000e+00 : f32
      %neg3A_468 = vector.broadcast %neg3A_467 : f32 to vector<16xf32>
      %neg3A_469 = arith.subf %neg3A_468, %mul3A_466 : vector<16xf32>
      %mul3A_470 = arith.mulf %neg3A_469, %div3A_45 : vector<16xf32>
      %exp3A_471 = math.exp %mul3A_470 : vector<16xf32>
      %mul3A_472 = arith.mulf %exp3A_471, %div3A_52 : vector<16xf32>
      %mul3A_473 = arith.constant 512 : i32
      %mul3A_474 = arith.muli %scan3A_80, %mul3A_473 : i32
      %add3A_475 = arith.constant 304 : i32
      %add3A_476 = arith.addi %mul3A_474, %add3A_475 : i32
      %swap3A_477 = arith.index_cast %add3A_476 : i32 to index
      %swap3A_478 = tpu.vector_load %arg9[%swap3A_477] {strides = array<i32>} : memref<32768xf32, #tpu.memory_space<vmem>>, vector<16xf32>,
      %swap3A_479 = vector.shape_cast %swap3A_478 : vector<16xf32> to vector<16xf32>
      %swap3A_480 = vector.shape_cast %mul3A_472 : vector<16xf32> to vector<16xf32>
      tpu.vector_store %arg9[%swap3A_477], %swap3A_480 {strides = array<i32>} : memref<32768xf32, #tpu.memory_space<vmem>>, vector<16xf32>,
      %get3A_481 = arith.constant 320 : index
      %get3A_482 = tpu.vector_load %arg6[%get3A_481] {strides = array<i32>} : memref<512xf32, #tpu.memory_space<vmem>>, vector<16xf32>,
      %get3A_483 = vector.shape_cast %get3A_482 : vector<16xf32> to vector<16xf32>
      %sub3A_484 = arith.subf %get3A_483, %broadcast_in_dim3A : vector<16xf32>
      %sub3A_485 = arith.subf %get3A_483, %broadcast_in_dim3A : vector<16xf32>
      %mul3A_486 = arith.mulf %sub3A_484, %sub3A_485 : vector<16xf32>
      %neg3A_487 = arith.constant 0.000000e+00 : f32
      %neg3A_488 = vector.broadcast %neg3A_487 : f32 to vector<16xf32>
      %neg3A_489 = arith.subf %neg3A_488, %mul3A_486 : vector<16xf32>
      %mul3A_490 = arith.mulf %neg3A_489, %div3A_45 : vector<16xf32>
      %exp3A_491 = math.exp %mul3A_490 : vector<16xf32>
      %mul3A_492 = arith.mulf %exp3A_491, %div3A_52 : vector<16xf32>
      %mul3A_493 = arith.constant 512 : i32
      %mul3A_494 = arith.muli %scan3A_80, %mul3A_493 : i32
      %add3A_495 = arith.constant 320 : i32
      %add3A_496 = arith.addi %mul3A_494, %add3A_495 : i32
      %swap3A_497 = arith.index_cast %add3A_496 : i32 to index
      %swap3A_498 = tpu.vector_load %arg9[%swap3A_497] {strides = array<i32>} : memref<32768xf32, #tpu.memory_space<vmem>>, vector<16xf32>,
      %swap3A_499 = vector.shape_cast %swap3A_498 : vector<16xf32> to vector<16xf32>
      %swap3A_500 = vector.shape_cast %mul3A_492 : vector<16xf32> to vector<16xf32>
      tpu.vector_store %arg9[%swap3A_497], %swap3A_500 {strides = array<i32>} : memref<32768xf32, #tpu.memory_space<vmem>>, vector<16xf32>,
      %get3A_501 = arith.constant 336 : index
      %get3A_502 = tpu.vector_load %arg6[%get3A_501] {strides = array<i32>} : memref<512xf32, #tpu.memory_space<vmem>>, vector<16xf32>,
      %get3A_503 = vector.shape_cast %get3A_502 : vector<16xf32> to vector<16xf32>
      %sub3A_504 = arith.subf %get3A_503, %broadcast_in_dim3A : vector<16xf32>
      %sub3A_505 = arith.subf %get3A_503, %broadcast_in_dim3A : vector<16xf32>
      %mul3A_506 = arith.mulf %sub3A_504, %sub3A_505 : vector<16xf32>
      %neg3A_507 = arith.constant 0.000000e+00 : f32
      %neg3A_508 = vector.broadcast %neg3A_507 : f32 to vector<16xf32>
      %neg3A_509 = arith.subf %neg3A_508, %mul3A_506 : vector<16xf32>
      %mul3A_510 = arith.mulf %neg3A_509, %div3A_45 : vector<16xf32>
      %exp3A_511 = math.exp %mul3A_510 : vector<16xf32>
      %mul3A_512 = arith.mulf %exp3A_511, %div3A_52 : vector<16xf32>
      %mul3A_513 = arith.constant 512 : i32
      %mul3A_514 = arith.muli %scan3A_80, %mul3A_513 : i32
      %add3A_515 = arith.constant 336 : i32
      %add3A_516 = arith.addi %mul3A_514, %add3A_515 : i32
      %swap3A_517 = arith.index_cast %add3A_516 : i32 to index
      %swap3A_518 = tpu.vector_load %arg9[%swap3A_517] {strides = array<i32>} : memref<32768xf32, #tpu.memory_space<vmem>>, vector<16xf32>,
      %swap3A_519 = vector.shape_cast %swap3A_518 : vector<16xf32> to vector<16xf32>
      %swap3A_520 = vector.shape_cast %mul3A_512 : vector<16xf32> to vector<16xf32>
      tpu.vector_store %arg9[%swap3A_517], %swap3A_520 {strides = array<i32>} : memref<32768xf32, #tpu.memory_space<vmem>>, vector<16xf32>,
      %get3A_521 = arith.constant 352 : index
      %get3A_522 = tpu.vector_load %arg6[%get3A_521] {strides = array<i32>} : memref<512xf32, #tpu.memory_space<vmem>>, vector<16xf32>,
      %get3A_523 = vector.shape_cast %get3A_522 : vector<16xf32> to vector<16xf32>
      %sub3A_524 = arith.subf %get3A_523, %broadcast_in_dim3A : vector<16xf32>
      %sub3A_525 = arith.subf %get3A_523, %broadcast_in_dim3A : vector<16xf32>
      %mul3A_526 = arith.mulf %sub3A_524, %sub3A_525 : vector<16xf32>
      %neg3A_527 = arith.constant 0.000000e+00 : f32
      %neg3A_528 = vector.broadcast %neg3A_527 : f32 to vector<16xf32>
      %neg3A_529 = arith.subf %neg3A_528, %mul3A_526 : vector<16xf32>
      %mul3A_530 = arith.mulf %neg3A_529, %div3A_45 : vector<16xf32>
      %exp3A_531 = math.exp %mul3A_530 : vector<16xf32>
      %mul3A_532 = arith.mulf %exp3A_531, %div3A_52 : vector<16xf32>
      %mul3A_533 = arith.constant 512 : i32
      %mul3A_534 = arith.muli %scan3A_80, %mul3A_533 : i32
      %add3A_535 = arith.constant 352 : i32
      %add3A_536 = arith.addi %mul3A_534, %add3A_535 : i32
      %swap3A_537 = arith.index_cast %add3A_536 : i32 to index
      %swap3A_538 = tpu.vector_load %arg9[%swap3A_537] {strides = array<i32>} : memref<32768xf32, #tpu.memory_space<vmem>>, vector<16xf32>,
      %swap3A_539 = vector.shape_cast %swap3A_538 : vector<16xf32> to vector<16xf32>
      %swap3A_540 = vector.shape_cast %mul3A_532 : vector<16xf32> to vector<16xf32>
      tpu.vector_store %arg9[%swap3A_537], %swap3A_540 {strides = array<i32>} : memref<32768xf32, #tpu.memory_space<vmem>>, vector<16xf32>,
      %get3A_541 = arith.constant 368 : index
      %get3A_542 = tpu.vector_load %arg6[%get3A_541] {strides = array<i32>} : memref<512xf32, #tpu.memory_space<vmem>>, vector<16xf32>,
      %get3A_543 = vector.shape_cast %get3A_542 : vector<16xf32> to vector<16xf32>
      %sub3A_544 = arith.subf %get3A_543, %broadcast_in_dim3A : vector<16xf32>
      %sub3A_545 = arith.subf %get3A_543, %broadcast_in_dim3A : vector<16xf32>
      %mul3A_546 = arith.mulf %sub3A_544, %sub3A_545 : vector<16xf32>
      %neg3A_547 = arith.constant 0.000000e+00 : f32
      %neg3A_548 = vector.broadcast %neg3A_547 : f32 to vector<16xf32>
      %neg3A_549 = arith.subf %neg3A_548, %mul3A_546 : vector<16xf32>
      %mul3A_550 = arith.mulf %neg3A_549, %div3A_45 : vector<16xf32>
      %exp3A_551 = math.exp %mul3A_550 : vector<16xf32>
      %mul3A_552 = arith.mulf %exp3A_551, %div3A_52 : vector<16xf32>
      %mul3A_553 = arith.constant 512 : i32
      %mul3A_554 = arith.muli %scan3A_80, %mul3A_553 : i32
      %add3A_555 = arith.constant 368 : i32
      %add3A_556 = arith.addi %mul3A_554, %add3A_555 : i32
      %swap3A_557 = arith.index_cast %add3A_556 : i32 to index
      %swap3A_558 = tpu.vector_load %arg9[%swap3A_557] {strides = array<i32>} : memref<32768xf32, #tpu.memory_space<vmem>>, vector<16xf32>,
      %swap3A_559 = vector.shape_cast %swap3A_558 : vector<16xf32> to vector<16xf32>
      %swap3A_560 = vector.shape_cast %mul3A_552 : vector<16xf32> to vector<16xf32>
      tpu.vector_store %arg9[%swap3A_557], %swap3A_560 {strides = array<i32>} : memref<32768xf32, #tpu.memory_space<vmem>>, vector<16xf32>,
      %get3A_561 = arith.constant 384 : index
      %get3A_562 = tpu.vector_load %arg6[%get3A_561] {strides = array<i32>} : memref<512xf32, #tpu.memory_space<vmem>>, vector<16xf32>,
      %get3A_563 = vector.shape_cast %get3A_562 : vector<16xf32> to vector<16xf32>
      %sub3A_564 = arith.subf %get3A_563, %broadcast_in_dim3A : vector<16xf32>
      %sub3A_565 = arith.subf %get3A_563, %broadcast_in_dim3A : vector<16xf32>
      %mul3A_566 = arith.mulf %sub3A_564, %sub3A_565 : vector<16xf32>
      %neg3A_567 = arith.constant 0.000000e+00 : f32
      %neg3A_568 = vector.broadcast %neg3A_567 : f32 to vector<16xf32>
      %neg3A_569 = arith.subf %neg3A_568, %mul3A_566 : vector<16xf32>
      %mul3A_570 = arith.mulf %neg3A_569, %div3A_45 : vector<16xf32>
      %exp3A_571 = math.exp %mul3A_570 : vector<16xf32>
      %mul3A_572 = arith.mulf %exp3A_571, %div3A_52 : vector<16xf32>
      %mul3A_573 = arith.constant 512 : i32
      %mul3A_574 = arith.muli %scan3A_80, %mul3A_573 : i32
      %add3A_575 = arith.constant 384 : i32
      %add3A_576 = arith.addi %mul3A_574, %add3A_575 : i32
      %swap3A_577 = arith.index_cast %add3A_576 : i32 to index
      %swap3A_578 = tpu.vector_load %arg9[%swap3A_577] {strides = array<i32>} : memref<32768xf32, #tpu.memory_space<vmem>>, vector<16xf32>,
      %swap3A_579 = vector.shape_cast %swap3A_578 : vector<16xf32> to vector<16xf32>
      %swap3A_580 = vector.shape_cast %mul3A_572 : vector<16xf32> to vector<16xf32>
      tpu.vector_store %arg9[%swap3A_577], %swap3A_580 {strides = array<i32>} : memref<32768xf32, #tpu.memory_space<vmem>>, vector<16xf32>,
      %get3A_581 = arith.constant 400 : index
      %get3A_582 = tpu.vector_load %arg6[%get3A_581] {strides = array<i32>} : memref<512xf32, #tpu.memory_space<vmem>>, vector<16xf32>,
      %get3A_583 = vector.shape_cast %get3A_582 : vector<16xf32> to vector<16xf32>
      %sub3A_584 = arith.subf %get3A_583, %broadcast_in_dim3A : vector<16xf32>
      %sub3A_585 = arith.subf %get3A_583, %broadcast_in_dim3A : vector<16xf32>
      %mul3A_586 = arith.mulf %sub3A_584, %sub3A_585 : vector<16xf32>
      %neg3A_587 = arith.constant 0.000000e+00 : f32
      %neg3A_588 = vector.broadcast %neg3A_587 : f32 to vector<16xf32>
      %neg3A_589 = arith.subf %neg3A_588, %mul3A_586 : vector<16xf32>
      %mul3A_590 = arith.mulf %neg3A_589, %div3A_45 : vector<16xf32>
      %exp3A_591 = math.exp %mul3A_590 : vector<16xf32>
      %mul3A_592 = arith.mulf %exp3A_591, %div3A_52 : vector<16xf32>
      %mul3A_593 = arith.constant 512 : i32
      %mul3A_594 = arith.muli %scan3A_80, %mul3A_593 : i32
      %add3A_595 = arith.constant 400 : i32
      %add3A_596 = arith.addi %mul3A_594, %add3A_595 : i32
      %swap3A_597 = arith.index_cast %add3A_596 : i32 to index
      %swap3A_598 = tpu.vector_load %arg9[%swap3A_597] {strides = array<i32>} : memref<32768xf32, #tpu.memory_space<vmem>>, vector<16xf32>,
      %swap3A_599 = vector.shape_cast %swap3A_598 : vector<16xf32> to vector<16xf32>
      %swap3A_600 = vector.shape_cast %mul3A_592 : vector<16xf32> to vector<16xf32>
      tpu.vector_store %arg9[%swap3A_597], %swap3A_600 {strides = array<i32>} : memref<32768xf32, #tpu.memory_space<vmem>>, vector<16xf32>,
      %get3A_601 = arith.constant 416 : index
      %get3A_602 = tpu.vector_load %arg6[%get3A_601] {strides = array<i32>} : memref<512xf32, #tpu.memory_space<vmem>>, vector<16xf32>,
      %get3A_603 = vector.shape_cast %get3A_602 : vector<16xf32> to vector<16xf32>
      %sub3A_604 = arith.subf %get3A_603, %broadcast_in_dim3A : vector<16xf32>
      %sub3A_605 = arith.subf %get3A_603, %broadcast_in_dim3A : vector<16xf32>
      %mul3A_606 = arith.mulf %sub3A_604, %sub3A_605 : vector<16xf32>
      %neg3A_607 = arith.constant 0.000000e+00 : f32
      %neg3A_608 = vector.broadcast %neg3A_607 : f32 to vector<16xf32>
      %neg3A_609 = arith.subf %neg3A_608, %mul3A_606 : vector<16xf32>
      %mul3A_610 = arith.mulf %neg3A_609, %div3A_45 : vector<16xf32>
      %exp3A_611 = math.exp %mul3A_610 : vector<16xf32>
      %mul3A_612 = arith.mulf %exp3A_611, %div3A_52 : vector<16xf32>
      %mul3A_613 = arith.constant 512 : i32
      %mul3A_614 = arith.muli %scan3A_80, %mul3A_613 : i32
      %add3A_615 = arith.constant 416 : i32
      %add3A_616 = arith.addi %mul3A_614, %add3A_615 : i32
      %swap3A_617 = arith.index_cast %add3A_616 : i32 to index
      %swap3A_618 = tpu.vector_load %arg9[%swap3A_617] {strides = array<i32>} : memref<32768xf32, #tpu.memory_space<vmem>>, vector<16xf32>,
      %swap3A_619 = vector.shape_cast %swap3A_618 : vector<16xf32> to vector<16xf32>
      %swap3A_620 = vector.shape_cast %mul3A_612 : vector<16xf32> to vector<16xf32>
      tpu.vector_store %arg9[%swap3A_617], %swap3A_620 {strides = array<i32>} : memref<32768xf32, #tpu.memory_space<vmem>>, vector<16xf32>,
      %get3A_621 = arith.constant 432 : index
      %get3A_622 = tpu.vector_load %arg6[%get3A_621] {strides = array<i32>} : memref<512xf32, #tpu.memory_space<vmem>>, vector<16xf32>,
      %get3A_623 = vector.shape_cast %get3A_622 : vector<16xf32> to vector<16xf32>
      %sub3A_624 = arith.subf %get3A_623, %broadcast_in_dim3A : vector<16xf32>
      %sub3A_625 = arith.subf %get3A_623, %broadcast_in_dim3A : vector<16xf32>
      %mul3A_626 = arith.mulf %sub3A_624, %sub3A_625 : vector<16xf32>
      %neg3A_627 = arith.constant 0.000000e+00 : f32
      %neg3A_628 = vector.broadcast %neg3A_627 : f32 to vector<16xf32>
      %neg3A_629 = arith.subf %neg3A_628, %mul3A_626 : vector<16xf32>
      %mul3A_630 = arith.mulf %neg3A_629, %div3A_45 : vector<16xf32>
      %exp3A_631 = math.exp %mul3A_630 : vector<16xf32>
      %mul3A_632 = arith.mulf %exp3A_631, %div3A_52 : vector<16xf32>
      %mul3A_633 = arith.constant 512 : i32
      %mul3A_634 = arith.muli %scan3A_80, %mul3A_633 : i32
      %add3A_635 = arith.constant 432 : i32
      %add3A_636 = arith.addi %mul3A_634, %add3A_635 : i32
      %swap3A_637 = arith.index_cast %add3A_636 : i32 to index
      %swap3A_638 = tpu.vector_load %arg9[%swap3A_637] {strides = array<i32>} : memref<32768xf32, #tpu.memory_space<vmem>>, vector<16xf32>,
      %swap3A_639 = vector.shape_cast %swap3A_638 : vector<16xf32> to vector<16xf32>
      %swap3A_640 = vector.shape_cast %mul3A_632 : vector<16xf32> to vector<16xf32>
      tpu.vector_store %arg9[%swap3A_637], %swap3A_640 {strides = array<i32>} : memref<32768xf32, #tpu.memory_space<vmem>>, vector<16xf32>,
      %get3A_641 = arith.constant 448 : index
      %get3A_642 = tpu.vector_load %arg6[%get3A_641] {strides = array<i32>} : memref<512xf32, #tpu.memory_space<vmem>>, vector<16xf32>,
      %get3A_643 = vector.shape_cast %get3A_642 : vector<16xf32> to vector<16xf32>
      %sub3A_644 = arith.subf %get3A_643, %broadcast_in_dim3A : vector<16xf32>
      %sub3A_645 = arith.subf %get3A_643, %broadcast_in_dim3A : vector<16xf32>
      %mul3A_646 = arith.mulf %sub3A_644, %sub3A_645 : vector<16xf32>
      %neg3A_647 = arith.constant 0.000000e+00 : f32
      %neg3A_648 = vector.broadcast %neg3A_647 : f32 to vector<16xf32>
      %neg3A_649 = arith.subf %neg3A_648, %mul3A_646 : vector<16xf32>
      %mul3A_650 = arith.mulf %neg3A_649, %div3A_45 : vector<16xf32>
      %exp3A_651 = math.exp %mul3A_650 : vector<16xf32>
      %mul3A_652 = arith.mulf %exp3A_651, %div3A_52 : vector<16xf32>
      %mul3A_653 = arith.constant 512 : i32
      %mul3A_654 = arith.muli %scan3A_80, %mul3A_653 : i32
      %add3A_655 = arith.constant 448 : i32
      %add3A_656 = arith.addi %mul3A_654, %add3A_655 : i32
      %swap3A_657 = arith.index_cast %add3A_656 : i32 to index
      %swap3A_658 = tpu.vector_load %arg9[%swap3A_657] {strides = array<i32>} : memref<32768xf32, #tpu.memory_space<vmem>>, vector<16xf32>,
      %swap3A_659 = vector.shape_cast %swap3A_658 : vector<16xf32> to vector<16xf32>
      %swap3A_660 = vector.shape_cast %mul3A_652 : vector<16xf32> to vector<16xf32>
      tpu.vector_store %arg9[%swap3A_657], %swap3A_660 {strides = array<i32>} : memref<32768xf32, #tpu.memory_space<vmem>>, vector<16xf32>,
      %get3A_661 = arith.constant 464 : index
      %get3A_662 = tpu.vector_load %arg6[%get3A_661] {strides = array<i32>} : memref<512xf32, #tpu.memory_space<vmem>>, vector<16xf32>,
      %get3A_663 = vector.shape_cast %get3A_662 : vector<16xf32> to vector<16xf32>
      %sub3A_664 = arith.subf %get3A_663, %broadcast_in_dim3A : vector<16xf32>
      %sub3A_665 = arith.subf %get3A_663, %broadcast_in_dim3A : vector<16xf32>
      %mul3A_666 = arith.mulf %sub3A_664, %sub3A_665 : vector<16xf32>
      %neg3A_667 = arith.constant 0.000000e+00 : f32
      %neg3A_668 = vector.broadcast %neg3A_667 : f32 to vector<16xf32>
      %neg3A_669 = arith.subf %neg3A_668, %mul3A_666 : vector<16xf32>
      %mul3A_670 = arith.mulf %neg3A_669, %div3A_45 : vector<16xf32>
      %exp3A_671 = math.exp %mul3A_670 : vector<16xf32>
      %mul3A_672 = arith.mulf %exp3A_671, %div3A_52 : vector<16xf32>
      %mul3A_673 = arith.constant 512 : i32
      %mul3A_674 = arith.muli %scan3A_80, %mul3A_673 : i32
      %add3A_675 = arith.constant 464 : i32
      %add3A_676 = arith.addi %mul3A_674, %add3A_675 : i32
      %swap3A_677 = arith.index_cast %add3A_676 : i32 to index
      %swap3A_678 = tpu.vector_load %arg9[%swap3A_677] {strides = array<i32>} : memref<32768xf32, #tpu.memory_space<vmem>>, vector<16xf32>,
      %swap3A_679 = vector.shape_cast %swap3A_678 : vector<16xf32> to vector<16xf32>
      %swap3A_680 = vector.shape_cast %mul3A_672 : vector<16xf32> to vector<16xf32>
      tpu.vector_store %arg9[%swap3A_677], %swap3A_680 {strides = array<i32>} : memref<32768xf32, #tpu.memory_space<vmem>>, vector<16xf32>,
      %get3A_681 = arith.constant 480 : index
      %get3A_682 = tpu.vector_load %arg6[%get3A_681] {strides = array<i32>} : memref<512xf32, #tpu.memory_space<vmem>>, vector<16xf32>,
      %get3A_683 = vector.shape_cast %get3A_682 : vector<16xf32> to vector<16xf32>
      %sub3A_684 = arith.subf %get3A_683, %broadcast_in_dim3A : vector<16xf32>
      %sub3A_685 = arith.subf %get3A_683, %broadcast_in_dim3A : vector<16xf32>
      %mul3A_686 = arith.mulf %sub3A_684, %sub3A_685 : vector<16xf32>
      %neg3A_687 = arith.constant 0.000000e+00 : f32
      %neg3A_688 = vector.broadcast %neg3A_687 : f32 to vector<16xf32>
      %neg3A_689 = arith.subf %neg3A_688, %mul3A_686 : vector<16xf32>
      %mul3A_690 = arith.mulf %neg3A_689, %div3A_45 : vector<16xf32>
      %exp3A_691 = math.exp %mul3A_690 : vector<16xf32>
      %mul3A_692 = arith.mulf %exp3A_691, %div3A_52 : vector<16xf32>
      %mul3A_693 = arith.constant 512 : i32
      %mul3A_694 = arith.muli %scan3A_80, %mul3A_693 : i32
      %add3A_695 = arith.constant 480 : i32
      %add3A_696 = arith.addi %mul3A_694, %add3A_695 : i32
      %swap3A_697 = arith.index_cast %add3A_696 : i32 to index
      %swap3A_698 = tpu.vector_load %arg9[%swap3A_697] {strides = array<i32>} : memref<32768xf32, #tpu.memory_space<vmem>>, vector<16xf32>,
      %swap3A_699 = vector.shape_cast %swap3A_698 : vector<16xf32> to vector<16xf32>
      %swap3A_700 = vector.shape_cast %mul3A_692 : vector<16xf32> to vector<16xf32>
      tpu.vector_store %arg9[%swap3A_697], %swap3A_700 {strides = array<i32>} : memref<32768xf32, #tpu.memory_space<vmem>>, vector<16xf32>,
      %get3A_701 = arith.constant 496 : index
      %get3A_702 = tpu.vector_load %arg6[%get3A_701] {strides = array<i32>} : memref<512xf32, #tpu.memory_space<vmem>>, vector<16xf32>,
      %get3A_703 = vector.shape_cast %get3A_702 : vector<16xf32> to vector<16xf32>
      %sub3A_704 = arith.subf %get3A_703, %broadcast_in_dim3A : vector<16xf32>
      %sub3A_705 = arith.subf %get3A_703, %broadcast_in_dim3A : vector<16xf32>
      %mul3A_706 = arith.mulf %sub3A_704, %sub3A_705 : vector<16xf32>
      %neg3A_707 = arith.constant 0.000000e+00 : f32
      %neg3A_708 = vector.broadcast %neg3A_707 : f32 to vector<16xf32>
      %neg3A_709 = arith.subf %neg3A_708, %mul3A_706 : vector<16xf32>
      %mul3A_710 = arith.mulf %neg3A_709, %div3A_45 : vector<16xf32>
      %exp3A_711 = math.exp %mul3A_710 : vector<16xf32>
      %mul3A_712 = arith.mulf %exp3A_711, %div3A_52 : vector<16xf32>
      %mul3A_713 = arith.constant 512 : i32
      %mul3A_714 = arith.muli %scan3A_80, %mul3A_713 : i32
      %add3A_715 = arith.constant 496 : i32
      %add3A_716 = arith.addi %mul3A_714, %add3A_715 : i32
      %swap3A_717 = arith.index_cast %add3A_716 : i32 to index
      %swap3A_718 = tpu.vector_load %arg9[%swap3A_717] {strides = array<i32>} : memref<32768xf32, #tpu.memory_space<vmem>>, vector<16xf32>,
      %swap3A_719 = vector.shape_cast %swap3A_718 : vector<16xf32> to vector<16xf32>
      %swap3A_720 = vector.shape_cast %mul3A_712 : vector<16xf32> to vector<16xf32>
      tpu.vector_store %arg9[%swap3A_717], %swap3A_720 {strides = array<i32>} : memref<32768xf32, #tpu.memory_space<vmem>>, vector<16xf32>,
      %scan3A_721 = arith.constant 0 : i32
      scf.yield %scan3A_721 : i32
    }
    %scan3A_58 = arith.constant 64 : i32
    %scan3A_59 = arith.constant 0 : i32
    %scan3A_60 = arith.constant 0 : i32
    %scan3A_61 = arith.constant 16 : i32
    %scan3A_62 = arith.addi %scan3A_60, %scan3A_61 : i32
    %scan3A_63 = arith.constant 1 : i32
    %scan3A_64 = scf.for %scan3A_80 = %scan3A_60 to %scan3A_62 step %scan3A_63 iter_args(%scan3A_81 = %scan3A_59) -> (i32)  : i32 {
      %add3A_82 = arith.addi %mul3A_32, %scan3A_80 : i32
      %convert_element_type3A = arith.sitofp %add3A_82 : i32 to f32
      %mul3A_83 = arith.constant 1.562500e-02 : f32
      %mul3A_84 = arith.mulf %convert_element_type3A, %mul3A_83 : f32
      %broadcast_in_dim3A = vector.broadcast %mul3A_84 : f32 to vector<16xf32>
      %get3A_85 = arith.constant 0 : index
      %get3A_86 = tpu.vector_load %arg7[%get3A_85] {strides = array<i32>} : memref<512xf32, #tpu.memory_space<vmem>>, vector<16xf32>,
      %get3A_87 = vector.shape_cast %get3A_86 : vector<16xf32> to vector<16xf32>
      %get3A_88 = arith.constant 0 : index
      %get3A_89 = tpu.vector_load %arg6[%get3A_88] {strides = array<i32>} : memref<512xf32, #tpu.memory_space<vmem>>, vector<16xf32>,
      %get3A_90 = vector.shape_cast %get3A_89 : vector<16xf32> to vector<16xf32>
      %sub3A_91 = arith.subf %get3A_87, %get3A_90 : vector<16xf32>
      %sub3A_92 = arith.subf %sub3A_91, %broadcast_in_dim3A : vector<16xf32>
      %sub3A_93 = arith.subf %sub3A_91, %broadcast_in_dim3A : vector<16xf32>
      %mul3A_94 = arith.mulf %sub3A_92, %sub3A_93 : vector<16xf32>
      %neg3A = arith.constant 0.000000e+00 : f32
      %neg3A_95 = vector.broadcast %neg3A : f32 to vector<16xf32>
      %neg3A_96 = arith.subf %neg3A_95, %mul3A_94 : vector<16xf32>
      %mul3A_97 = arith.mulf %neg3A_96, %div3A_45 : vector<16xf32>
      %exp3A = math.exp %mul3A_97 : vector<16xf32>
      %mul3A_98 = arith.constant 512 : i32
      %mul3A_99 = arith.muli %scan3A_80, %mul3A_98 : i32
      %add3A_100 = arith.constant 0 : i32
      %add3A_101 = arith.addi %mul3A_99, %add3A_100 : i32
      %swap3A = arith.index_cast %add3A_101 : i32 to index
      %swap3A_102 = tpu.vector_load %arg10[%swap3A] {strides = array<i32>} : memref<8192xf32, #tpu.memory_space<vmem>>, vector<16xf32>,
      %swap3A_103 = vector.shape_cast %swap3A_102 : vector<16xf32> to vector<16xf32>
      %swap3A_104 = vector.shape_cast %exp3A : vector<16xf32> to vector<16xf32>
      tpu.vector_store %arg10[%swap3A], %swap3A_104 {strides = array<i32>} : memref<8192xf32, #tpu.memory_space<vmem>>, vector<16xf32>,
      %get3A_105 = arith.constant 16 : index
      %get3A_106 = tpu.vector_load %arg7[%get3A_105] {strides = array<i32>} : memref<512xf32, #tpu.memory_space<vmem>>, vector<16xf32>,
      %get3A_107 = vector.shape_cast %get3A_106 : vector<16xf32> to vector<16xf32>
      %get3A_108 = arith.constant 16 : index
      %get3A_109 = tpu.vector_load %arg6[%get3A_108] {strides = array<i32>} : memref<512xf32, #tpu.memory_space<vmem>>, vector<16xf32>,
      %get3A_110 = vector.shape_cast %get3A_109 : vector<16xf32> to vector<16xf32>
      %sub3A_111 = arith.subf %get3A_107, %get3A_110 : vector<16xf32>
      %sub3A_112 = arith.subf %sub3A_111, %broadcast_in_dim3A : vector<16xf32>
      %sub3A_113 = arith.subf %sub3A_111, %broadcast_in_dim3A : vector<16xf32>
      %mul3A_114 = arith.mulf %sub3A_112, %sub3A_113 : vector<16xf32>
      %neg3A_115 = arith.constant 0.000000e+00 : f32
      %neg3A_116 = vector.broadcast %neg3A_115 : f32 to vector<16xf32>
      %neg3A_117 = arith.subf %neg3A_116, %mul3A_114 : vector<16xf32>
      %mul3A_118 = arith.mulf %neg3A_117, %div3A_45 : vector<16xf32>
      %exp3A_119 = math.exp %mul3A_118 : vector<16xf32>
      %mul3A_120 = arith.constant 512 : i32
      %mul3A_121 = arith.muli %scan3A_80, %mul3A_120 : i32
      %add3A_122 = arith.constant 16 : i32
      %add3A_123 = arith.addi %mul3A_121, %add3A_122 : i32
      %swap3A_124 = arith.index_cast %add3A_123 : i32 to index
      %swap3A_125 = tpu.vector_load %arg10[%swap3A_124] {strides = array<i32>} : memref<8192xf32, #tpu.memory_space<vmem>>, vector<16xf32>,
      %swap3A_126 = vector.shape_cast %swap3A_125 : vector<16xf32> to vector<16xf32>
      %swap3A_127 = vector.shape_cast %exp3A_119 : vector<16xf32> to vector<16xf32>
      tpu.vector_store %arg10[%swap3A_124], %swap3A_127 {strides = array<i32>} : memref<8192xf32, #tpu.memory_space<vmem>>, vector<16xf32>,
      %get3A_128 = arith.constant 32 : index
      %get3A_129 = tpu.vector_load %arg7[%get3A_128] {strides = array<i32>} : memref<512xf32, #tpu.memory_space<vmem>>, vector<16xf32>,
      %get3A_130 = vector.shape_cast %get3A_129 : vector<16xf32> to vector<16xf32>
      %get3A_131 = arith.constant 32 : index
      %get3A_132 = tpu.vector_load %arg6[%get3A_131] {strides = array<i32>} : memref<512xf32, #tpu.memory_space<vmem>>, vector<16xf32>,
      %get3A_133 = vector.shape_cast %get3A_132 : vector<16xf32> to vector<16xf32>
      %sub3A_134 = arith.subf %get3A_130, %get3A_133 : vector<16xf32>
      %sub3A_135 = arith.subf %sub3A_134, %broadcast_in_dim3A : vector<16xf32>
      %sub3A_136 = arith.subf %sub3A_134, %broadcast_in_dim3A : vector<16xf32>
      %mul3A_137 = arith.mulf %sub3A_135, %sub3A_136 : vector<16xf32>
      %neg3A_138 = arith.constant 0.000000e+00 : f32
      %neg3A_139 = vector.broadcast %neg3A_138 : f32 to vector<16xf32>
      %neg3A_140 = arith.subf %neg3A_139, %mul3A_137 : vector<16xf32>
      %mul3A_141 = arith.mulf %neg3A_140, %div3A_45 : vector<16xf32>
      %exp3A_142 = math.exp %mul3A_141 : vector<16xf32>
      %mul3A_143 = arith.constant 512 : i32
      %mul3A_144 = arith.muli %scan3A_80, %mul3A_143 : i32
      %add3A_145 = arith.constant 32 : i32
      %add3A_146 = arith.addi %mul3A_144, %add3A_145 : i32
      %swap3A_147 = arith.index_cast %add3A_146 : i32 to index
      %swap3A_148 = tpu.vector_load %arg10[%swap3A_147] {strides = array<i32>} : memref<8192xf32, #tpu.memory_space<vmem>>, vector<16xf32>,
      %swap3A_149 = vector.shape_cast %swap3A_148 : vector<16xf32> to vector<16xf32>
      %swap3A_150 = vector.shape_cast %exp3A_142 : vector<16xf32> to vector<16xf32>
      tpu.vector_store %arg10[%swap3A_147], %swap3A_150 {strides = array<i32>} : memref<8192xf32, #tpu.memory_space<vmem>>, vector<16xf32>,
      %get3A_151 = arith.constant 48 : index
      %get3A_152 = tpu.vector_load %arg7[%get3A_151] {strides = array<i32>} : memref<512xf32, #tpu.memory_space<vmem>>, vector<16xf32>,
      %get3A_153 = vector.shape_cast %get3A_152 : vector<16xf32> to vector<16xf32>
      %get3A_154 = arith.constant 48 : index
      %get3A_155 = tpu.vector_load %arg6[%get3A_154] {strides = array<i32>} : memref<512xf32, #tpu.memory_space<vmem>>, vector<16xf32>,
      %get3A_156 = vector.shape_cast %get3A_155 : vector<16xf32> to vector<16xf32>
      %sub3A_157 = arith.subf %get3A_153, %get3A_156 : vector<16xf32>
      %sub3A_158 = arith.subf %sub3A_157, %broadcast_in_dim3A : vector<16xf32>
      %sub3A_159 = arith.subf %sub3A_157, %broadcast_in_dim3A : vector<16xf32>
      %mul3A_160 = arith.mulf %sub3A_158, %sub3A_159 : vector<16xf32>
      %neg3A_161 = arith.constant 0.000000e+00 : f32
      %neg3A_162 = vector.broadcast %neg3A_161 : f32 to vector<16xf32>
      %neg3A_163 = arith.subf %neg3A_162, %mul3A_160 : vector<16xf32>
      %mul3A_164 = arith.mulf %neg3A_163, %div3A_45 : vector<16xf32>
      %exp3A_165 = math.exp %mul3A_164 : vector<16xf32>
      %mul3A_166 = arith.constant 512 : i32
      %mul3A_167 = arith.muli %scan3A_80, %mul3A_166 : i32
      %add3A_168 = arith.constant 48 : i32
      %add3A_169 = arith.addi %mul3A_167, %add3A_168 : i32
      %swap3A_170 = arith.index_cast %add3A_169 : i32 to index
      %swap3A_171 = tpu.vector_load %arg10[%swap3A_170] {strides = array<i32>} : memref<8192xf32, #tpu.memory_space<vmem>>, vector<16xf32>,
      %swap3A_172 = vector.shape_cast %swap3A_171 : vector<16xf32> to vector<16xf32>
      %swap3A_173 = vector.shape_cast %exp3A_165 : vector<16xf32> to vector<16xf32>
      tpu.vector_store %arg10[%swap3A_170], %swap3A_173 {strides = array<i32>} : memref<8192xf32, #tpu.memory_space<vmem>>, vector<16xf32>,
      %get3A_174 = arith.constant 64 : index
      %get3A_175 = tpu.vector_load %arg7[%get3A_174] {strides = array<i32>} : memref<512xf32, #tpu.memory_space<vmem>>, vector<16xf32>,
      %get3A_176 = vector.shape_cast %get3A_175 : vector<16xf32> to vector<16xf32>
      %get3A_177 = arith.constant 64 : index
      %get3A_178 = tpu.vector_load %arg6[%get3A_177] {strides = array<i32>} : memref<512xf32, #tpu.memory_space<vmem>>, vector<16xf32>,
      %get3A_179 = vector.shape_cast %get3A_178 : vector<16xf32> to vector<16xf32>
      %sub3A_180 = arith.subf %get3A_176, %get3A_179 : vector<16xf32>
      %sub3A_181 = arith.subf %sub3A_180, %broadcast_in_dim3A : vector<16xf32>
      %sub3A_182 = arith.subf %sub3A_180, %broadcast_in_dim3A : vector<16xf32>
      %mul3A_183 = arith.mulf %sub3A_181, %sub3A_182 : vector<16xf32>
      %neg3A_184 = arith.constant 0.000000e+00 : f32
      %neg3A_185 = vector.broadcast %neg3A_184 : f32 to vector<16xf32>
      %neg3A_186 = arith.subf %neg3A_185, %mul3A_183 : vector<16xf32>
      %mul3A_187 = arith.mulf %neg3A_186, %div3A_45 : vector<16xf32>
      %exp3A_188 = math.exp %mul3A_187 : vector<16xf32>
      %mul3A_189 = arith.constant 512 : i32
      %mul3A_190 = arith.muli %scan3A_80, %mul3A_189 : i32
      %add3A_191 = arith.constant 64 : i32
      %add3A_192 = arith.addi %mul3A_190, %add3A_191 : i32
      %swap3A_193 = arith.index_cast %add3A_192 : i32 to index
      %swap3A_194 = tpu.vector_load %arg10[%swap3A_193] {strides = array<i32>} : memref<8192xf32, #tpu.memory_space<vmem>>, vector<16xf32>,
      %swap3A_195 = vector.shape_cast %swap3A_194 : vector<16xf32> to vector<16xf32>
      %swap3A_196 = vector.shape_cast %exp3A_188 : vector<16xf32> to vector<16xf32>
      tpu.vector_store %arg10[%swap3A_193], %swap3A_196 {strides = array<i32>} : memref<8192xf32, #tpu.memory_space<vmem>>, vector<16xf32>,
      %get3A_197 = arith.constant 80 : index
      %get3A_198 = tpu.vector_load %arg7[%get3A_197] {strides = array<i32>} : memref<512xf32, #tpu.memory_space<vmem>>, vector<16xf32>,
      %get3A_199 = vector.shape_cast %get3A_198 : vector<16xf32> to vector<16xf32>
      %get3A_200 = arith.constant 80 : index
      %get3A_201 = tpu.vector_load %arg6[%get3A_200] {strides = array<i32>} : memref<512xf32, #tpu.memory_space<vmem>>, vector<16xf32>,
      %get3A_202 = vector.shape_cast %get3A_201 : vector<16xf32> to vector<16xf32>
      %sub3A_203 = arith.subf %get3A_199, %get3A_202 : vector<16xf32>
      %sub3A_204 = arith.subf %sub3A_203, %broadcast_in_dim3A : vector<16xf32>
      %sub3A_205 = arith.subf %sub3A_203, %broadcast_in_dim3A : vector<16xf32>
      %mul3A_206 = arith.mulf %sub3A_204, %sub3A_205 : vector<16xf32>
      %neg3A_207 = arith.constant 0.000000e+00 : f32
      %neg3A_208 = vector.broadcast %neg3A_207 : f32 to vector<16xf32>
      %neg3A_209 = arith.subf %neg3A_208, %mul3A_206 : vector<16xf32>
      %mul3A_210 = arith.mulf %neg3A_209, %div3A_45 : vector<16xf32>
      %exp3A_211 = math.exp %mul3A_210 : vector<16xf32>
      %mul3A_212 = arith.constant 512 : i32
      %mul3A_213 = arith.muli %scan3A_80, %mul3A_212 : i32
      %add3A_214 = arith.constant 80 : i32
      %add3A_215 = arith.addi %mul3A_213, %add3A_214 : i32
      %swap3A_216 = arith.index_cast %add3A_215 : i32 to index
      %swap3A_217 = tpu.vector_load %arg10[%swap3A_216] {strides = array<i32>} : memref<8192xf32, #tpu.memory_space<vmem>>, vector<16xf32>,
      %swap3A_218 = vector.shape_cast %swap3A_217 : vector<16xf32> to vector<16xf32>
      %swap3A_219 = vector.shape_cast %exp3A_211 : vector<16xf32> to vector<16xf32>
      tpu.vector_store %arg10[%swap3A_216], %swap3A_219 {strides = array<i32>} : memref<8192xf32, #tpu.memory_space<vmem>>, vector<16xf32>,
      %get3A_220 = arith.constant 96 : index
      %get3A_221 = tpu.vector_load %arg7[%get3A_220] {strides = array<i32>} : memref<512xf32, #tpu.memory_space<vmem>>, vector<16xf32>,
      %get3A_222 = vector.shape_cast %get3A_221 : vector<16xf32> to vector<16xf32>
      %get3A_223 = arith.constant 96 : index
      %get3A_224 = tpu.vector_load %arg6[%get3A_223] {strides = array<i32>} : memref<512xf32, #tpu.memory_space<vmem>>, vector<16xf32>,
      %get3A_225 = vector.shape_cast %get3A_224 : vector<16xf32> to vector<16xf32>
      %sub3A_226 = arith.subf %get3A_222, %get3A_225 : vector<16xf32>
      %sub3A_227 = arith.subf %sub3A_226, %broadcast_in_dim3A : vector<16xf32>
      %sub3A_228 = arith.subf %sub3A_226, %broadcast_in_dim3A : vector<16xf32>
      %mul3A_229 = arith.mulf %sub3A_227, %sub3A_228 : vector<16xf32>
      %neg3A_230 = arith.constant 0.000000e+00 : f32
      %neg3A_231 = vector.broadcast %neg3A_230 : f32 to vector<16xf32>
      %neg3A_232 = arith.subf %neg3A_231, %mul3A_229 : vector<16xf32>
      %mul3A_233 = arith.mulf %neg3A_232, %div3A_45 : vector<16xf32>
      %exp3A_234 = math.exp %mul3A_233 : vector<16xf32>
      %mul3A_235 = arith.constant 512 : i32
      %mul3A_236 = arith.muli %scan3A_80, %mul3A_235 : i32
      %add3A_237 = arith.constant 96 : i32
      %add3A_238 = arith.addi %mul3A_236, %add3A_237 : i32
      %swap3A_239 = arith.index_cast %add3A_238 : i32 to index
      %swap3A_240 = tpu.vector_load %arg10[%swap3A_239] {strides = array<i32>} : memref<8192xf32, #tpu.memory_space<vmem>>, vector<16xf32>,
      %swap3A_241 = vector.shape_cast %swap3A_240 : vector<16xf32> to vector<16xf32>
      %swap3A_242 = vector.shape_cast %exp3A_234 : vector<16xf32> to vector<16xf32>
      tpu.vector_store %arg10[%swap3A_239], %swap3A_242 {strides = array<i32>} : memref<8192xf32, #tpu.memory_space<vmem>>, vector<16xf32>,
      %get3A_243 = arith.constant 112 : index
      %get3A_244 = tpu.vector_load %arg7[%get3A_243] {strides = array<i32>} : memref<512xf32, #tpu.memory_space<vmem>>, vector<16xf32>,
      %get3A_245 = vector.shape_cast %get3A_244 : vector<16xf32> to vector<16xf32>
      %get3A_246 = arith.constant 112 : index
      %get3A_247 = tpu.vector_load %arg6[%get3A_246] {strides = array<i32>} : memref<512xf32, #tpu.memory_space<vmem>>, vector<16xf32>,
      %get3A_248 = vector.shape_cast %get3A_247 : vector<16xf32> to vector<16xf32>
      %sub3A_249 = arith.subf %get3A_245, %get3A_248 : vector<16xf32>
      %sub3A_250 = arith.subf %sub3A_249, %broadcast_in_dim3A : vector<16xf32>
      %sub3A_251 = arith.subf %sub3A_249, %broadcast_in_dim3A : vector<16xf32>
      %mul3A_252 = arith.mulf %sub3A_250, %sub3A_251 : vector<16xf32>
      %neg3A_253 = arith.constant 0.000000e+00 : f32
      %neg3A_254 = vector.broadcast %neg3A_253 : f32 to vector<16xf32>
      %neg3A_255 = arith.subf %neg3A_254, %mul3A_252 : vector<16xf32>
      %mul3A_256 = arith.mulf %neg3A_255, %div3A_45 : vector<16xf32>
      %exp3A_257 = math.exp %mul3A_256 : vector<16xf32>
      %mul3A_258 = arith.constant 512 : i32
      %mul3A_259 = arith.muli %scan3A_80, %mul3A_258 : i32
      %add3A_260 = arith.constant 112 : i32
      %add3A_261 = arith.addi %mul3A_259, %add3A_260 : i32
      %swap3A_262 = arith.index_cast %add3A_261 : i32 to index
      %swap3A_263 = tpu.vector_load %arg10[%swap3A_262] {strides = array<i32>} : memref<8192xf32, #tpu.memory_space<vmem>>, vector<16xf32>,
      %swap3A_264 = vector.shape_cast %swap3A_263 : vector<16xf32> to vector<16xf32>
      %swap3A_265 = vector.shape_cast %exp3A_257 : vector<16xf32> to vector<16xf32>
      tpu.vector_store %arg10[%swap3A_262], %swap3A_265 {strides = array<i32>} : memref<8192xf32, #tpu.memory_space<vmem>>, vector<16xf32>,
      %get3A_266 = arith.constant 128 : index
      %get3A_267 = tpu.vector_load %arg7[%get3A_266] {strides = array<i32>} : memref<512xf32, #tpu.memory_space<vmem>>, vector<16xf32>,
      %get3A_268 = vector.shape_cast %get3A_267 : vector<16xf32> to vector<16xf32>
      %get3A_269 = arith.constant 128 : index
      %get3A_270 = tpu.vector_load %arg6[%get3A_269] {strides = array<i32>} : memref<512xf32, #tpu.memory_space<vmem>>, vector<16xf32>,
      %get3A_271 = vector.shape_cast %get3A_270 : vector<16xf32> to vector<16xf32>
      %sub3A_272 = arith.subf %get3A_268, %get3A_271 : vector<16xf32>
      %sub3A_273 = arith.subf %sub3A_272, %broadcast_in_dim3A : vector<16xf32>
      %sub3A_274 = arith.subf %sub3A_272, %broadcast_in_dim3A : vector<16xf32>
      %mul3A_275 = arith.mulf %sub3A_273, %sub3A_274 : vector<16xf32>
      %neg3A_276 = arith.constant 0.000000e+00 : f32
      %neg3A_277 = vector.broadcast %neg3A_276 : f32 to vector<16xf32>
      %neg3A_278 = arith.subf %neg3A_277, %mul3A_275 : vector<16xf32>
      %mul3A_279 = arith.mulf %neg3A_278, %div3A_45 : vector<16xf32>
      %exp3A_280 = math.exp %mul3A_279 : vector<16xf32>
      %mul3A_281 = arith.constant 512 : i32
      %mul3A_282 = arith.muli %scan3A_80, %mul3A_281 : i32
      %add3A_283 = arith.constant 128 : i32
      %add3A_284 = arith.addi %mul3A_282, %add3A_283 : i32
      %swap3A_285 = arith.index_cast %add3A_284 : i32 to index
      %swap3A_286 = tpu.vector_load %arg10[%swap3A_285] {strides = array<i32>} : memref<8192xf32, #tpu.memory_space<vmem>>, vector<16xf32>,
      %swap3A_287 = vector.shape_cast %swap3A_286 : vector<16xf32> to vector<16xf32>
      %swap3A_288 = vector.shape_cast %exp3A_280 : vector<16xf32> to vector<16xf32>
      tpu.vector_store %arg10[%swap3A_285], %swap3A_288 {strides = array<i32>} : memref<8192xf32, #tpu.memory_space<vmem>>, vector<16xf32>,
      %get3A_289 = arith.constant 144 : index
      %get3A_290 = tpu.vector_load %arg7[%get3A_289] {strides = array<i32>} : memref<512xf32, #tpu.memory_space<vmem>>, vector<16xf32>,
      %get3A_291 = vector.shape_cast %get3A_290 : vector<16xf32> to vector<16xf32>
      %get3A_292 = arith.constant 144 : index
      %get3A_293 = tpu.vector_load %arg6[%get3A_292] {strides = array<i32>} : memref<512xf32, #tpu.memory_space<vmem>>, vector<16xf32>,
      %get3A_294 = vector.shape_cast %get3A_293 : vector<16xf32> to vector<16xf32>
      %sub3A_295 = arith.subf %get3A_291, %get3A_294 : vector<16xf32>
      %sub3A_296 = arith.subf %sub3A_295, %broadcast_in_dim3A : vector<16xf32>
      %sub3A_297 = arith.subf %sub3A_295, %broadcast_in_dim3A : vector<16xf32>
      %mul3A_298 = arith.mulf %sub3A_296, %sub3A_297 : vector<16xf32>
      %neg3A_299 = arith.constant 0.000000e+00 : f32
      %neg3A_300 = vector.broadcast %neg3A_299 : f32 to vector<16xf32>
      %neg3A_301 = arith.subf %neg3A_300, %mul3A_298 : vector<16xf32>
      %mul3A_302 = arith.mulf %neg3A_301, %div3A_45 : vector<16xf32>
      %exp3A_303 = math.exp %mul3A_302 : vector<16xf32>
      %mul3A_304 = arith.constant 512 : i32
      %mul3A_305 = arith.muli %scan3A_80, %mul3A_304 : i32
      %add3A_306 = arith.constant 144 : i32
      %add3A_307 = arith.addi %mul3A_305, %add3A_306 : i32
      %swap3A_308 = arith.index_cast %add3A_307 : i32 to index
      %swap3A_309 = tpu.vector_load %arg10[%swap3A_308] {strides = array<i32>} : memref<8192xf32, #tpu.memory_space<vmem>>, vector<16xf32>,
      %swap3A_310 = vector.shape_cast %swap3A_309 : vector<16xf32> to vector<16xf32>
      %swap3A_311 = vector.shape_cast %exp3A_303 : vector<16xf32> to vector<16xf32>
      tpu.vector_store %arg10[%swap3A_308], %swap3A_311 {strides = array<i32>} : memref<8192xf32, #tpu.memory_space<vmem>>, vector<16xf32>,
      %get3A_312 = arith.constant 160 : index
      %get3A_313 = tpu.vector_load %arg7[%get3A_312] {strides = array<i32>} : memref<512xf32, #tpu.memory_space<vmem>>, vector<16xf32>,
      %get3A_314 = vector.shape_cast %get3A_313 : vector<16xf32> to vector<16xf32>
      %get3A_315 = arith.constant 160 : index
      %get3A_316 = tpu.vector_load %arg6[%get3A_315] {strides = array<i32>} : memref<512xf32, #tpu.memory_space<vmem>>, vector<16xf32>,
      %get3A_317 = vector.shape_cast %get3A_316 : vector<16xf32> to vector<16xf32>
      %sub3A_318 = arith.subf %get3A_314, %get3A_317 : vector<16xf32>
      %sub3A_319 = arith.subf %sub3A_318, %broadcast_in_dim3A : vector<16xf32>
      %sub3A_320 = arith.subf %sub3A_318, %broadcast_in_dim3A : vector<16xf32>
      %mul3A_321 = arith.mulf %sub3A_319, %sub3A_320 : vector<16xf32>
      %neg3A_322 = arith.constant 0.000000e+00 : f32
      %neg3A_323 = vector.broadcast %neg3A_322 : f32 to vector<16xf32>
      %neg3A_324 = arith.subf %neg3A_323, %mul3A_321 : vector<16xf32>
      %mul3A_325 = arith.mulf %neg3A_324, %div3A_45 : vector<16xf32>
      %exp3A_326 = math.exp %mul3A_325 : vector<16xf32>
      %mul3A_327 = arith.constant 512 : i32
      %mul3A_328 = arith.muli %scan3A_80, %mul3A_327 : i32
      %add3A_329 = arith.constant 160 : i32
      %add3A_330 = arith.addi %mul3A_328, %add3A_329 : i32
      %swap3A_331 = arith.index_cast %add3A_330 : i32 to index
      %swap3A_332 = tpu.vector_load %arg10[%swap3A_331] {strides = array<i32>} : memref<8192xf32, #tpu.memory_space<vmem>>, vector<16xf32>,
      %swap3A_333 = vector.shape_cast %swap3A_332 : vector<16xf32> to vector<16xf32>
      %swap3A_334 = vector.shape_cast %exp3A_326 : vector<16xf32> to vector<16xf32>
      tpu.vector_store %arg10[%swap3A_331], %swap3A_334 {strides = array<i32>} : memref<8192xf32, #tpu.memory_space<vmem>>, vector<16xf32>,
      %get3A_335 = arith.constant 176 : index
      %get3A_336 = tpu.vector_load %arg7[%get3A_335] {strides = array<i32>} : memref<512xf32, #tpu.memory_space<vmem>>, vector<16xf32>,
      %get3A_337 = vector.shape_cast %get3A_336 : vector<16xf32> to vector<16xf32>
      %get3A_338 = arith.constant 176 : index
      %get3A_339 = tpu.vector_load %arg6[%get3A_338] {strides = array<i32>} : memref<512xf32, #tpu.memory_space<vmem>>, vector<16xf32>,
      %get3A_340 = vector.shape_cast %get3A_339 : vector<16xf32> to vector<16xf32>
      %sub3A_341 = arith.subf %get3A_337, %get3A_340 : vector<16xf32>
      %sub3A_342 = arith.subf %sub3A_341, %broadcast_in_dim3A : vector<16xf32>
      %sub3A_343 = arith.subf %sub3A_341, %broadcast_in_dim3A : vector<16xf32>
      %mul3A_344 = arith.mulf %sub3A_342, %sub3A_343 : vector<16xf32>
      %neg3A_345 = arith.constant 0.000000e+00 : f32
      %neg3A_346 = vector.broadcast %neg3A_345 : f32 to vector<16xf32>
      %neg3A_347 = arith.subf %neg3A_346, %mul3A_344 : vector<16xf32>
      %mul3A_348 = arith.mulf %neg3A_347, %div3A_45 : vector<16xf32>
      %exp3A_349 = math.exp %mul3A_348 : vector<16xf32>
      %mul3A_350 = arith.constant 512 : i32
      %mul3A_351 = arith.muli %scan3A_80, %mul3A_350 : i32
      %add3A_352 = arith.constant 176 : i32
      %add3A_353 = arith.addi %mul3A_351, %add3A_352 : i32
      %swap3A_354 = arith.index_cast %add3A_353 : i32 to index
      %swap3A_355 = tpu.vector_load %arg10[%swap3A_354] {strides = array<i32>} : memref<8192xf32, #tpu.memory_space<vmem>>, vector<16xf32>,
      %swap3A_356 = vector.shape_cast %swap3A_355 : vector<16xf32> to vector<16xf32>
      %swap3A_357 = vector.shape_cast %exp3A_349 : vector<16xf32> to vector<16xf32>
      tpu.vector_store %arg10[%swap3A_354], %swap3A_357 {strides = array<i32>} : memref<8192xf32, #tpu.memory_space<vmem>>, vector<16xf32>,
      %get3A_358 = arith.constant 192 : index
      %get3A_359 = tpu.vector_load %arg7[%get3A_358] {strides = array<i32>} : memref<512xf32, #tpu.memory_space<vmem>>, vector<16xf32>,
      %get3A_360 = vector.shape_cast %get3A_359 : vector<16xf32> to vector<16xf32>
      %get3A_361 = arith.constant 192 : index
      %get3A_362 = tpu.vector_load %arg6[%get3A_361] {strides = array<i32>} : memref<512xf32, #tpu.memory_space<vmem>>, vector<16xf32>,
      %get3A_363 = vector.shape_cast %get3A_362 : vector<16xf32> to vector<16xf32>
      %sub3A_364 = arith.subf %get3A_360, %get3A_363 : vector<16xf32>
      %sub3A_365 = arith.subf %sub3A_364, %broadcast_in_dim3A : vector<16xf32>
      %sub3A_366 = arith.subf %sub3A_364, %broadcast_in_dim3A : vector<16xf32>
      %mul3A_367 = arith.mulf %sub3A_365, %sub3A_366 : vector<16xf32>
      %neg3A_368 = arith.constant 0.000000e+00 : f32
      %neg3A_369 = vector.broadcast %neg3A_368 : f32 to vector<16xf32>
      %neg3A_370 = arith.subf %neg3A_369, %mul3A_367 : vector<16xf32>
      %mul3A_371 = arith.mulf %neg3A_370, %div3A_45 : vector<16xf32>
      %exp3A_372 = math.exp %mul3A_371 : vector<16xf32>
      %mul3A_373 = arith.constant 512 : i32
      %mul3A_374 = arith.muli %scan3A_80, %mul3A_373 : i32
      %add3A_375 = arith.constant 192 : i32
      %add3A_376 = arith.addi %mul3A_374, %add3A_375 : i32
      %swap3A_377 = arith.index_cast %add3A_376 : i32 to index
      %swap3A_378 = tpu.vector_load %arg10[%swap3A_377] {strides = array<i32>} : memref<8192xf32, #tpu.memory_space<vmem>>, vector<16xf32>,
      %swap3A_379 = vector.shape_cast %swap3A_378 : vector<16xf32> to vector<16xf32>
      %swap3A_380 = vector.shape_cast %exp3A_372 : vector<16xf32> to vector<16xf32>
      tpu.vector_store %arg10[%swap3A_377], %swap3A_380 {strides = array<i32>} : memref<8192xf32, #tpu.memory_space<vmem>>, vector<16xf32>,
      %get3A_381 = arith.constant 208 : index
      %get3A_382 = tpu.vector_load %arg7[%get3A_381] {strides = array<i32>} : memref<512xf32, #tpu.memory_space<vmem>>, vector<16xf32>,
      %get3A_383 = vector.shape_cast %get3A_382 : vector<16xf32> to vector<16xf32>
      %get3A_384 = arith.constant 208 : index
      %get3A_385 = tpu.vector_load %arg6[%get3A_384] {strides = array<i32>} : memref<512xf32, #tpu.memory_space<vmem>>, vector<16xf32>,
      %get3A_386 = vector.shape_cast %get3A_385 : vector<16xf32> to vector<16xf32>
      %sub3A_387 = arith.subf %get3A_383, %get3A_386 : vector<16xf32>
      %sub3A_388 = arith.subf %sub3A_387, %broadcast_in_dim3A : vector<16xf32>
      %sub3A_389 = arith.subf %sub3A_387, %broadcast_in_dim3A : vector<16xf32>
      %mul3A_390 = arith.mulf %sub3A_388, %sub3A_389 : vector<16xf32>
      %neg3A_391 = arith.constant 0.000000e+00 : f32
      %neg3A_392 = vector.broadcast %neg3A_391 : f32 to vector<16xf32>
      %neg3A_393 = arith.subf %neg3A_392, %mul3A_390 : vector<16xf32>
      %mul3A_394 = arith.mulf %neg3A_393, %div3A_45 : vector<16xf32>
      %exp3A_395 = math.exp %mul3A_394 : vector<16xf32>
      %mul3A_396 = arith.constant 512 : i32
      %mul3A_397 = arith.muli %scan3A_80, %mul3A_396 : i32
      %add3A_398 = arith.constant 208 : i32
      %add3A_399 = arith.addi %mul3A_397, %add3A_398 : i32
      %swap3A_400 = arith.index_cast %add3A_399 : i32 to index
      %swap3A_401 = tpu.vector_load %arg10[%swap3A_400] {strides = array<i32>} : memref<8192xf32, #tpu.memory_space<vmem>>, vector<16xf32>,
      %swap3A_402 = vector.shape_cast %swap3A_401 : vector<16xf32> to vector<16xf32>
      %swap3A_403 = vector.shape_cast %exp3A_395 : vector<16xf32> to vector<16xf32>
      tpu.vector_store %arg10[%swap3A_400], %swap3A_403 {strides = array<i32>} : memref<8192xf32, #tpu.memory_space<vmem>>, vector<16xf32>,
      %get3A_404 = arith.constant 224 : index
      %get3A_405 = tpu.vector_load %arg7[%get3A_404] {strides = array<i32>} : memref<512xf32, #tpu.memory_space<vmem>>, vector<16xf32>,
      %get3A_406 = vector.shape_cast %get3A_405 : vector<16xf32> to vector<16xf32>
      %get3A_407 = arith.constant 224 : index
      %get3A_408 = tpu.vector_load %arg6[%get3A_407] {strides = array<i32>} : memref<512xf32, #tpu.memory_space<vmem>>, vector<16xf32>,
      %get3A_409 = vector.shape_cast %get3A_408 : vector<16xf32> to vector<16xf32>
      %sub3A_410 = arith.subf %get3A_406, %get3A_409 : vector<16xf32>
      %sub3A_411 = arith.subf %sub3A_410, %broadcast_in_dim3A : vector<16xf32>
      %sub3A_412 = arith.subf %sub3A_410, %broadcast_in_dim3A : vector<16xf32>
      %mul3A_413 = arith.mulf %sub3A_411, %sub3A_412 : vector<16xf32>
      %neg3A_414 = arith.constant 0.000000e+00 : f32
      %neg3A_415 = vector.broadcast %neg3A_414 : f32 to vector<16xf32>
      %neg3A_416 = arith.subf %neg3A_415, %mul3A_413 : vector<16xf32>
      %mul3A_417 = arith.mulf %neg3A_416, %div3A_45 : vector<16xf32>
      %exp3A_418 = math.exp %mul3A_417 : vector<16xf32>
      %mul3A_419 = arith.constant 512 : i32
      %mul3A_420 = arith.muli %scan3A_80, %mul3A_419 : i32
      %add3A_421 = arith.constant 224 : i32
      %add3A_422 = arith.addi %mul3A_420, %add3A_421 : i32
      %swap3A_423 = arith.index_cast %add3A_422 : i32 to index
      %swap3A_424 = tpu.vector_load %arg10[%swap3A_423] {strides = array<i32>} : memref<8192xf32, #tpu.memory_space<vmem>>, vector<16xf32>,
      %swap3A_425 = vector.shape_cast %swap3A_424 : vector<16xf32> to vector<16xf32>
      %swap3A_426 = vector.shape_cast %exp3A_418 : vector<16xf32> to vector<16xf32>
      tpu.vector_store %arg10[%swap3A_423], %swap3A_426 {strides = array<i32>} : memref<8192xf32, #tpu.memory_space<vmem>>, vector<16xf32>,
      %get3A_427 = arith.constant 240 : index
      %get3A_428 = tpu.vector_load %arg7[%get3A_427] {strides = array<i32>} : memref<512xf32, #tpu.memory_space<vmem>>, vector<16xf32>,
      %get3A_429 = vector.shape_cast %get3A_428 : vector<16xf32> to vector<16xf32>
      %get3A_430 = arith.constant 240 : index
      %get3A_431 = tpu.vector_load %arg6[%get3A_430] {strides = array<i32>} : memref<512xf32, #tpu.memory_space<vmem>>, vector<16xf32>,
      %get3A_432 = vector.shape_cast %get3A_431 : vector<16xf32> to vector<16xf32>
      %sub3A_433 = arith.subf %get3A_429, %get3A_432 : vector<16xf32>
      %sub3A_434 = arith.subf %sub3A_433, %broadcast_in_dim3A : vector<16xf32>
      %sub3A_435 = arith.subf %sub3A_433, %broadcast_in_dim3A : vector<16xf32>
      %mul3A_436 = arith.mulf %sub3A_434, %sub3A_435 : vector<16xf32>
      %neg3A_437 = arith.constant 0.000000e+00 : f32
      %neg3A_438 = vector.broadcast %neg3A_437 : f32 to vector<16xf32>
      %neg3A_439 = arith.subf %neg3A_438, %mul3A_436 : vector<16xf32>
      %mul3A_440 = arith.mulf %neg3A_439, %div3A_45 : vector<16xf32>
      %exp3A_441 = math.exp %mul3A_440 : vector<16xf32>
      %mul3A_442 = arith.constant 512 : i32
      %mul3A_443 = arith.muli %scan3A_80, %mul3A_442 : i32
      %add3A_444 = arith.constant 240 : i32
      %add3A_445 = arith.addi %mul3A_443, %add3A_444 : i32
      %swap3A_446 = arith.index_cast %add3A_445 : i32 to index
      %swap3A_447 = tpu.vector_load %arg10[%swap3A_446] {strides = array<i32>} : memref<8192xf32, #tpu.memory_space<vmem>>, vector<16xf32>,
      %swap3A_448 = vector.shape_cast %swap3A_447 : vector<16xf32> to vector<16xf32>
      %swap3A_449 = vector.shape_cast %exp3A_441 : vector<16xf32> to vector<16xf32>
      tpu.vector_store %arg10[%swap3A_446], %swap3A_449 {strides = array<i32>} : memref<8192xf32, #tpu.memory_space<vmem>>, vector<16xf32>,
      %get3A_450 = arith.constant 256 : index
      %get3A_451 = tpu.vector_load %arg7[%get3A_450] {strides = array<i32>} : memref<512xf32, #tpu.memory_space<vmem>>, vector<16xf32>,
      %get3A_452 = vector.shape_cast %get3A_451 : vector<16xf32> to vector<16xf32>
      %get3A_453 = arith.constant 256 : index
      %get3A_454 = tpu.vector_load %arg6[%get3A_453] {strides = array<i32>} : memref<512xf32, #tpu.memory_space<vmem>>, vector<16xf32>,
      %get3A_455 = vector.shape_cast %get3A_454 : vector<16xf32> to vector<16xf32>
      %sub3A_456 = arith.subf %get3A_452, %get3A_455 : vector<16xf32>
      %sub3A_457 = arith.subf %sub3A_456, %broadcast_in_dim3A : vector<16xf32>
      %sub3A_458 = arith.subf %sub3A_456, %broadcast_in_dim3A : vector<16xf32>
      %mul3A_459 = arith.mulf %sub3A_457, %sub3A_458 : vector<16xf32>
      %neg3A_460 = arith.constant 0.000000e+00 : f32
      %neg3A_461 = vector.broadcast %neg3A_460 : f32 to vector<16xf32>
      %neg3A_462 = arith.subf %neg3A_461, %mul3A_459 : vector<16xf32>
      %mul3A_463 = arith.mulf %neg3A_462, %div3A_45 : vector<16xf32>
      %exp3A_464 = math.exp %mul3A_463 : vector<16xf32>
      %mul3A_465 = arith.constant 512 : i32
      %mul3A_466 = arith.muli %scan3A_80, %mul3A_465 : i32
      %add3A_467 = arith.constant 256 : i32
      %add3A_468 = arith.addi %mul3A_466, %add3A_467 : i32
      %swap3A_469 = arith.index_cast %add3A_468 : i32 to index
      %swap3A_470 = tpu.vector_load %arg10[%swap3A_469] {strides = array<i32>} : memref<8192xf32, #tpu.memory_space<vmem>>, vector<16xf32>,
      %swap3A_471 = vector.shape_cast %swap3A_470 : vector<16xf32> to vector<16xf32>
      %swap3A_472 = vector.shape_cast %exp3A_464 : vector<16xf32> to vector<16xf32>
      tpu.vector_store %arg10[%swap3A_469], %swap3A_472 {strides = array<i32>} : memref<8192xf32, #tpu.memory_space<vmem>>, vector<16xf32>,
      %get3A_473 = arith.constant 272 : index
      %get3A_474 = tpu.vector_load %arg7[%get3A_473] {strides = array<i32>} : memref<512xf32, #tpu.memory_space<vmem>>, vector<16xf32>,
      %get3A_475 = vector.shape_cast %get3A_474 : vector<16xf32> to vector<16xf32>
      %get3A_476 = arith.constant 272 : index
      %get3A_477 = tpu.vector_load %arg6[%get3A_476] {strides = array<i32>} : memref<512xf32, #tpu.memory_space<vmem>>, vector<16xf32>,
      %get3A_478 = vector.shape_cast %get3A_477 : vector<16xf32> to vector<16xf32>
      %sub3A_479 = arith.subf %get3A_475, %get3A_478 : vector<16xf32>
      %sub3A_480 = arith.subf %sub3A_479, %broadcast_in_dim3A : vector<16xf32>
      %sub3A_481 = arith.subf %sub3A_479, %broadcast_in_dim3A : vector<16xf32>
      %mul3A_482 = arith.mulf %sub3A_480, %sub3A_481 : vector<16xf32>
      %neg3A_483 = arith.constant 0.000000e+00 : f32
      %neg3A_484 = vector.broadcast %neg3A_483 : f32 to vector<16xf32>
      %neg3A_485 = arith.subf %neg3A_484, %mul3A_482 : vector<16xf32>
      %mul3A_486 = arith.mulf %neg3A_485, %div3A_45 : vector<16xf32>
      %exp3A_487 = math.exp %mul3A_486 : vector<16xf32>
      %mul3A_488 = arith.constant 512 : i32
      %mul3A_489 = arith.muli %scan3A_80, %mul3A_488 : i32
      %add3A_490 = arith.constant 272 : i32
      %add3A_491 = arith.addi %mul3A_489, %add3A_490 : i32
      %swap3A_492 = arith.index_cast %add3A_491 : i32 to index
      %swap3A_493 = tpu.vector_load %arg10[%swap3A_492] {strides = array<i32>} : memref<8192xf32, #tpu.memory_space<vmem>>, vector<16xf32>,
      %swap3A_494 = vector.shape_cast %swap3A_493 : vector<16xf32> to vector<16xf32>
      %swap3A_495 = vector.shape_cast %exp3A_487 : vector<16xf32> to vector<16xf32>
      tpu.vector_store %arg10[%swap3A_492], %swap3A_495 {strides = array<i32>} : memref<8192xf32, #tpu.memory_space<vmem>>, vector<16xf32>,
      %get3A_496 = arith.constant 288 : index
      %get3A_497 = tpu.vector_load %arg7[%get3A_496] {strides = array<i32>} : memref<512xf32, #tpu.memory_space<vmem>>, vector<16xf32>,
      %get3A_498 = vector.shape_cast %get3A_497 : vector<16xf32> to vector<16xf32>
      %get3A_499 = arith.constant 288 : index
      %get3A_500 = tpu.vector_load %arg6[%get3A_499] {strides = array<i32>} : memref<512xf32, #tpu.memory_space<vmem>>, vector<16xf32>,
      %get3A_501 = vector.shape_cast %get3A_500 : vector<16xf32> to vector<16xf32>
      %sub3A_502 = arith.subf %get3A_498, %get3A_501 : vector<16xf32>
      %sub3A_503 = arith.subf %sub3A_502, %broadcast_in_dim3A : vector<16xf32>
      %sub3A_504 = arith.subf %sub3A_502, %broadcast_in_dim3A : vector<16xf32>
      %mul3A_505 = arith.mulf %sub3A_503, %sub3A_504 : vector<16xf32>
      %neg3A_506 = arith.constant 0.000000e+00 : f32
      %neg3A_507 = vector.broadcast %neg3A_506 : f32 to vector<16xf32>
      %neg3A_508 = arith.subf %neg3A_507, %mul3A_505 : vector<16xf32>
      %mul3A_509 = arith.mulf %neg3A_508, %div3A_45 : vector<16xf32>
      %exp3A_510 = math.exp %mul3A_509 : vector<16xf32>
      %mul3A_511 = arith.constant 512 : i32
      %mul3A_512 = arith.muli %scan3A_80, %mul3A_511 : i32
      %add3A_513 = arith.constant 288 : i32
      %add3A_514 = arith.addi %mul3A_512, %add3A_513 : i32
      %swap3A_515 = arith.index_cast %add3A_514 : i32 to index
      %swap3A_516 = tpu.vector_load %arg10[%swap3A_515] {strides = array<i32>} : memref<8192xf32, #tpu.memory_space<vmem>>, vector<16xf32>,
      %swap3A_517 = vector.shape_cast %swap3A_516 : vector<16xf32> to vector<16xf32>
      %swap3A_518 = vector.shape_cast %exp3A_510 : vector<16xf32> to vector<16xf32>
      tpu.vector_store %arg10[%swap3A_515], %swap3A_518 {strides = array<i32>} : memref<8192xf32, #tpu.memory_space<vmem>>, vector<16xf32>,
      %get3A_519 = arith.constant 304 : index
      %get3A_520 = tpu.vector_load %arg7[%get3A_519] {strides = array<i32>} : memref<512xf32, #tpu.memory_space<vmem>>, vector<16xf32>,
      %get3A_521 = vector.shape_cast %get3A_520 : vector<16xf32> to vector<16xf32>
      %get3A_522 = arith.constant 304 : index
      %get3A_523 = tpu.vector_load %arg6[%get3A_522] {strides = array<i32>} : memref<512xf32, #tpu.memory_space<vmem>>, vector<16xf32>,
      %get3A_524 = vector.shape_cast %get3A_523 : vector<16xf32> to vector<16xf32>
      %sub3A_525 = arith.subf %get3A_521, %get3A_524 : vector<16xf32>
      %sub3A_526 = arith.subf %sub3A_525, %broadcast_in_dim3A : vector<16xf32>
      %sub3A_527 = arith.subf %sub3A_525, %broadcast_in_dim3A : vector<16xf32>
      %mul3A_528 = arith.mulf %sub3A_526, %sub3A_527 : vector<16xf32>
      %neg3A_529 = arith.constant 0.000000e+00 : f32
      %neg3A_530 = vector.broadcast %neg3A_529 : f32 to vector<16xf32>
      %neg3A_531 = arith.subf %neg3A_530, %mul3A_528 : vector<16xf32>
      %mul3A_532 = arith.mulf %neg3A_531, %div3A_45 : vector<16xf32>
      %exp3A_533 = math.exp %mul3A_532 : vector<16xf32>
      %mul3A_534 = arith.constant 512 : i32
      %mul3A_535 = arith.muli %scan3A_80, %mul3A_534 : i32
      %add3A_536 = arith.constant 304 : i32
      %add3A_537 = arith.addi %mul3A_535, %add3A_536 : i32
      %swap3A_538 = arith.index_cast %add3A_537 : i32 to index
      %swap3A_539 = tpu.vector_load %arg10[%swap3A_538] {strides = array<i32>} : memref<8192xf32, #tpu.memory_space<vmem>>, vector<16xf32>,
      %swap3A_540 = vector.shape_cast %swap3A_539 : vector<16xf32> to vector<16xf32>
      %swap3A_541 = vector.shape_cast %exp3A_533 : vector<16xf32> to vector<16xf32>
      tpu.vector_store %arg10[%swap3A_538], %swap3A_541 {strides = array<i32>} : memref<8192xf32, #tpu.memory_space<vmem>>, vector<16xf32>,
      %get3A_542 = arith.constant 320 : index
      %get3A_543 = tpu.vector_load %arg7[%get3A_542] {strides = array<i32>} : memref<512xf32, #tpu.memory_space<vmem>>, vector<16xf32>,
      %get3A_544 = vector.shape_cast %get3A_543 : vector<16xf32> to vector<16xf32>
      %get3A_545 = arith.constant 320 : index
      %get3A_546 = tpu.vector_load %arg6[%get3A_545] {strides = array<i32>} : memref<512xf32, #tpu.memory_space<vmem>>, vector<16xf32>,
      %get3A_547 = vector.shape_cast %get3A_546 : vector<16xf32> to vector<16xf32>
      %sub3A_548 = arith.subf %get3A_544, %get3A_547 : vector<16xf32>
      %sub3A_549 = arith.subf %sub3A_548, %broadcast_in_dim3A : vector<16xf32>
      %sub3A_550 = arith.subf %sub3A_548, %broadcast_in_dim3A : vector<16xf32>
      %mul3A_551 = arith.mulf %sub3A_549, %sub3A_550 : vector<16xf32>
      %neg3A_552 = arith.constant 0.000000e+00 : f32
      %neg3A_553 = vector.broadcast %neg3A_552 : f32 to vector<16xf32>
      %neg3A_554 = arith.subf %neg3A_553, %mul3A_551 : vector<16xf32>
      %mul3A_555 = arith.mulf %neg3A_554, %div3A_45 : vector<16xf32>
      %exp3A_556 = math.exp %mul3A_555 : vector<16xf32>
      %mul3A_557 = arith.constant 512 : i32
      %mul3A_558 = arith.muli %scan3A_80, %mul3A_557 : i32
      %add3A_559 = arith.constant 320 : i32
      %add3A_560 = arith.addi %mul3A_558, %add3A_559 : i32
      %swap3A_561 = arith.index_cast %add3A_560 : i32 to index
      %swap3A_562 = tpu.vector_load %arg10[%swap3A_561] {strides = array<i32>} : memref<8192xf32, #tpu.memory_space<vmem>>, vector<16xf32>,
      %swap3A_563 = vector.shape_cast %swap3A_562 : vector<16xf32> to vector<16xf32>
      %swap3A_564 = vector.shape_cast %exp3A_556 : vector<16xf32> to vector<16xf32>
      tpu.vector_store %arg10[%swap3A_561], %swap3A_564 {strides = array<i32>} : memref<8192xf32, #tpu.memory_space<vmem>>, vector<16xf32>,
      %get3A_565 = arith.constant 336 : index
      %get3A_566 = tpu.vector_load %arg7[%get3A_565] {strides = array<i32>} : memref<512xf32, #tpu.memory_space<vmem>>, vector<16xf32>,
      %get3A_567 = vector.shape_cast %get3A_566 : vector<16xf32> to vector<16xf32>
      %get3A_568 = arith.constant 336 : index
      %get3A_569 = tpu.vector_load %arg6[%get3A_568] {strides = array<i32>} : memref<512xf32, #tpu.memory_space<vmem>>, vector<16xf32>,
      %get3A_570 = vector.shape_cast %get3A_569 : vector<16xf32> to vector<16xf32>
      %sub3A_571 = arith.subf %get3A_567, %get3A_570 : vector<16xf32>
      %sub3A_572 = arith.subf %sub3A_571, %broadcast_in_dim3A : vector<16xf32>
      %sub3A_573 = arith.subf %sub3A_571, %broadcast_in_dim3A : vector<16xf32>
      %mul3A_574 = arith.mulf %sub3A_572, %sub3A_573 : vector<16xf32>
      %neg3A_575 = arith.constant 0.000000e+00 : f32
      %neg3A_576 = vector.broadcast %neg3A_575 : f32 to vector<16xf32>
      %neg3A_577 = arith.subf %neg3A_576, %mul3A_574 : vector<16xf32>
      %mul3A_578 = arith.mulf %neg3A_577, %div3A_45 : vector<16xf32>
      %exp3A_579 = math.exp %mul3A_578 : vector<16xf32>
      %mul3A_580 = arith.constant 512 : i32
      %mul3A_581 = arith.muli %scan3A_80, %mul3A_580 : i32
      %add3A_582 = arith.constant 336 : i32
      %add3A_583 = arith.addi %mul3A_581, %add3A_582 : i32
      %swap3A_584 = arith.index_cast %add3A_583 : i32 to index
      %swap3A_585 = tpu.vector_load %arg10[%swap3A_584] {strides = array<i32>} : memref<8192xf32, #tpu.memory_space<vmem>>, vector<16xf32>,
      %swap3A_586 = vector.shape_cast %swap3A_585 : vector<16xf32> to vector<16xf32>
      %swap3A_587 = vector.shape_cast %exp3A_579 : vector<16xf32> to vector<16xf32>
      tpu.vector_store %arg10[%swap3A_584], %swap3A_587 {strides = array<i32>} : memref<8192xf32, #tpu.memory_space<vmem>>, vector<16xf32>,
      %get3A_588 = arith.constant 352 : index
      %get3A_589 = tpu.vector_load %arg7[%get3A_588] {strides = array<i32>} : memref<512xf32, #tpu.memory_space<vmem>>, vector<16xf32>,
      %get3A_590 = vector.shape_cast %get3A_589 : vector<16xf32> to vector<16xf32>
      %get3A_591 = arith.constant 352 : index
      %get3A_592 = tpu.vector_load %arg6[%get3A_591] {strides = array<i32>} : memref<512xf32, #tpu.memory_space<vmem>>, vector<16xf32>,
      %get3A_593 = vector.shape_cast %get3A_592 : vector<16xf32> to vector<16xf32>
      %sub3A_594 = arith.subf %get3A_590, %get3A_593 : vector<16xf32>
      %sub3A_595 = arith.subf %sub3A_594, %broadcast_in_dim3A : vector<16xf32>
      %sub3A_596 = arith.subf %sub3A_594, %broadcast_in_dim3A : vector<16xf32>
      %mul3A_597 = arith.mulf %sub3A_595, %sub3A_596 : vector<16xf32>
      %neg3A_598 = arith.constant 0.000000e+00 : f32
      %neg3A_599 = vector.broadcast %neg3A_598 : f32 to vector<16xf32>
      %neg3A_600 = arith.subf %neg3A_599, %mul3A_597 : vector<16xf32>
      %mul3A_601 = arith.mulf %neg3A_600, %div3A_45 : vector<16xf32>
      %exp3A_602 = math.exp %mul3A_601 : vector<16xf32>
      %mul3A_603 = arith.constant 512 : i32
      %mul3A_604 = arith.muli %scan3A_80, %mul3A_603 : i32
      %add3A_605 = arith.constant 352 : i32
      %add3A_606 = arith.addi %mul3A_604, %add3A_605 : i32
      %swap3A_607 = arith.index_cast %add3A_606 : i32 to index
      %swap3A_608 = tpu.vector_load %arg10[%swap3A_607] {strides = array<i32>} : memref<8192xf32, #tpu.memory_space<vmem>>, vector<16xf32>,
      %swap3A_609 = vector.shape_cast %swap3A_608 : vector<16xf32> to vector<16xf32>
      %swap3A_610 = vector.shape_cast %exp3A_602 : vector<16xf32> to vector<16xf32>
      tpu.vector_store %arg10[%swap3A_607], %swap3A_610 {strides = array<i32>} : memref<8192xf32, #tpu.memory_space<vmem>>, vector<16xf32>,
      %get3A_611 = arith.constant 368 : index
      %get3A_612 = tpu.vector_load %arg7[%get3A_611] {strides = array<i32>} : memref<512xf32, #tpu.memory_space<vmem>>, vector<16xf32>,
      %get3A_613 = vector.shape_cast %get3A_612 : vector<16xf32> to vector<16xf32>
      %get3A_614 = arith.constant 368 : index
      %get3A_615 = tpu.vector_load %arg6[%get3A_614] {strides = array<i32>} : memref<512xf32, #tpu.memory_space<vmem>>, vector<16xf32>,
      %get3A_616 = vector.shape_cast %get3A_615 : vector<16xf32> to vector<16xf32>
      %sub3A_617 = arith.subf %get3A_613, %get3A_616 : vector<16xf32>
      %sub3A_618 = arith.subf %sub3A_617, %broadcast_in_dim3A : vector<16xf32>
      %sub3A_619 = arith.subf %sub3A_617, %broadcast_in_dim3A : vector<16xf32>
      %mul3A_620 = arith.mulf %sub3A_618, %sub3A_619 : vector<16xf32>
      %neg3A_621 = arith.constant 0.000000e+00 : f32
      %neg3A_622 = vector.broadcast %neg3A_621 : f32 to vector<16xf32>
      %neg3A_623 = arith.subf %neg3A_622, %mul3A_620 : vector<16xf32>
      %mul3A_624 = arith.mulf %neg3A_623, %div3A_45 : vector<16xf32>
      %exp3A_625 = math.exp %mul3A_624 : vector<16xf32>
      %mul3A_626 = arith.constant 512 : i32
      %mul3A_627 = arith.muli %scan3A_80, %mul3A_626 : i32
      %add3A_628 = arith.constant 368 : i32
      %add3A_629 = arith.addi %mul3A_627, %add3A_628 : i32
      %swap3A_630 = arith.index_cast %add3A_629 : i32 to index
      %swap3A_631 = tpu.vector_load %arg10[%swap3A_630] {strides = array<i32>} : memref<8192xf32, #tpu.memory_space<vmem>>, vector<16xf32>,
      %swap3A_632 = vector.shape_cast %swap3A_631 : vector<16xf32> to vector<16xf32>
      %swap3A_633 = vector.shape_cast %exp3A_625 : vector<16xf32> to vector<16xf32>
      tpu.vector_store %arg10[%swap3A_630], %swap3A_633 {strides = array<i32>} : memref<8192xf32, #tpu.memory_space<vmem>>, vector<16xf32>,
      %get3A_634 = arith.constant 384 : index
      %get3A_635 = tpu.vector_load %arg7[%get3A_634] {strides = array<i32>} : memref<512xf32, #tpu.memory_space<vmem>>, vector<16xf32>,
      %get3A_636 = vector.shape_cast %get3A_635 : vector<16xf32> to vector<16xf32>
      %get3A_637 = arith.constant 384 : index
      %get3A_638 = tpu.vector_load %arg6[%get3A_637] {strides = array<i32>} : memref<512xf32, #tpu.memory_space<vmem>>, vector<16xf32>,
      %get3A_639 = vector.shape_cast %get3A_638 : vector<16xf32> to vector<16xf32>
      %sub3A_640 = arith.subf %get3A_636, %get3A_639 : vector<16xf32>
      %sub3A_641 = arith.subf %sub3A_640, %broadcast_in_dim3A : vector<16xf32>
      %sub3A_642 = arith.subf %sub3A_640, %broadcast_in_dim3A : vector<16xf32>
      %mul3A_643 = arith.mulf %sub3A_641, %sub3A_642 : vector<16xf32>
      %neg3A_644 = arith.constant 0.000000e+00 : f32
      %neg3A_645 = vector.broadcast %neg3A_644 : f32 to vector<16xf32>
      %neg3A_646 = arith.subf %neg3A_645, %mul3A_643 : vector<16xf32>
      %mul3A_647 = arith.mulf %neg3A_646, %div3A_45 : vector<16xf32>
      %exp3A_648 = math.exp %mul3A_647 : vector<16xf32>
      %mul3A_649 = arith.constant 512 : i32
      %mul3A_650 = arith.muli %scan3A_80, %mul3A_649 : i32
      %add3A_651 = arith.constant 384 : i32
      %add3A_652 = arith.addi %mul3A_650, %add3A_651 : i32
      %swap3A_653 = arith.index_cast %add3A_652 : i32 to index
      %swap3A_654 = tpu.vector_load %arg10[%swap3A_653] {strides = array<i32>} : memref<8192xf32, #tpu.memory_space<vmem>>, vector<16xf32>,
      %swap3A_655 = vector.shape_cast %swap3A_654 : vector<16xf32> to vector<16xf32>
      %swap3A_656 = vector.shape_cast %exp3A_648 : vector<16xf32> to vector<16xf32>
      tpu.vector_store %arg10[%swap3A_653], %swap3A_656 {strides = array<i32>} : memref<8192xf32, #tpu.memory_space<vmem>>, vector<16xf32>,
      %get3A_657 = arith.constant 400 : index
      %get3A_658 = tpu.vector_load %arg7[%get3A_657] {strides = array<i32>} : memref<512xf32, #tpu.memory_space<vmem>>, vector<16xf32>,
      %get3A_659 = vector.shape_cast %get3A_658 : vector<16xf32> to vector<16xf32>
      %get3A_660 = arith.constant 400 : index
      %get3A_661 = tpu.vector_load %arg6[%get3A_660] {strides = array<i32>} : memref<512xf32, #tpu.memory_space<vmem>>, vector<16xf32>,
      %get3A_662 = vector.shape_cast %get3A_661 : vector<16xf32> to vector<16xf32>
      %sub3A_663 = arith.subf %get3A_659, %get3A_662 : vector<16xf32>
      %sub3A_664 = arith.subf %sub3A_663, %broadcast_in_dim3A : vector<16xf32>
      %sub3A_665 = arith.subf %sub3A_663, %broadcast_in_dim3A : vector<16xf32>
      %mul3A_666 = arith.mulf %sub3A_664, %sub3A_665 : vector<16xf32>
      %neg3A_667 = arith.constant 0.000000e+00 : f32
      %neg3A_668 = vector.broadcast %neg3A_667 : f32 to vector<16xf32>
      %neg3A_669 = arith.subf %neg3A_668, %mul3A_666 : vector<16xf32>
      %mul3A_670 = arith.mulf %neg3A_669, %div3A_45 : vector<16xf32>
      %exp3A_671 = math.exp %mul3A_670 : vector<16xf32>
      %mul3A_672 = arith.constant 512 : i32
      %mul3A_673 = arith.muli %scan3A_80, %mul3A_672 : i32
      %add3A_674 = arith.constant 400 : i32
      %add3A_675 = arith.addi %mul3A_673, %add3A_674 : i32
      %swap3A_676 = arith.index_cast %add3A_675 : i32 to index
      %swap3A_677 = tpu.vector_load %arg10[%swap3A_676] {strides = array<i32>} : memref<8192xf32, #tpu.memory_space<vmem>>, vector<16xf32>,
      %swap3A_678 = vector.shape_cast %swap3A_677 : vector<16xf32> to vector<16xf32>
      %swap3A_679 = vector.shape_cast %exp3A_671 : vector<16xf32> to vector<16xf32>
      tpu.vector_store %arg10[%swap3A_676], %swap3A_679 {strides = array<i32>} : memref<8192xf32, #tpu.memory_space<vmem>>, vector<16xf32>,
      %get3A_680 = arith.constant 416 : index
      %get3A_681 = tpu.vector_load %arg7[%get3A_680] {strides = array<i32>} : memref<512xf32, #tpu.memory_space<vmem>>, vector<16xf32>,
      %get3A_682 = vector.shape_cast %get3A_681 : vector<16xf32> to vector<16xf32>
      %get3A_683 = arith.constant 416 : index
      %get3A_684 = tpu.vector_load %arg6[%get3A_683] {strides = array<i32>} : memref<512xf32, #tpu.memory_space<vmem>>, vector<16xf32>,
      %get3A_685 = vector.shape_cast %get3A_684 : vector<16xf32> to vector<16xf32>
      %sub3A_686 = arith.subf %get3A_682, %get3A_685 : vector<16xf32>
      %sub3A_687 = arith.subf %sub3A_686, %broadcast_in_dim3A : vector<16xf32>
      %sub3A_688 = arith.subf %sub3A_686, %broadcast_in_dim3A : vector<16xf32>
      %mul3A_689 = arith.mulf %sub3A_687, %sub3A_688 : vector<16xf32>
      %neg3A_690 = arith.constant 0.000000e+00 : f32
      %neg3A_691 = vector.broadcast %neg3A_690 : f32 to vector<16xf32>
      %neg3A_692 = arith.subf %neg3A_691, %mul3A_689 : vector<16xf32>
      %mul3A_693 = arith.mulf %neg3A_692, %div3A_45 : vector<16xf32>
      %exp3A_694 = math.exp %mul3A_693 : vector<16xf32>
      %mul3A_695 = arith.constant 512 : i32
      %mul3A_696 = arith.muli %scan3A_80, %mul3A_695 : i32
      %add3A_697 = arith.constant 416 : i32
      %add3A_698 = arith.addi %mul3A_696, %add3A_697 : i32
      %swap3A_699 = arith.index_cast %add3A_698 : i32 to index
      %swap3A_700 = tpu.vector_load %arg10[%swap3A_699] {strides = array<i32>} : memref<8192xf32, #tpu.memory_space<vmem>>, vector<16xf32>,
      %swap3A_701 = vector.shape_cast %swap3A_700 : vector<16xf32> to vector<16xf32>
      %swap3A_702 = vector.shape_cast %exp3A_694 : vector<16xf32> to vector<16xf32>
      tpu.vector_store %arg10[%swap3A_699], %swap3A_702 {strides = array<i32>} : memref<8192xf32, #tpu.memory_space<vmem>>, vector<16xf32>,
      %get3A_703 = arith.constant 432 : index
      %get3A_704 = tpu.vector_load %arg7[%get3A_703] {strides = array<i32>} : memref<512xf32, #tpu.memory_space<vmem>>, vector<16xf32>,
      %get3A_705 = vector.shape_cast %get3A_704 : vector<16xf32> to vector<16xf32>
      %get3A_706 = arith.constant 432 : index
      %get3A_707 = tpu.vector_load %arg6[%get3A_706] {strides = array<i32>} : memref<512xf32, #tpu.memory_space<vmem>>, vector<16xf32>,
      %get3A_708 = vector.shape_cast %get3A_707 : vector<16xf32> to vector<16xf32>
      %sub3A_709 = arith.subf %get3A_705, %get3A_708 : vector<16xf32>
      %sub3A_710 = arith.subf %sub3A_709, %broadcast_in_dim3A : vector<16xf32>
      %sub3A_711 = arith.subf %sub3A_709, %broadcast_in_dim3A : vector<16xf32>
      %mul3A_712 = arith.mulf %sub3A_710, %sub3A_711 : vector<16xf32>
      %neg3A_713 = arith.constant 0.000000e+00 : f32
      %neg3A_714 = vector.broadcast %neg3A_713 : f32 to vector<16xf32>
      %neg3A_715 = arith.subf %neg3A_714, %mul3A_712 : vector<16xf32>
      %mul3A_716 = arith.mulf %neg3A_715, %div3A_45 : vector<16xf32>
      %exp3A_717 = math.exp %mul3A_716 : vector<16xf32>
      %mul3A_718 = arith.constant 512 : i32
      %mul3A_719 = arith.muli %scan3A_80, %mul3A_718 : i32
      %add3A_720 = arith.constant 432 : i32
      %add3A_721 = arith.addi %mul3A_719, %add3A_720 : i32
      %swap3A_722 = arith.index_cast %add3A_721 : i32 to index
      %swap3A_723 = tpu.vector_load %arg10[%swap3A_722] {strides = array<i32>} : memref<8192xf32, #tpu.memory_space<vmem>>, vector<16xf32>,
      %swap3A_724 = vector.shape_cast %swap3A_723 : vector<16xf32> to vector<16xf32>
      %swap3A_725 = vector.shape_cast %exp3A_717 : vector<16xf32> to vector<16xf32>
      tpu.vector_store %arg10[%swap3A_722], %swap3A_725 {strides = array<i32>} : memref<8192xf32, #tpu.memory_space<vmem>>, vector<16xf32>,
      %get3A_726 = arith.constant 448 : index
      %get3A_727 = tpu.vector_load %arg7[%get3A_726] {strides = array<i32>} : memref<512xf32, #tpu.memory_space<vmem>>, vector<16xf32>,
      %get3A_728 = vector.shape_cast %get3A_727 : vector<16xf32> to vector<16xf32>
      %get3A_729 = arith.constant 448 : index
      %get3A_730 = tpu.vector_load %arg6[%get3A_729] {strides = array<i32>} : memref<512xf32, #tpu.memory_space<vmem>>, vector<16xf32>,
      %get3A_731 = vector.shape_cast %get3A_730 : vector<16xf32> to vector<16xf32>
      %sub3A_732 = arith.subf %get3A_728, %get3A_731 : vector<16xf32>
      %sub3A_733 = arith.subf %sub3A_732, %broadcast_in_dim3A : vector<16xf32>
      %sub3A_734 = arith.subf %sub3A_732, %broadcast_in_dim3A : vector<16xf32>
      %mul3A_735 = arith.mulf %sub3A_733, %sub3A_734 : vector<16xf32>
      %neg3A_736 = arith.constant 0.000000e+00 : f32
      %neg3A_737 = vector.broadcast %neg3A_736 : f32 to vector<16xf32>
      %neg3A_738 = arith.subf %neg3A_737, %mul3A_735 : vector<16xf32>
      %mul3A_739 = arith.mulf %neg3A_738, %div3A_45 : vector<16xf32>
      %exp3A_740 = math.exp %mul3A_739 : vector<16xf32>
      %mul3A_741 = arith.constant 512 : i32
      %mul3A_742 = arith.muli %scan3A_80, %mul3A_741 : i32
      %add3A_743 = arith.constant 448 : i32
      %add3A_744 = arith.addi %mul3A_742, %add3A_743 : i32
      %swap3A_745 = arith.index_cast %add3A_744 : i32 to index
      %swap3A_746 = tpu.vector_load %arg10[%swap3A_745] {strides = array<i32>} : memref<8192xf32, #tpu.memory_space<vmem>>, vector<16xf32>,
      %swap3A_747 = vector.shape_cast %swap3A_746 : vector<16xf32> to vector<16xf32>
      %swap3A_748 = vector.shape_cast %exp3A_740 : vector<16xf32> to vector<16xf32>
      tpu.vector_store %arg10[%swap3A_745], %swap3A_748 {strides = array<i32>} : memref<8192xf32, #tpu.memory_space<vmem>>, vector<16xf32>,
      %get3A_749 = arith.constant 464 : index
      %get3A_750 = tpu.vector_load %arg7[%get3A_749] {strides = array<i32>} : memref<512xf32, #tpu.memory_space<vmem>>, vector<16xf32>,
      %get3A_751 = vector.shape_cast %get3A_750 : vector<16xf32> to vector<16xf32>
      %get3A_752 = arith.constant 464 : index
      %get3A_753 = tpu.vector_load %arg6[%get3A_752] {strides = array<i32>} : memref<512xf32, #tpu.memory_space<vmem>>, vector<16xf32>,
      %get3A_754 = vector.shape_cast %get3A_753 : vector<16xf32> to vector<16xf32>
      %sub3A_755 = arith.subf %get3A_751, %get3A_754 : vector<16xf32>
      %sub3A_756 = arith.subf %sub3A_755, %broadcast_in_dim3A : vector<16xf32>
      %sub3A_757 = arith.subf %sub3A_755, %broadcast_in_dim3A : vector<16xf32>
      %mul3A_758 = arith.mulf %sub3A_756, %sub3A_757 : vector<16xf32>
      %neg3A_759 = arith.constant 0.000000e+00 : f32
      %neg3A_760 = vector.broadcast %neg3A_759 : f32 to vector<16xf32>
      %neg3A_761 = arith.subf %neg3A_760, %mul3A_758 : vector<16xf32>
      %mul3A_762 = arith.mulf %neg3A_761, %div3A_45 : vector<16xf32>
      %exp3A_763 = math.exp %mul3A_762 : vector<16xf32>
      %mul3A_764 = arith.constant 512 : i32
      %mul3A_765 = arith.muli %scan3A_80, %mul3A_764 : i32
      %add3A_766 = arith.constant 464 : i32
      %add3A_767 = arith.addi %mul3A_765, %add3A_766 : i32
      %swap3A_768 = arith.index_cast %add3A_767 : i32 to index
      %swap3A_769 = tpu.vector_load %arg10[%swap3A_768] {strides = array<i32>} : memref<8192xf32, #tpu.memory_space<vmem>>, vector<16xf32>,
      %swap3A_770 = vector.shape_cast %swap3A_769 : vector<16xf32> to vector<16xf32>
      %swap3A_771 = vector.shape_cast %exp3A_763 : vector<16xf32> to vector<16xf32>
      tpu.vector_store %arg10[%swap3A_768], %swap3A_771 {strides = array<i32>} : memref<8192xf32, #tpu.memory_space<vmem>>, vector<16xf32>,
      %get3A_772 = arith.constant 480 : index
      %get3A_773 = tpu.vector_load %arg7[%get3A_772] {strides = array<i32>} : memref<512xf32, #tpu.memory_space<vmem>>, vector<16xf32>,
      %get3A_774 = vector.shape_cast %get3A_773 : vector<16xf32> to vector<16xf32>
      %get3A_775 = arith.constant 480 : index
      %get3A_776 = tpu.vector_load %arg6[%get3A_775] {strides = array<i32>} : memref<512xf32, #tpu.memory_space<vmem>>, vector<16xf32>,
      %get3A_777 = vector.shape_cast %get3A_776 : vector<16xf32> to vector<16xf32>
      %sub3A_778 = arith.subf %get3A_774, %get3A_777 : vector<16xf32>
      %sub3A_779 = arith.subf %sub3A_778, %broadcast_in_dim3A : vector<16xf32>
      %sub3A_780 = arith.subf %sub3A_778, %broadcast_in_dim3A : vector<16xf32>
      %mul3A_781 = arith.mulf %sub3A_779, %sub3A_780 : vector<16xf32>
      %neg3A_782 = arith.constant 0.000000e+00 : f32
      %neg3A_783 = vector.broadcast %neg3A_782 : f32 to vector<16xf32>
      %neg3A_784 = arith.subf %neg3A_783, %mul3A_781 : vector<16xf32>
      %mul3A_785 = arith.mulf %neg3A_784, %div3A_45 : vector<16xf32>
      %exp3A_786 = math.exp %mul3A_785 : vector<16xf32>
      %mul3A_787 = arith.constant 512 : i32
      %mul3A_788 = arith.muli %scan3A_80, %mul3A_787 : i32
      %add3A_789 = arith.constant 480 : i32
      %add3A_790 = arith.addi %mul3A_788, %add3A_789 : i32
      %swap3A_791 = arith.index_cast %add3A_790 : i32 to index
      %swap3A_792 = tpu.vector_load %arg10[%swap3A_791] {strides = array<i32>} : memref<8192xf32, #tpu.memory_space<vmem>>, vector<16xf32>,
      %swap3A_793 = vector.shape_cast %swap3A_792 : vector<16xf32> to vector<16xf32>
      %swap3A_794 = vector.shape_cast %exp3A_786 : vector<16xf32> to vector<16xf32>
      tpu.vector_store %arg10[%swap3A_791], %swap3A_794 {strides = array<i32>} : memref<8192xf32, #tpu.memory_space<vmem>>, vector<16xf32>,
      %get3A_795 = arith.constant 496 : index
      %get3A_796 = tpu.vector_load %arg7[%get3A_795] {strides = array<i32>} : memref<512xf32, #tpu.memory_space<vmem>>, vector<16xf32>,
      %get3A_797 = vector.shape_cast %get3A_796 : vector<16xf32> to vector<16xf32>
      %get3A_798 = arith.constant 496 : index
      %get3A_799 = tpu.vector_load %arg6[%get3A_798] {strides = array<i32>} : memref<512xf32, #tpu.memory_space<vmem>>, vector<16xf32>,
      %get3A_800 = vector.shape_cast %get3A_799 : vector<16xf32> to vector<16xf32>
      %sub3A_801 = arith.subf %get3A_797, %get3A_800 : vector<16xf32>
      %sub3A_802 = arith.subf %sub3A_801, %broadcast_in_dim3A : vector<16xf32>
      %sub3A_803 = arith.subf %sub3A_801, %broadcast_in_dim3A : vector<16xf32>
      %mul3A_804 = arith.mulf %sub3A_802, %sub3A_803 : vector<16xf32>
      %neg3A_805 = arith.constant 0.000000e+00 : f32
      %neg3A_806 = vector.broadcast %neg3A_805 : f32 to vector<16xf32>
      %neg3A_807 = arith.subf %neg3A_806, %mul3A_804 : vector<16xf32>
      %mul3A_808 = arith.mulf %neg3A_807, %div3A_45 : vector<16xf32>
      %exp3A_809 = math.exp %mul3A_808 : vector<16xf32>
      %mul3A_810 = arith.constant 512 : i32
      %mul3A_811 = arith.muli %scan3A_80, %mul3A_810 : i32
      %add3A_812 = arith.constant 496 : i32
      %add3A_813 = arith.addi %mul3A_811, %add3A_812 : i32
      %swap3A_814 = arith.index_cast %add3A_813 : i32 to index
      %swap3A_815 = tpu.vector_load %arg10[%swap3A_814] {strides = array<i32>} : memref<8192xf32, #tpu.memory_space<vmem>>, vector<16xf32>,
      %swap3A_816 = vector.shape_cast %swap3A_815 : vector<16xf32> to vector<16xf32>
      %swap3A_817 = vector.shape_cast %exp3A_809 : vector<16xf32> to vector<16xf32>
      tpu.vector_store %arg10[%swap3A_814], %swap3A_817 {strides = array<i32>} : memref<8192xf32, #tpu.memory_space<vmem>>, vector<16xf32>,
      %scan3A_818 = arith.constant 0 : i32
      scf.yield %scan3A_818 : i32
    }
    %scan3A_65 = arith.constant 16 : i32
    %mul3A_66 = arith.constant 4096 : i32
    %mul3A_67 = arith.muli %add3A, %mul3A_66 : i32
    %mul3A_68 = arith.constant 128 : i32
    %mul3A_69 = arith.muli %mul3A_67, %mul3A_68 : i32
    %scan3A_70 = arith.constant 0 : i32
    %scan3A_71 = arith.constant 0 : i32
    %scan3A_72 = arith.constant 8 : i32
    %scan3A_73 = arith.addi %scan3A_71, %scan3A_72 : i32
    %scan3A_74 = arith.constant 1 : i32
    %scan3A_75 = scf.for %scan3A_80 = %scan3A_71 to %scan3A_73 step %scan3A_74 iter_args(%scan3A_81 = %scan3A_70) -> (i32)  : i32 {
      %mul3A_82 = arith.constant 2 : i32
      %mul3A_83 = arith.muli %scan3A_80, %mul3A_82 : i32
      %add3A_84 = arith.constant 0 : i32
      %add3A_85 = arith.addi %mul3A_83, %add3A_84 : i32
      %gt3A = arith.constant 0 : i32
      %gt3A_86 = arith.cmpi sgt, %scan3A_80, %gt3A : i32
      %convert_element_type3A = arith.extui %gt3A_86 : i1 to i32
      %cond3A = arith.constant 0 : i32
      %cond3A_87 = arith.cmpi ne, %convert_element_type3A, %cond3A : i32
      scf.if %cond3A_87 {
        %dma_wait3A_107 = tpu.memref_slice %arg5[%mul3A_69] : memref<16777216xf32, #tpu.memory_space<hbm>> -> memref<32768xf32, #tpu.memory_space<hbm>>
        %dma_wait3A_108 = tpu.memref_slice %arg5[%mul3A_69] : memref<16777216xf32, #tpu.memory_space<hbm>> -> memref<32768xf32, #tpu.memory_space<hbm>>
        tpu.wait_dma2 semaphore(%arg13 : memref<!tpu.dma_semaphore, #tpu.memory_space<semaphore_mem>>) src(%arg11 : memref<32768xf32, #tpu.memory_space<vmem>>) dst(%dma_wait3A_108 : memref<32768xf32, #tpu.memory_space<hbm>>)
      } else {
      }
      %mul3A_88 = arith.constant 32768 : i32
      %mul3A_89 = arith.muli %add3A_85, %mul3A_88 : i32
      %add3A_90 = arith.addi %mul3A_69, %mul3A_89 : i32
      %dma_start3A = tpu.memref_slice %arg5[%add3A_90] : memref<16777216xf32, #tpu.memory_space<hbm>> -> memref<32768xf32, #tpu.memory_space<hbm>>
      %dma_start3A_91 = tpu.memref_slice %arg5[%add3A_90] : memref<16777216xf32, #tpu.memory_space<hbm>> -> memref<32768xf32, #tpu.memory_space<hbm>>
      tpu.enqueue_dma source(%arg11 : memref<32768xf32, #tpu.memory_space<vmem>>) target(%dma_start3A_91 : memref<32768xf32, #tpu.memory_space<hbm>>) target_semaphore(%arg13 : memref<!tpu.dma_semaphore, #tpu.memory_space<semaphore_mem>>)
      %mul3A_92 = arith.constant 2 : i32
      %mul3A_93 = arith.muli %scan3A_80, %mul3A_92 : i32
      %add3A_94 = arith.constant 1 : i32
      %add3A_95 = arith.addi %mul3A_93, %add3A_94 : i32
      %gt3A_96 = arith.constant 0 : i32
      %gt3A_97 = arith.cmpi sgt, %scan3A_80, %gt3A_96 : i32
      %convert_element_type3A_98 = arith.extui %gt3A_97 : i1 to i32
      %cond3A_99 = arith.constant 0 : i32
      %cond3A_100 = arith.cmpi ne, %convert_element_type3A_98, %cond3A_99 : i32
      scf.if %cond3A_100 {
        %dma_wait3A_107 = tpu.memref_slice %arg5[%mul3A_69] : memref<16777216xf32, #tpu.memory_space<hbm>> -> memref<32768xf32, #tpu.memory_space<hbm>>
        %dma_wait3A_108 = tpu.memref_slice %arg5[%mul3A_69] : memref<16777216xf32, #tpu.memory_space<hbm>> -> memref<32768xf32, #tpu.memory_space<hbm>>
        tpu.wait_dma2 semaphore(%arg14 : memref<!tpu.dma_semaphore, #tpu.memory_space<semaphore_mem>>) src(%arg12 : memref<32768xf32, #tpu.memory_space<vmem>>) dst(%dma_wait3A_108 : memref<32768xf32, #tpu.memory_space<hbm>>)
      } else {
      }
      %mul3A_101 = arith.constant 32768 : i32
      %mul3A_102 = arith.muli %add3A_95, %mul3A_101 : i32
      %add3A_103 = arith.addi %mul3A_69, %mul3A_102 : i32
      %dma_start3A_104 = tpu.memref_slice %arg5[%add3A_103] : memref<16777216xf32, #tpu.memory_space<hbm>> -> memref<32768xf32, #tpu.memory_space<hbm>>
      %dma_start3A_105 = tpu.memref_slice %arg5[%add3A_103] : memref<16777216xf32, #tpu.memory_space<hbm>> -> memref<32768xf32, #tpu.memory_space<hbm>>
      tpu.enqueue_dma source(%arg12 : memref<32768xf32, #tpu.memory_space<vmem>>) target(%dma_start3A_105 : memref<32768xf32, #tpu.memory_space<hbm>>) target_semaphore(%arg14 : memref<!tpu.dma_semaphore, #tpu.memory_space<semaphore_mem>>)
      %scan3A_106 = arith.constant 0 : i32
      scf.yield %scan3A_106 : i32
    }
    %scan3A_76 = arith.constant 8 : i32
    %dma_wait3A = tpu.memref_slice %arg5[%mul3A_69] : memref<16777216xf32, #tpu.memory_space<hbm>> -> memref<32768xf32, #tpu.memory_space<hbm>>
    %dma_wait3A_77 = tpu.memref_slice %arg5[%mul3A_69] : memref<16777216xf32, #tpu.memory_space<hbm>> -> memref<32768xf32, #tpu.memory_space<hbm>>
    tpu.wait_dma2 semaphore(%arg13 : memref<!tpu.dma_semaphore, #tpu.memory_space<semaphore_mem>>) src(%arg11 : memref<32768xf32, #tpu.memory_space<vmem>>) dst(%dma_wait3A_77 : memref<32768xf32, #tpu.memory_space<hbm>>)
    %dma_wait3A_78 = tpu.memref_slice %arg5[%mul3A_69] : memref<16777216xf32, #tpu.memory_space<hbm>> -> memref<32768xf32, #tpu.memory_space<hbm>>
    %dma_wait3A_79 = tpu.memref_slice %arg5[%mul3A_69] : memref<16777216xf32, #tpu.memory_space<hbm>> -> memref<32768xf32, #tpu.memory_space<hbm>>
    tpu.wait_dma2 semaphore(%arg14 : memref<!tpu.dma_semaphore, #tpu.memory_space<semaphore_mem>>) src(%arg12 : memref<32768xf32, #tpu.memory_space<vmem>>) dst(%dma_wait3A_79 : memref<32768xf32, #tpu.memory_space<hbm>>)
    return
  }
}

</mosaic_0001>

<sc_bundles>
// kernel: kernel.3.cloned.1.call-start
scs
__scs_entry_jumppad:
0x0: {  	(pc) =	sbr.rel $0x88, $3  }
0x1: {  	(tag) =	ssettag $0x0;
	lr =	simm.s32 $0x1  }
0x2: {  	[smem:$0x3F9F] =	sst lr;
	_ =	strace $0xD0000000  }
0x3: {  	_ = 	snop  }
0x4: {  	_ = 	snop  }
0x5: {  	_ = 	snop  }
0x6: {  	_ = 	snop  }
0x7: {  	_ = 	snop  }
__scs_overlays_trampoline_lowered:
0x8: {  	[smem:$0x3FAE] =	sst s0  }
0x9: {  	[smem:$0x3FAF] =	sst s1  }
0xa: {  	[smem:$0x3FB0] =	sst s2  }
0xb: {  	[smem:$0x3FB1] =	sst s3  }
0xc: {  	[smem:$0x3FB2] =	sst s4  }
0xd: {  	[smem:$0x3FB3] =	sst s5  }
0xe: {  	[smem:$0x3FB4] =	sst s6  }
0xf: {  	[smem:$0x3FB5] =	sst s7  }
0x10: {  	[smem:$0x3FB6] =	sst s8  }
0x11: {  	[smem:$0x3FB7] =	sst s9;
	s0 =	simm.s32 @!p0 $0x0  }
0x12: {  	s1 =	sld [smem:$0x3F9D];
	s0 =	simm.s32 @p0 $0x1  }
0x13: {  	[smem:$0x3FB8] =	sst s0;
	s0 =	simm.s32 @!p1 $0x0  }
0x14: {  	s2 =	sld [smem:$0x3F9C];
	s0 =	simm.s32 @p1 $0x1  }
0x15: {  	[smem:$0x3FB9] =	sst s0;
	s0 =	simm.s32 @!p2 $0x0  }
0x16: {  	s3 =	sld [smem:$0x3FDB];
	s0 =	simm.s32 @p2 $0x1  }
0x17: {  	s4 =	simm.s32 $0x1BF5;
	[smem:$0x3FBB] =	sst s0  }
0x18: {  	s0 =	sld [smem:$0x3F9E];
	_ =	swait.ge [sflag:s4], $0x0  }
0x19: {  	s7 =	sld [smem:$0x3F9F]  }
0x1a: {  	s8 =	sadd.s32 $0xFFFFE003, lr  }
0x1b: {  	s9 =	sadd.s32 $0xFFFFFEF7, lr;
	s5 =	simm.s32 $0xFFFFFFFF;
	p2 =	slt.u32 s8, $0xFFFFF086  }
0x1c: {  	p1 =	slt.u32 s9, $0xF7A;
	s5 =	simm.s32 @!p2 $0x0  }
0x1d: {  	s5 =	simm.s32 @p1 $0x1;
	p0 =	seq.s32 s7, s2  }
0x1e: {  	s7 =	smul.u32 @!p0 $0xF7A, s2;
	p2 =	seq.s32 @!p0 s5, $0x0  }
0x1f: {  	s9 =	smul.u32 $0xF7A, s1;
	s8 =	simm.s32 @!p0 $0x1BF5;
	p2 =	por !p2, p0  }
0x20: {  	[sflag:s8] =	ssyncset.s32 @!p0 $0xFFFFF086;
	s6 =	sadd.s32 @!p0 s3, s7;
	s7 =	simm.s32 @!p0 $0x108  }
0x21: {  	s3 =	sadd.s32 s3, s9;
	s6 =	sadd.s32 @!p0 $0x88, s6;
	s7 =	simm.s32 @p2 $0x1082  }
0x22: {  	[simem:s7], [sflag:s8] =	dma.local @!p0 [hbm:s6], $0xF7A  }
0x23: {  	s9 =	sor.u32 $0xD0000000, s2;
	s6 =	simm.s32 $0x108;
	_ =	swait.ge @!p0 [sflag:s8], $0x0  }
0x24: {  	s3 =	sadd.s32 $0x88, s3;
	s6 =	simm.s32 @!p1 $0x1082;
	[sflag:s4] =	ssyncset.s32 $0xFFFFF086  }
0x25: {  	[simem:s6], [sflag:s4] =	dma.local [hbm:s3], $0xF7A  }
0x26: {  	[smem:$0x3F9F] =	sst s1;
	(tag) =	ssettag s2;
	_ =	strace s9  }
0x27: {  	s1 =	sld [smem:$0x3FAF]  }
0x28: {  	s2 =	sld [smem:$0x3FB0]  }
0x29: {  	s4 =	sld [smem:$0x3FB2]  }
0x2a: {  	p0 =	seq.s32 s5, $0x0;
	s5 =	sld [smem:$0x3FB3]  }
0x2b: {  	s6 =	sld [smem:$0x3FB4]  }
0x2c: {  	s7 =	sld [smem:$0x3FB5]  }
0x2d: {  	s3 =	simm.s32 $0x108;
	s8 =	sld [smem:$0x3FB6]  }
0x2e: {  	s3 =	simm.s32 @!p0 $0x1082;
	s9 =	sld [smem:$0x3FB7]  }
0x2f: {  	lr =	sadd.s32 s0, s3;
	s0 =	sld [smem:$0x3FAE]  }
0x30: {  	s3 =	sld [smem:$0x3FB1]  }
0x31: {  	[smem:$0x3FBA] =	sst s10  }
0x32: {  	s10 =	sld [smem:$0x3FB8];
	_ =	sdelay $0x3  }
0x33: {  	p0 =	seq.s32 s10, $0x1;
	s10 =	sld [smem:$0x3FBA];
	_ =	sdelay $0x3  }
0x34: {  	[smem:$0x3FBA] =	sst s10  }
0x35: {  	s10 =	sld [smem:$0x3FB9];
	_ =	sdelay $0x3  }
0x36: {  	p1 =	seq.s32 s10, $0x1;
	s10 =	sld [smem:$0x3FBA];
	_ =	sdelay $0x3  }
0x37: {  	[smem:$0x3FBA] =	sst s10  }
0x38: {  	s10 =	sld [smem:$0x3FBB]  }
0x39: {  	_ = 	snop;
	(pc) =	sbr.ind lr, $3  }
0x3a: {  	_ = 	snop  }
0x3b: {  	_ = 	snop  }
0x3c: {  	p2 =	seq.s32 s10, $0x1;
	s10 =	sld [smem:$0x3FBA]  }
0x3d: {  	_ =	shalt  }
0x3e: {  	_ =	shalt  }
0x3f: {  	_ =	shalt  }
0x40: {  	_ =	shalt  }
0x41: {  	_ =	shalt  }
0x42: {  	_ =	shalt  }
0x43: {  	_ =	shalt  }
0x44: {  	_ =	shalt  }
0x45: {  	_ =	shalt  }
0x46: {  	_ =	shalt  }
0x47: {  	_ =	shalt  }
0x48: {  	_ =	shalt  }
0x49: {  	_ =	shalt  }
0x4a: {  	_ =	shalt  }
0x4b: {  	_ =	shalt  }
0x4c: {  	_ =	shalt  }
0x4d: {  	_ =	shalt  }
0x4e: {  	_ =	shalt  }
0x4f: {  	_ =	shalt  }
0x50: {  	_ =	shalt  }
0x51: {  	_ =	shalt  }
0x52: {  	_ =	shalt  }
0x53: {  	_ =	shalt  }
0x54: {  	_ =	shalt  }
0x55: {  	_ =	shalt  }
0x56: {  	_ =	shalt  }
0x57: {  	_ =	shalt  }
0x58: {  	_ =	shalt  }
0x59: {  	_ =	shalt  }
0x5a: {  	_ =	shalt  }
0x5b: {  	_ =	shalt  }
0x5c: {  	_ =	shalt  }
0x5d: {  	_ =	shalt  }
0x5e: {  	_ =	shalt  }
0x5f: {  	_ =	shalt  }
0x60: {  	_ =	shalt  }
0x61: {  	_ =	shalt  }
0x62: {  	_ =	shalt  }
0x63: {  	_ =	shalt  }
0x64: {  	_ =	shalt  }
0x65: {  	_ =	shalt  }
0x66: {  	_ =	shalt  }
0x67: {  	_ =	shalt  }
0x68: {  	_ =	shalt  }
0x69: {  	_ =	shalt  }
0x6a: {  	_ =	shalt  }
0x6b: {  	_ =	shalt  }
0x6c: {  	_ =	shalt  }
0x6d: {  	_ =	shalt  }
0x6e: {  	_ =	shalt  }
0x6f: {  	_ =	shalt  }
0x70: {  	_ =	shalt  }
0x71: {  	_ =	shalt  }
0x72: {  	_ =	shalt  }
0x73: {  	_ =	shalt  }
0x74: {  	_ =	shalt  }
0x75: {  	_ =	shalt  }
0x76: {  	_ =	shalt  }
0x77: {  	_ =	shalt  }
0x78: {  	_ =	shalt  }
0x79: {  	_ =	shalt  }
0x7a: {  	_ =	shalt  }
0x7b: {  	_ =	shalt  }
0x7c: {  	_ =	shalt  }
0x7d: {  	_ =	shalt  }
0x7e: {  	_ =	shalt  }
0x7f: {  	_ =	shalt  }
0x80: {  	_ =	shalt  }
0x81: {  	_ =	shalt  }
0x82: {  	_ =	shalt  }
0x83: {  	_ =	shalt  }
0x84: {  	_ =	shalt  }
0x85: {  	_ =	shalt  }
0x86: {  	_ =	shalt  }
0x87: {  	_ =	shalt  }
.Lfunc_end0:
.L_simem_size_0:
called_computation_lowered:
.L_overlay_start_0:
0x88: {  	s2 =	sld [smem:$0x3FD9]  }
0x89: {  	s3 =	sld [smem:$0x3FFE];
	_ =	sdelay $0x1  }
0x8a: {  	s1 =	srdreg.scid  }
0x8b: {  	s0 =	sand.u32 $0x1, s1  }
0x8c: {  	s17 =	sshll.u32 s0, $0xA;
	s2 =	sadd.s32 s3, s2  }
0x8d: {  	s2 =	sadd.s32 s2, s17  }
0x8e: {  	[smem:$0x3FC6] =	sst s2  }
0x8f: {  	_ = 	snop  }
0x90: {  	s2 =	sld [smem:$0x3FD0];
	(tm) =	ssettm $0x1  }
0x91: {  	s18 =	sld [smem:$0x3FFB];
	_ =	sdelay $0x3  }
0x92: {  	_ =	strace s18  }
0x93: {  	s3 =	sld [smem:$0x3FFC];
	_ =	sdelay $0x3  }
0x94: {  	_ =	strace s3  }
0x95: {  	s3 =	sld [smem:$0x3FFD];
	_ =	sdelay $0x3  }
0x96: {  	_ =	strace s3  }
0x97: {  	_ =	strace $0x8FFFFFFF  }
0x98: {  	s19 =	sld [smem:$0x3FDB];
	_ =	sdelay $0x1  }
0x99: {  	s4 =	simm.s32 $_scs_section_size  }
0x9a: {  	s5 =	simm.s32 $_size__tile_overlayer_lowered;
	s6 =	simm.s32 $_tile_overlayer_lowered  }
0x9b: {  	s22 =	simm.s32 $0x1BFF;
	s21 =	sshll.u32 s6, $0x1;
	s3 =	sadd.s32 s4, s19  }
0x9c: {  	s7 =	simm.s32 $0x0;
	s20 =	sshll.u32 s5, $0x1;
	s5 =	sadd.s32 s21, s3  }
0x9d: {  	[timem:s7], [sflag:s22] =	dma.local [hbm:s5], s20  }
0x9e: {  	_ =	swait.ge [sflag:s22], s20  }
0x9f: {  	s4 =	ssub.s32 $0x0, s20;
	[sflag:s22] =	ssyncset.done $0x0  }
0xa0: {  	[sflag:s22] =	ssyncadd.s32 s4;
	_ =	sdelay $0x1  }
0xa1: {  	s23 =	simm.s32 $0x1B8B  }
0xa2: {  	_ =	swait.ge [sflag:s23], $0x1  }
0xa3: {  	[sflag:s23] =	ssyncset.done $0x0  }
0xa4: {  	s25 =	simm.s32 $0x1B8E;
	s24 =	sld [smem:$0x3FFE];
	[sflag:s23] =	ssyncadd.s32 $0xFFFFFFFF  }
0xa5: {  	s26 =	simm.s32 $execute0_lowered;
	[smem:$0x3FD2] =	sst s25  }
0xa6: {  	s5 =	sshll.u32 s26, $0x1;
	_ =	strace $0x80000046;
	[dreg:$0x1] =	wrdreg $0xFFFFFFFF  }
0xa7: {  	s28 =	simm.s32 $_size_execute0_lowered;
	s3 =	sadd.s32 s3, s5;
	[dreg:$0x0] =	wrdreg $0x0  }
0xa8: {  	s5 =	sshll.u32 s28, $0x1;
	[dreg:$0x2] =	wrdreg s3  }
0xa9: {  	[dreg:$0x3] =	wrdreg s5  }
0xaa: {  	[dreg:$0x4] =	wrdreg $0xC0  }
0xab: {  	_ =	task [dreg:s7], $0x5FFFF  }
0xac: {  	[dreg:$0x1] =	wrdreg $0xFFFFFFFF  }
0xad: {  	[dreg:$0x0] =	wrdreg $0x60  }
0xae: {  	[dreg:$0x2] =	wrdreg s24  }
0xaf: {  	[dreg:$0x3] =	wrdreg s2  }
0xb0: {  	[dreg:$0x4] =	wrdreg $0x9  }
0xb1: {  	_ =	task.clear_ibuf [dreg:s7], $0x5FFFF;
	_ =	strace $0x90000046  }
0xb2: {  	s29 =	simm.s32 $0x9;
	_ =	strace $0x80000048  }
0xb3: {  	_ =	swait.ge [sflag:s29], $0x1  }
0xb4: {  	[sflag:s29] =	ssyncadd.s32 $0xFFFFFFFF  }
0xb5: {  	_ =	strace $0x90000048  }
0xb6: {  	_ =	sfence  }
0xb7: {  	s30 =	sld [smem:$0x0];
	_ =	sdelay $0x2  }
0xb8: {  	s31 =	sshll.u32 s1, $0xD;
	s1 =	sshrl.u32 s1, $0x2  }
0xb9: {  	s3 =	sand.u32 $0x4000, s31;
	s1 =	sadd.s32 s1, s30  }
0xba: {  	s0 =	sor.u32 s3, s0;
	s1 =	sshll.u32 s1, $0x11  }
0xbb: {  	s0 =	sor.u32 s1, s0  }
0xbc: {  	s0 =	sadd.s32 $0x8F2B, s0  }
0xbd: {  	[sflag:s0] =	ssyncadd.remote.s32 $0x1  }
0xbe: {  	_ =	sfence.sel $0xFFFF  }
0xbf: {  	[dreg:$0x0] =	wrdreg $0xFFFFFFFF;
	(pc) =	sbr.abs _section_cstart, $3  }
0xc0: {  	[dreg:$0x1] =	wrdreg $0xFFFFFFFF  }
0xc1: {  	_ =	task.clear_ibuf [dreg:s7], $0x2FFFF;
	_ =	strace $0x9FFFFFFF  }
0xc2: {  	(tm) =	ssettm $0x7FFFFFFF  }
0xc3: {  	_ =	shalt  }
tec
execute0_lowered:
.L_overlay_start_1:
0x0: {  	(tag) =	ssettag $0x1  }
0x1: {  	s0 =	rddreg [dreg:$0x0]  }
0x2: {  	s1 =	rddreg [dreg:$0x1];
	s7 =	stileid.u32;
	s2 =	simm.s32 $0x0  }
0x3: {  	s3 =	srdreg.scid;
	s28 =	simm.s32 $0xA480;
	s29 =	simm.s32 $0x12480  }
0x4: {  	s30 =	simm.s32 $0x1;
	s31 =	simm.s32 $0x2;
	s23 =	sshll.u32 s7, $0x5  }
0x5: {  	[smem:$0x7FF] =	sst s2;
	s21 =	sand.u32 $0x1, s3;
	s7 =	sshll.u32 s7, $0x11  }
0x6: {  	s3 =	sadd.s32 $0xA00, s0;
	s4 =	sand.u32 $0x1C0, s23;
	_ =	strace $0x80000047  }
0x7: {  	s22 =	ssub.s32 $0x2, s21;
	s8 =	sshll.u32 s21, $0x10;
	s26 =	sshll.u32 s21, $0x4  }
0x8: {  	s5 =	sadd.s32 s4, s0;
	s6 =	sshrl.u32 s22, $0x1;
	s25 =	sor.u32 s8, s7  }
0x9: {  	s0 =	sor.u32 s26, s23;
	s24 =	ssub.s32 s22, s6;
	s4 =	sadd.s32 $0x800, s5  }
0xa: {  	s5 =	sadd.s32 $0x600, s5;
	s6 =	sadd.s32 s1, s25;
	s23 =	sand.u32 $0x30, s0  }
0xb: {  	s0 =	simm.s32 $0x0;
	s7 =	smax.u32 s24, $0x1;
	s8 =	sadd.s32 $0x1000, s6  }
0xc: {  	s9 =	sadd.s32 $0x2000, s6;
	s10 =	sadd.s32 $0x3000, s6;
	s11 =	sadd.s32 $0x4000, s6  }
0xd: {  	s12 =	sadd.s32 $0x5000, s6;
	s13 =	sadd.s32 $0x6000, s6;
	s14 =	sadd.s32 $0x7000, s6  }
0xe: {  	s15 =	sadd.s32 $0x8000, s6;
	s16 =	sadd.s32 $0x9000, s6;
	s17 =	sadd.s32 $0xA000, s6  }
0xf: {  	s18 =	sadd.s32 $0xB000, s6;
	s19 =	sadd.s32 $0xC000, s6;
	s20 =	sadd.s32 $0xD000, s6  }
0x10: {  	s21 =	sadd.s32 $0xE000, s6;
	s22 =	sadd.s32 $0xF000, s6;
	s24 =	simm.s32 $0x3  }
.LBB2_1:
0x11: {  	[tilespmem:s2], [sflag:$0x3] =	stream.linear.gather [hbm4b:s4+s2], $0x200, $0x38;
	[tilespmem:$0x1A480] =	vst v63  }
0x12: {  	_ =	swait.ge [sflag:s24], $0x200  }
0x13: {  	[sflag:s24] =	ssyncset.done $0x0  }
0x14: {  	s1 =	simm.s32 $0x200;
	[sflag:s24] =	ssyncadd.s32 $0xFFFFFE00  }
0x15: {  	[tilespmem:s1], [sflag:$0x3] =	stream.linear.gather [hbm4b:s5+s2], $0x200, $0x38;
	[tilespmem:$0x1A480] =	vst v63  }
0x16: {  	_ =	swait.ge [sflag:s24], $0x200  }
0x17: {  	[sflag:s24] =	ssyncset.done $0x0  }
0x18: {  	s25 =	simm.s32 $0x400;
	[sflag:s24] =	ssyncadd.s32 $0xFFFFFE00  }
0x19: {  	[tilespmem:s25], [sflag:$0x3] =	stream.linear.gather [hbm4b:s3+s2], $0x80, $0x38;
	[tilespmem:$0x1A480] =	vst v63  }
0x1a: {  	_ =	swait.ge [sflag:s24], $0x80  }
0x1b: {  	[sflag:s24] =	ssyncset.done $0x0  }
0x1c: {  	[sflag:s24] =	ssyncadd.s32 $0xFFFFFF80  }
0x1d: {  	v1 =	vld [tilespmem:$0x400];
	_ =	sdelay $0x4  }
0x1e: {  	v0 =	vadd.f32 v1, v1;
	_ =	sdelay $0x1  }
0x1f: {  	s26 =	scvt.s32.f32 s2;
	v3 =	vld [tilespmem:$0x0];
	v0 =	vmul.f32 v0, v1;
	_ =	sdelay $0x1  }
0x20: {  	s1 =	smul.f32 $1.562500000e-02, s26;
	(erf) = vrcp.f32 v0;
	_ =	sdelay $0x1  }
0x21: {  	v2 =	vmov s1  }
0x22: {  	v0 =	vsub.f32 v3, v2;
	_ =	sdelay $0x1  }
0x23: {  	v0 =	vmul.f32 v0, v0;
	_ =	sdelay $0x2  }
0x24: {  	v3 =	vsub.f32 $0.0e+00, v0  }
0x25: {  	v4 =	vmul.f32 $6.283185480e+00, v1;
	v0 =	vpop (erf)  }
0x26: {  	v3 =	vmul.f32 v3, v0  }
0x27: {  	v1 =	vmul.f32 v4, v1  }
0x28: {  	v3 =	vmul.f32 $1.442695020e+00, v3  }
0x29: {  	(erf) = vrcp.f32 v1  }
0x2a: {  	(erf) = vpow2.f32 v3;
	_ =	sdelay $0x7  }
0x2b: {  	v1 =	vpop (erf)  }
0x2c: {  	v3 =	vpop (erf)  }
0x2d: {  	v3 =	vmul.f32 v3, v1  }
0x2e: {  	s1 =	simm.s32 $0x580  }
0x2f: {  	[tilespmem:s1+$0xFFFFFF00] =	vst v3  }
0x30: {  	v3 =	vld [tilespmem:$0x10];
	_ =	sdelay $0x4  }
0x31: {  	v3 =	vsub.f32 v3, v2;
	_ =	sdelay $0x1  }
0x32: {  	v3 =	vmul.f32 v3, v3;
	_ =	sdelay $0x1  }
0x33: {  	v3 =	vsub.f32 $0.0e+00, v3;
	_ =	sdelay $0x1  }
0x34: {  	v3 =	vmul.f32 v3, v0;
	_ =	sdelay $0x1  }
0x35: {  	v3 =	vmul.f32 $1.442695020e+00, v3;
	_ =	sdelay $0x1  }
0x36: {  	(erf) = vpow2.f32 v3;
	_ =	sdelay $0x8  }
0x37: {  	v3 =	vpop (erf)  }
0x38: {  	v3 =	vmul.f32 v3, v1;
	_ =	sdelay $0x1  }
0x39: {  	[tilespmem:s1+$0xFFFFFF10] =	vst v3  }
0x3a: {  	v3 =	vld [tilespmem:$0x20];
	_ =	sdelay $0x4  }
0x3b: {  	v3 =	vsub.f32 v3, v2;
	_ =	sdelay $0x1  }
0x3c: {  	v3 =	vmul.f32 v3, v3;
	_ =	sdelay $0x1  }
0x3d: {  	v3 =	vsub.f32 $0.0e+00, v3;
	_ =	sdelay $0x1  }
0x3e: {  	v3 =	vmul.f32 v3, v0;
	_ =	sdelay $0x1  }
0x3f: {  	v3 =	vmul.f32 $1.442695020e+00, v3;
	_ =	sdelay $0x1  }
0x40: {  	(erf) = vpow2.f32 v3;
	_ =	sdelay $0x8  }
0x41: {  	v3 =	vpop (erf)  }
0x42: {  	v3 =	vmul.f32 v3, v1;
	_ =	sdelay $0x1  }
0x43: {  	[tilespmem:s1+$0xFFFFFF20] =	vst v3  }
0x44: {  	v3 =	vld [tilespmem:$0x30];
	_ =	sdelay $0x4  }
0x45: {  	v3 =	vsub.f32 v3, v2;
	_ =	sdelay $0x1  }
0x46: {  	v3 =	vmul.f32 v3, v3;
	_ =	sdelay $0x1  }
0x47: {  	v3 =	vsub.f32 $0.0e+00, v3;
	_ =	sdelay $0x1  }
0x48: {  	v3 =	vmul.f32 v3, v0;
	_ =	sdelay $0x1  }
0x49: {  	v3 =	vmul.f32 $1.442695020e+00, v3;
	_ =	sdelay $0x1  }
0x4a: {  	(erf) = vpow2.f32 v3;
	_ =	sdelay $0x8  }
0x4b: {  	v3 =	vpop (erf)  }
0x4c: {  	v3 =	vmul.f32 v3, v1;
	_ =	sdelay $0x1  }
0x4d: {  	[tilespmem:s1+$0xFFFFFF30] =	vst v3  }
0x4e: {  	v3 =	vld [tilespmem:$0x40];
	_ =	sdelay $0x4  }
0x4f: {  	v3 =	vsub.f32 v3, v2;
	_ =	sdelay $0x1  }
0x50: {  	v3 =	vmul.f32 v3, v3;
	_ =	sdelay $0x1  }
0x51: {  	v3 =	vsub.f32 $0.0e+00, v3;
	_ =	sdelay $0x1  }
0x52: {  	v3 =	vmul.f32 v3, v0;
	_ =	sdelay $0x1  }
0x53: {  	v3 =	vmul.f32 $1.442695020e+00, v3;
	_ =	sdelay $0x1  }
0x54: {  	(erf) = vpow2.f32 v3;
	_ =	sdelay $0x8  }
0x55: {  	v3 =	vpop (erf)  }
0x56: {  	v3 =	vmul.f32 v3, v1;
	_ =	sdelay $0x1  }
0x57: {  	[tilespmem:s1+$0xFFFFFF40] =	vst v3  }
0x58: {  	v3 =	vld [tilespmem:$0x50];
	_ =	sdelay $0x4  }
0x59: {  	v3 =	vsub.f32 v3, v2;
	_ =	sdelay $0x1  }
0x5a: {  	v3 =	vmul.f32 v3, v3;
	_ =	sdelay $0x1  }
0x5b: {  	v3 =	vsub.f32 $0.0e+00, v3;
	_ =	sdelay $0x1  }
0x5c: {  	v3 =	vmul.f32 v3, v0;
	_ =	sdelay $0x1  }
0x5d: {  	v3 =	vmul.f32 $1.442695020e+00, v3;
	_ =	sdelay $0x1  }
0x5e: {  	(erf) = vpow2.f32 v3;
	_ =	sdelay $0x8  }
0x5f: {  	v3 =	vpop (erf)  }
0x60: {  	v3 =	vmul.f32 v3, v1;
	_ =	sdelay $0x1  }
0x61: {  	[tilespmem:s1+$0xFFFFFF50] =	vst v3  }
0x62: {  	v3 =	vld [tilespmem:$0x60];
	_ =	sdelay $0x4  }
0x63: {  	v3 =	vsub.f32 v3, v2;
	_ =	sdelay $0x1  }
0x64: {  	v3 =	vmul.f32 v3, v3;
	_ =	sdelay $0x1  }
0x65: {  	v3 =	vsub.f32 $0.0e+00, v3;
	_ =	sdelay $0x1  }
0x66: {  	v3 =	vmul.f32 v3, v0;
	_ =	sdelay $0x1  }
0x67: {  	v3 =	vmul.f32 $1.442695020e+00, v3;
	_ =	sdelay $0x1  }
0x68: {  	(erf) = vpow2.f32 v3;
	_ =	sdelay $0x8  }
0x69: {  	v3 =	vpop (erf)  }
0x6a: {  	v3 =	vmul.f32 v3, v1;
	_ =	sdelay $0x1  }
0x6b: {  	[tilespmem:s1+$0xFFFFFF60] =	vst v3  }
0x6c: {  	v3 =	vld [tilespmem:$0x70];
	_ =	sdelay $0x4  }
0x6d: {  	v3 =	vsub.f32 v3, v2;
	_ =	sdelay $0x1  }
0x6e: {  	v3 =	vmul.f32 v3, v3;
	_ =	sdelay $0x1  }
0x6f: {  	v3 =	vsub.f32 $0.0e+00, v3;
	_ =	sdelay $0x1  }
0x70: {  	v3 =	vmul.f32 v3, v0;
	_ =	sdelay $0x1  }
0x71: {  	v3 =	vmul.f32 $1.442695020e+00, v3;
	_ =	sdelay $0x1  }
0x72: {  	(erf) = vpow2.f32 v3;
	_ =	sdelay $0x8  }
0x73: {  	v3 =	vpop (erf)  }
0x74: {  	v3 =	vmul.f32 v3, v1;
	_ =	sdelay $0x1  }
0x75: {  	[tilespmem:s1+$0xFFFFFF70] =	vst v3  }
0x76: {  	v3 =	vld [tilespmem:$0x80];
	_ =	sdelay $0x4  }
0x77: {  	v3 =	vsub.f32 v3, v2;
	_ =	sdelay $0x1  }
0x78: {  	v3 =	vmul.f32 v3, v3;
	_ =	sdelay $0x1  }
0x79: {  	v3 =	vsub.f32 $0.0e+00, v3;
	_ =	sdelay $0x1  }
0x7a: {  	v3 =	vmul.f32 v3, v0;
	_ =	sdelay $0x1  }
0x7b: {  	v3 =	vmul.f32 $1.442695020e+00, v3;
	_ =	sdelay $0x1  }
0x7c: {  	(erf) = vpow2.f32 v3;
	_ =	sdelay $0x8  }
0x7d: {  	v3 =	vpop (erf)  }
0x7e: {  	v3 =	vmul.f32 v3, v1;
	_ =	sdelay $0x1  }
0x7f: {  	[tilespmem:s1+$0xFFFFFF80] =	vst v3  }
0x80: {  	v3 =	vld [tilespmem:$0x90];
	_ =	sdelay $0x4  }
0x81: {  	v3 =	vsub.f32 v3, v2;
	_ =	sdelay $0x1  }
0x82: {  	v3 =	vmul.f32 v3, v3;
	_ =	sdelay $0x1  }
0x83: {  	v3 =	vsub.f32 $0.0e+00, v3;
	_ =	sdelay $0x1  }
0x84: {  	v3 =	vmul.f32 v3, v0;
	_ =	sdelay $0x1  }
0x85: {  	v3 =	vmul.f32 $1.442695020e+00, v3;
	_ =	sdelay $0x1  }
0x86: {  	(erf) = vpow2.f32 v3;
	_ =	sdelay $0x8  }
0x87: {  	v3 =	vpop (erf)  }
0x88: {  	v3 =	vmul.f32 v3, v1;
	_ =	sdelay $0x1  }
0x89: {  	[tilespmem:s1+$0xFFFFFF90] =	vst v3  }
0x8a: {  	v3 =	vld [tilespmem:$0xA0];
	_ =	sdelay $0x4  }
0x8b: {  	v3 =	vsub.f32 v3, v2;
	_ =	sdelay $0x1  }
0x8c: {  	v3 =	vmul.f32 v3, v3;
	_ =	sdelay $0x1  }
0x8d: {  	v3 =	vsub.f32 $0.0e+00, v3;
	_ =	sdelay $0x1  }
0x8e: {  	v3 =	vmul.f32 v3, v0;
	_ =	sdelay $0x1  }
0x8f: {  	v3 =	vmul.f32 $1.442695020e+00, v3;
	_ =	sdelay $0x1  }
0x90: {  	(erf) = vpow2.f32 v3;
	_ =	sdelay $0x8  }
0x91: {  	v3 =	vpop (erf)  }
0x92: {  	v3 =	vmul.f32 v3, v1;
	_ =	sdelay $0x1  }
0x93: {  	[tilespmem:s1+$0xFFFFFFA0] =	vst v3  }
0x94: {  	v3 =	vld [tilespmem:$0xB0];
	_ =	sdelay $0x4  }
0x95: {  	v3 =	vsub.f32 v3, v2;
	_ =	sdelay $0x1  }
0x96: {  	v3 =	vmul.f32 v3, v3;
	_ =	sdelay $0x1  }
0x97: {  	v3 =	vsub.f32 $0.0e+00, v3;
	_ =	sdelay $0x1  }
0x98: {  	v3 =	vmul.f32 v3, v0;
	_ =	sdelay $0x1  }
0x99: {  	v3 =	vmul.f32 $1.442695020e+00, v3;
	_ =	sdelay $0x1  }
0x9a: {  	(erf) = vpow2.f32 v3;
	_ =	sdelay $0x8  }
0x9b: {  	v3 =	vpop (erf)  }
0x9c: {  	v3 =	vmul.f32 v3, v1;
	_ =	sdelay $0x1  }
0x9d: {  	[tilespmem:s1+$0xFFFFFFB0] =	vst v3  }
0x9e: {  	v3 =	vld [tilespmem:$0xC0];
	_ =	sdelay $0x4  }
0x9f: {  	v3 =	vsub.f32 v3, v2;
	_ =	sdelay $0x1  }
0xa0: {  	v3 =	vmul.f32 v3, v3;
	_ =	sdelay $0x1  }
0xa1: {  	v3 =	vsub.f32 $0.0e+00, v3;
	_ =	sdelay $0x1  }
0xa2: {  	v3 =	vmul.f32 v3, v0;
	_ =	sdelay $0x1  }
0xa3: {  	v3 =	vmul.f32 $1.442695020e+00, v3;
	_ =	sdelay $0x1  }
0xa4: {  	(erf) = vpow2.f32 v3;
	_ =	sdelay $0x8  }
0xa5: {  	v3 =	vpop (erf)  }
0xa6: {  	v3 =	vmul.f32 v3, v1;
	_ =	sdelay $0x1  }
0xa7: {  	[tilespmem:s1+$0xFFFFFFC0] =	vst v3  }
0xa8: {  	v3 =	vld [tilespmem:$0xD0];
	_ =	sdelay $0x4  }
0xa9: {  	v3 =	vsub.f32 v3, v2;
	_ =	sdelay $0x1  }
0xaa: {  	v3 =	vmul.f32 v3, v3;
	_ =	sdelay $0x1  }
0xab: {  	v3 =	vsub.f32 $0.0e+00, v3;
	_ =	sdelay $0x1  }
0xac: {  	v3 =	vmul.f32 v3, v0;
	_ =	sdelay $0x1  }
0xad: {  	v3 =	vmul.f32 $1.442695020e+00, v3;
	_ =	sdelay $0x1  }
0xae: {  	(erf) = vpow2.f32 v3;
	_ =	sdelay $0x8  }
0xaf: {  	v3 =	vpop (erf)  }
0xb0: {  	v3 =	vmul.f32 v3, v1;
	_ =	sdelay $0x1  }
0xb1: {  	[tilespmem:s1+$0xFFFFFFD0] =	vst v3  }
0xb2: {  	v3 =	vld [tilespmem:$0xE0];
	_ =	sdelay $0x4  }
0xb3: {  	v3 =	vsub.f32 v3, v2;
	_ =	sdelay $0x1  }
0xb4: {  	v3 =	vmul.f32 v3, v3;
	_ =	sdelay $0x1  }
0xb5: {  	v3 =	vsub.f32 $0.0e+00, v3;
	_ =	sdelay $0x1  }
0xb6: {  	v3 =	vmul.f32 v3, v0;
	_ =	sdelay $0x1  }
0xb7: {  	v3 =	vmul.f32 $1.442695020e+00, v3;
	_ =	sdelay $0x1  }
0xb8: {  	(erf) = vpow2.f32 v3;
	_ =	sdelay $0x8  }
0xb9: {  	v3 =	vpop (erf)  }
0xba: {  	v3 =	vmul.f32 v3, v1;
	_ =	sdelay $0x1  }
0xbb: {  	[tilespmem:s1+$0xFFFFFFE0] =	vst v3  }
0xbc: {  	v3 =	vld [tilespmem:$0xF0];
	_ =	sdelay $0x4  }
0xbd: {  	v3 =	vsub.f32 v3, v2;
	_ =	sdelay $0x1  }
0xbe: {  	v3 =	vmul.f32 v3, v3;
	_ =	sdelay $0x1  }
0xbf: {  	v3 =	vsub.f32 $0.0e+00, v3;
	_ =	sdelay $0x1  }
0xc0: {  	v3 =	vmul.f32 v3, v0;
	_ =	sdelay $0x1  }
0xc1: {  	v3 =	vmul.f32 $1.442695020e+00, v3;
	_ =	sdelay $0x1  }
0xc2: {  	(erf) = vpow2.f32 v3;
	_ =	sdelay $0x8  }
0xc3: {  	v3 =	vpop (erf)  }
0xc4: {  	v3 =	vmul.f32 v3, v1;
	_ =	sdelay $0x1  }
0xc5: {  	[tilespmem:s1+$0xFFFFFFF0] =	vst v3  }
0xc6: {  	v3 =	vld [tilespmem:$0x100];
	_ =	sdelay $0x4  }
0xc7: {  	v3 =	vsub.f32 v3, v2;
	_ =	sdelay $0x1  }
0xc8: {  	v3 =	vmul.f32 v3, v3;
	_ =	sdelay $0x1  }
0xc9: {  	v3 =	vsub.f32 $0.0e+00, v3;
	_ =	sdelay $0x1  }
0xca: {  	v3 =	vmul.f32 v3, v0;
	_ =	sdelay $0x1  }
0xcb: {  	v3 =	vmul.f32 $1.442695020e+00, v3;
	_ =	sdelay $0x1  }
0xcc: {  	(erf) = vpow2.f32 v3;
	_ =	sdelay $0x8  }
0xcd: {  	v3 =	vpop (erf)  }
0xce: {  	v3 =	vmul.f32 v3, v1;
	_ =	sdelay $0x1  }
0xcf: {  	[tilespmem:s1+$0x0] =	vst v3  }
0xd0: {  	v3 =	vld [tilespmem:$0x110];
	_ =	sdelay $0x4  }
0xd1: {  	v3 =	vsub.f32 v3, v2;
	_ =	sdelay $0x1  }
0xd2: {  	v3 =	vmul.f32 v3, v3;
	_ =	sdelay $0x1  }
0xd3: {  	v3 =	vsub.f32 $0.0e+00, v3;
	_ =	sdelay $0x1  }
0xd4: {  	v3 =	vmul.f32 v3, v0;
	_ =	sdelay $0x1  }
0xd5: {  	v3 =	vmul.f32 $1.442695020e+00, v3;
	_ =	sdelay $0x1  }
0xd6: {  	(erf) = vpow2.f32 v3;
	_ =	sdelay $0x8  }
0xd7: {  	v3 =	vpop (erf)  }
0xd8: {  	v3 =	vmul.f32 v3, v1;
	_ =	sdelay $0x1  }
0xd9: {  	[tilespmem:s1+$0x10] =	vst v3  }
0xda: {  	v3 =	vld [tilespmem:$0x120];
	_ =	sdelay $0x4  }
0xdb: {  	v3 =	vsub.f32 v3, v2;
	_ =	sdelay $0x1  }
0xdc: {  	v3 =	vmul.f32 v3, v3;
	_ =	sdelay $0x1  }
0xdd: {  	v3 =	vsub.f32 $0.0e+00, v3;
	_ =	sdelay $0x1  }
0xde: {  	v3 =	vmul.f32 v3, v0;
	_ =	sdelay $0x1  }
0xdf: {  	v3 =	vmul.f32 $1.442695020e+00, v3;
	_ =	sdelay $0x1  }
0xe0: {  	(erf) = vpow2.f32 v3;
	_ =	sdelay $0x8  }
0xe1: {  	v3 =	vpop (erf)  }
0xe2: {  	v3 =	vmul.f32 v3, v1;
	_ =	sdelay $0x1  }
0xe3: {  	[tilespmem:s1+$0x20] =	vst v3  }
0xe4: {  	v3 =	vld [tilespmem:$0x130];
	_ =	sdelay $0x4  }
0xe5: {  	v3 =	vsub.f32 v3, v2;
	_ =	sdelay $0x1  }
0xe6: {  	v3 =	vmul.f32 v3, v3;
	_ =	sdelay $0x1  }
0xe7: {  	v3 =	vsub.f32 $0.0e+00, v3;
	_ =	sdelay $0x1  }
0xe8: {  	v3 =	vmul.f32 v3, v0;
	_ =	sdelay $0x1  }
0xe9: {  	v3 =	vmul.f32 $1.442695020e+00, v3;
	_ =	sdelay $0x1  }
0xea: {  	(erf) = vpow2.f32 v3;
	_ =	sdelay $0x8  }
0xeb: {  	v3 =	vpop (erf)  }
0xec: {  	v3 =	vmul.f32 v3, v1;
	_ =	sdelay $0x1  }
0xed: {  	[tilespmem:s1+$0x30] =	vst v3  }
0xee: {  	v3 =	vld [tilespmem:$0x140];
	_ =	sdelay $0x4  }
0xef: {  	v3 =	vsub.f32 v3, v2;
	_ =	sdelay $0x1  }
0xf0: {  	v3 =	vmul.f32 v3, v3;
	_ =	sdelay $0x1  }
0xf1: {  	v3 =	vsub.f32 $0.0e+00, v3;
	_ =	sdelay $0x1  }
0xf2: {  	v3 =	vmul.f32 v3, v0;
	_ =	sdelay $0x1  }
0xf3: {  	v3 =	vmul.f32 $1.442695020e+00, v3;
	_ =	sdelay $0x1  }
0xf4: {  	(erf) = vpow2.f32 v3;
	_ =	sdelay $0x8  }
0xf5: {  	v3 =	vpop (erf)  }
0xf6: {  	v3 =	vmul.f32 v3, v1;
	_ =	sdelay $0x1  }
0xf7: {  	[tilespmem:s1+$0x40] =	vst v3  }
0xf8: {  	v3 =	vld [tilespmem:$0x150];
	_ =	sdelay $0x4  }
0xf9: {  	v3 =	vsub.f32 v3, v2;
	_ =	sdelay $0x1  }
0xfa: {  	v3 =	vmul.f32 v3, v3;
	_ =	sdelay $0x1  }
0xfb: {  	v3 =	vsub.f32 $0.0e+00, v3;
	_ =	sdelay $0x1  }
0xfc: {  	v3 =	vmul.f32 v3, v0;
	_ =	sdelay $0x1  }
0xfd: {  	v3 =	vmul.f32 $1.442695020e+00, v3;
	_ =	sdelay $0x1  }
0xfe: {  	(erf) = vpow2.f32 v3;
	_ =	sdelay $0x8  }
0xff: {  	v3 =	vpop (erf)  }
0x100: {  	v3 =	vmul.f32 v3, v1;
	_ =	sdelay $0x1  }
0x101: {  	[tilespmem:s1+$0x50] =	vst v3  }
0x102: {  	v3 =	vld [tilespmem:$0x160];
	_ =	sdelay $0x4  }
0x103: {  	v3 =	vsub.f32 v3, v2;
	_ =	sdelay $0x1  }
0x104: {  	v3 =	vmul.f32 v3, v3;
	_ =	sdelay $0x1  }
0x105: {  	v3 =	vsub.f32 $0.0e+00, v3;
	_ =	sdelay $0x1  }
0x106: {  	v3 =	vmul.f32 v3, v0;
	_ =	sdelay $0x1  }
0x107: {  	v3 =	vmul.f32 $1.442695020e+00, v3;
	_ =	sdelay $0x1  }
0x108: {  	(erf) = vpow2.f32 v3;
	_ =	sdelay $0x8  }
0x109: {  	v3 =	vpop (erf)  }
0x10a: {  	v3 =	vmul.f32 v3, v1;
	_ =	sdelay $0x1  }
0x10b: {  	[tilespmem:s1+$0x60] =	vst v3  }
0x10c: {  	v3 =	vld [tilespmem:$0x170];
	_ =	sdelay $0x4  }
0x10d: {  	v3 =	vsub.f32 v3, v2;
	_ =	sdelay $0x1  }
0x10e: {  	v3 =	vmul.f32 v3, v3;
	_ =	sdelay $0x1  }
0x10f: {  	v3 =	vsub.f32 $0.0e+00, v3;
	_ =	sdelay $0x1  }
0x110: {  	v3 =	vmul.f32 v3, v0;
	_ =	sdelay $0x1  }
0x111: {  	v3 =	vmul.f32 $1.442695020e+00, v3;
	_ =	sdelay $0x1  }
0x112: {  	(erf) = vpow2.f32 v3;
	_ =	sdelay $0x8  }
0x113: {  	v3 =	vpop (erf)  }
0x114: {  	v3 =	vmul.f32 v3, v1;
	_ =	sdelay $0x1  }
0x115: {  	[tilespmem:s1+$0x70] =	vst v3  }
0x116: {  	v3 =	vld [tilespmem:$0x180];
	_ =	sdelay $0x4  }
0x117: {  	v3 =	vsub.f32 v3, v2;
	_ =	sdelay $0x1  }
0x118: {  	v3 =	vmul.f32 v3, v3;
	_ =	sdelay $0x1  }
0x119: {  	v3 =	vsub.f32 $0.0e+00, v3;
	_ =	sdelay $0x1  }
0x11a: {  	v3 =	vmul.f32 v3, v0;
	_ =	sdelay $0x1  }
0x11b: {  	v3 =	vmul.f32 $1.442695020e+00, v3;
	_ =	sdelay $0x1  }
0x11c: {  	(erf) = vpow2.f32 v3;
	_ =	sdelay $0x8  }
0x11d: {  	v3 =	vpop (erf)  }
0x11e: {  	v3 =	vmul.f32 v3, v1;
	_ =	sdelay $0x1  }
0x11f: {  	[tilespmem:s1+$0x80] =	vst v3  }
0x120: {  	v3 =	vld [tilespmem:$0x190];
	_ =	sdelay $0x4  }
0x121: {  	v3 =	vsub.f32 v3, v2;
	_ =	sdelay $0x1  }
0x122: {  	v3 =	vmul.f32 v3, v3;
	_ =	sdelay $0x1  }
0x123: {  	v3 =	vsub.f32 $0.0e+00, v3;
	_ =	sdelay $0x1  }
0x124: {  	v3 =	vmul.f32 v3, v0;
	_ =	sdelay $0x1  }
0x125: {  	v3 =	vmul.f32 $1.442695020e+00, v3;
	_ =	sdelay $0x1  }
0x126: {  	(erf) = vpow2.f32 v3;
	_ =	sdelay $0x8  }
0x127: {  	v3 =	vpop (erf)  }
0x128: {  	v3 =	vmul.f32 v3, v1;
	_ =	sdelay $0x1  }
0x129: {  	[tilespmem:s1+$0x90] =	vst v3  }
0x12a: {  	v3 =	vld [tilespmem:$0x1A0];
	_ =	sdelay $0x4  }
0x12b: {  	v3 =	vsub.f32 v3, v2;
	_ =	sdelay $0x1  }
0x12c: {  	v3 =	vmul.f32 v3, v3;
	_ =	sdelay $0x1  }
0x12d: {  	v3 =	vsub.f32 $0.0e+00, v3;
	_ =	sdelay $0x1  }
0x12e: {  	v3 =	vmul.f32 v3, v0;
	_ =	sdelay $0x1  }
0x12f: {  	v3 =	vmul.f32 $1.442695020e+00, v3;
	_ =	sdelay $0x1  }
0x130: {  	(erf) = vpow2.f32 v3;
	_ =	sdelay $0x8  }
0x131: {  	v3 =	vpop (erf)  }
0x132: {  	v3 =	vmul.f32 v3, v1;
	_ =	sdelay $0x1  }
0x133: {  	[tilespmem:s1+$0xA0] =	vst v3  }
0x134: {  	v3 =	vld [tilespmem:$0x1B0];
	_ =	sdelay $0x4  }
0x135: {  	v3 =	vsub.f32 v3, v2;
	_ =	sdelay $0x1  }
0x136: {  	v3 =	vmul.f32 v3, v3;
	_ =	sdelay $0x1  }
0x137: {  	v3 =	vsub.f32 $0.0e+00, v3;
	_ =	sdelay $0x1  }
0x138: {  	v3 =	vmul.f32 v3, v0;
	_ =	sdelay $0x1  }
0x139: {  	v3 =	vmul.f32 $1.442695020e+00, v3;
	_ =	sdelay $0x1  }
0x13a: {  	(erf) = vpow2.f32 v3;
	_ =	sdelay $0x8  }
0x13b: {  	v3 =	vpop (erf)  }
0x13c: {  	v3 =	vmul.f32 v3, v1;
	_ =	sdelay $0x1  }
0x13d: {  	[tilespmem:s1+$0xB0] =	vst v3  }
0x13e: {  	v3 =	vld [tilespmem:$0x1C0];
	_ =	sdelay $0x4  }
0x13f: {  	v3 =	vsub.f32 v3, v2;
	_ =	sdelay $0x1  }
0x140: {  	v3 =	vmul.f32 v3, v3;
	_ =	sdelay $0x1  }
0x141: {  	v3 =	vsub.f32 $0.0e+00, v3;
	_ =	sdelay $0x1  }
0x142: {  	v3 =	vmul.f32 v3, v0;
	_ =	sdelay $0x1  }
0x143: {  	v3 =	vmul.f32 $1.442695020e+00, v3;
	_ =	sdelay $0x1  }
0x144: {  	(erf) = vpow2.f32 v3;
	_ =	sdelay $0x8  }
0x145: {  	v3 =	vpop (erf)  }
0x146: {  	v3 =	vmul.f32 v3, v1;
	_ =	sdelay $0x1  }
0x147: {  	[tilespmem:s1+$0xC0] =	vst v3  }
0x148: {  	v3 =	vld [tilespmem:$0x1D0];
	_ =	sdelay $0x4  }
0x149: {  	v3 =	vsub.f32 v3, v2;
	_ =	sdelay $0x1  }
0x14a: {  	v3 =	vmul.f32 v3, v3;
	_ =	sdelay $0x1  }
0x14b: {  	v3 =	vsub.f32 $0.0e+00, v3;
	_ =	sdelay $0x1  }
0x14c: {  	v3 =	vmul.f32 v3, v0;
	_ =	sdelay $0x1  }
0x14d: {  	v3 =	vmul.f32 $1.442695020e+00, v3;
	_ =	sdelay $0x1  }
0x14e: {  	(erf) = vpow2.f32 v3;
	_ =	sdelay $0x8  }
0x14f: {  	v3 =	vpop (erf)  }
0x150: {  	v3 =	vmul.f32 v3, v1;
	_ =	sdelay $0x1  }
0x151: {  	[tilespmem:s1+$0xD0] =	vst v3  }
0x152: {  	v3 =	vld [tilespmem:$0x1E0];
	_ =	sdelay $0x4  }
0x153: {  	v3 =	vsub.f32 v3, v2;
	_ =	sdelay $0x1  }
0x154: {  	v3 =	vmul.f32 v3, v3;
	_ =	sdelay $0x1  }
0x155: {  	v3 =	vsub.f32 $0.0e+00, v3;
	_ =	sdelay $0x1  }
0x156: {  	v3 =	vmul.f32 v3, v0;
	_ =	sdelay $0x1  }
0x157: {  	v3 =	vmul.f32 $1.442695020e+00, v3;
	_ =	sdelay $0x1  }
0x158: {  	(erf) = vpow2.f32 v3;
	_ =	sdelay $0x8  }
0x159: {  	v3 =	vpop (erf)  }
0x15a: {  	v3 =	vmul.f32 v3, v1;
	_ =	sdelay $0x1  }
0x15b: {  	[tilespmem:s1+$0xE0] =	vst v3  }
0x15c: {  	v3 =	vld [tilespmem:$0x1F0];
	_ =	sdelay $0x4  }
0x15d: {  	v2 =	vsub.f32 v3, v2;
	_ =	sdelay $0x1  }
0x15e: {  	v2 =	vmul.f32 v2, v2;
	_ =	sdelay $0x1  }
0x15f: {  	v2 =	vsub.f32 $0.0e+00, v2;
	_ =	sdelay $0x1  }
0x160: {  	v2 =	vmul.f32 v2, v0;
	_ =	sdelay $0x1  }
0x161: {  	v2 =	vmul.f32 $1.442695020e+00, v2;
	_ =	sdelay $0x1  }
0x162: {  	(erf) = vpow2.f32 v2;
	_ =	sdelay $0x8  }
0x163: {  	v2 =	vpop (erf)  }
0x164: {  	v2 =	vmul.f32 v2, v1;
	_ =	sdelay $0x1  }
0x165: {  	s25 =	simm.s32 $0x1;
	[tilespmem:s1+$0xF0] =	vst v2  }
0x166: {  	s26 =	scvt.s32.f32 s25;
	s25 =	simm.s32 $0x2;
	v3 =	vld [tilespmem:$0x0]  }
.LBB2_2:
0x167: {  	p0 =	sne.s32 s25, $0x3F  }
0x168: {  	s26 =	smul.f32 $1.562500000e-02, s26;
	_ =	sdelay $0x1  }
0x169: {  	v2 =	vmov s26  }
0x16a: {  	v3 =	vsub.f32 v3, v2;
	_ =	sdelay $0x1  }
0x16b: {  	v3 =	vmul.f32 v3, v3;
	_ =	sdelay $0x1  }
0x16c: {  	v3 =	vsub.f32 $0.0e+00, v3;
	_ =	sdelay $0x1  }
0x16d: {  	v3 =	vmul.f32 v3, v0;
	_ =	sdelay $0x1  }
0x16e: {  	v3 =	vmul.f32 $1.442695020e+00, v3;
	_ =	sdelay $0x1  }
0x16f: {  	(erf) = vpow2.f32 v3;
	_ =	sdelay $0x8  }
0x170: {  	v3 =	vpop (erf)  }
0x171: {  	v3 =	vmul.f32 v3, v1  }
0x172: {  	s1 =	sadd.s32 $0x200, s1  }
0x173: {  	[tilespmem:s1+$0xFFFFFF00] =	vst v3  }
0x174: {  	v3 =	vld [tilespmem:$0x10];
	_ =	sdelay $0x4  }
0x175: {  	v3 =	vsub.f32 v3, v2;
	_ =	sdelay $0x1  }
0x176: {  	v3 =	vmul.f32 v3, v3;
	_ =	sdelay $0x1  }
0x177: {  	v3 =	vsub.f32 $0.0e+00, v3;
	_ =	sdelay $0x1  }
0x178: {  	v3 =	vmul.f32 v3, v0;
	_ =	sdelay $0x1  }
0x179: {  	v3 =	vmul.f32 $1.442695020e+00, v3;
	_ =	sdelay $0x1  }
0x17a: {  	(erf) = vpow2.f32 v3;
	_ =	sdelay $0x8  }
0x17b: {  	v3 =	vpop (erf)  }
0x17c: {  	v3 =	vmul.f32 v3, v1;
	_ =	sdelay $0x1  }
0x17d: {  	[tilespmem:s1+$0xFFFFFF10] =	vst v3  }
0x17e: {  	v3 =	vld [tilespmem:$0x20];
	_ =	sdelay $0x4  }
0x17f: {  	v3 =	vsub.f32 v3, v2;
	_ =	sdelay $0x1  }
0x180: {  	v3 =	vmul.f32 v3, v3;
	_ =	sdelay $0x1  }
0x181: {  	v3 =	vsub.f32 $0.0e+00, v3;
	_ =	sdelay $0x1  }
0x182: {  	v3 =	vmul.f32 v3, v0;
	_ =	sdelay $0x1  }
0x183: {  	v3 =	vmul.f32 $1.442695020e+00, v3;
	_ =	sdelay $0x1  }
0x184: {  	(erf) = vpow2.f32 v3;
	_ =	sdelay $0x8  }
0x185: {  	v3 =	vpop (erf)  }
0x186: {  	v3 =	vmul.f32 v3, v1;
	_ =	sdelay $0x1  }
0x187: {  	[tilespmem:s1+$0xFFFFFF20] =	vst v3  }
0x188: {  	v3 =	vld [tilespmem:$0x30];
	_ =	sdelay $0x4  }
0x189: {  	v3 =	vsub.f32 v3, v2;
	_ =	sdelay $0x1  }
0x18a: {  	v3 =	vmul.f32 v3, v3;
	_ =	sdelay $0x1  }
0x18b: {  	v3 =	vsub.f32 $0.0e+00, v3;
	_ =	sdelay $0x1  }
0x18c: {  	v3 =	vmul.f32 v3, v0;
	_ =	sdelay $0x1  }
0x18d: {  	v3 =	vmul.f32 $1.442695020e+00, v3;
	_ =	sdelay $0x1  }
0x18e: {  	(erf) = vpow2.f32 v3;
	_ =	sdelay $0x8  }
0x18f: {  	v3 =	vpop (erf)  }
0x190: {  	v3 =	vmul.f32 v3, v1;
	_ =	sdelay $0x1  }
0x191: {  	[tilespmem:s1+$0xFFFFFF30] =	vst v3  }
0x192: {  	v3 =	vld [tilespmem:$0x40];
	_ =	sdelay $0x4  }
0x193: {  	v3 =	vsub.f32 v3, v2;
	_ =	sdelay $0x1  }
0x194: {  	v3 =	vmul.f32 v3, v3;
	_ =	sdelay $0x1  }
0x195: {  	v3 =	vsub.f32 $0.0e+00, v3;
	_ =	sdelay $0x1  }
0x196: {  	v3 =	vmul.f32 v3, v0;
	_ =	sdelay $0x1  }
0x197: {  	v3 =	vmul.f32 $1.442695020e+00, v3;
	_ =	sdelay $0x1  }
0x198: {  	(erf) = vpow2.f32 v3;
	_ =	sdelay $0x8  }
0x199: {  	v3 =	vpop (erf)  }
0x19a: {  	v3 =	vmul.f32 v3, v1;
	_ =	sdelay $0x1  }
0x19b: {  	[tilespmem:s1+$0xFFFFFF40] =	vst v3  }
0x19c: {  	v3 =	vld [tilespmem:$0x50];
	_ =	sdelay $0x4  }
0x19d: {  	v3 =	vsub.f32 v3, v2;
	_ =	sdelay $0x1  }
0x19e: {  	v3 =	vmul.f32 v3, v3;
	_ =	sdelay $0x1  }
0x19f: {  	v3 =	vsub.f32 $0.0e+00, v3;
	_ =	sdelay $0x1  }
0x1a0: {  	v3 =	vmul.f32 v3, v0;
	_ =	sdelay $0x1  }
0x1a1: {  	v3 =	vmul.f32 $1.442695020e+00, v3;
	_ =	sdelay $0x1  }
0x1a2: {  	(erf) = vpow2.f32 v3;
	_ =	sdelay $0x8  }
0x1a3: {  	v3 =	vpop (erf)  }
0x1a4: {  	v3 =	vmul.f32 v3, v1;
	_ =	sdelay $0x1  }
0x1a5: {  	[tilespmem:s1+$0xFFFFFF50] =	vst v3  }
0x1a6: {  	v3 =	vld [tilespmem:$0x60];
	_ =	sdelay $0x4  }
0x1a7: {  	v3 =	vsub.f32 v3, v2;
	_ =	sdelay $0x1  }
0x1a8: {  	v3 =	vmul.f32 v3, v3;
	_ =	sdelay $0x1  }
0x1a9: {  	v3 =	vsub.f32 $0.0e+00, v3;
	_ =	sdelay $0x1  }
0x1aa: {  	v3 =	vmul.f32 v3, v0;
	_ =	sdelay $0x1  }
0x1ab: {  	v3 =	vmul.f32 $1.442695020e+00, v3;
	_ =	sdelay $0x1  }
0x1ac: {  	(erf) = vpow2.f32 v3;
	_ =	sdelay $0x8  }
0x1ad: {  	v3 =	vpop (erf)  }
0x1ae: {  	v3 =	vmul.f32 v3, v1;
	_ =	sdelay $0x1  }
0x1af: {  	[tilespmem:s1+$0xFFFFFF60] =	vst v3  }
0x1b0: {  	v3 =	vld [tilespmem:$0x70];
	_ =	sdelay $0x4  }
0x1b1: {  	v3 =	vsub.f32 v3, v2;
	_ =	sdelay $0x1  }
0x1b2: {  	v3 =	vmul.f32 v3, v3;
	_ =	sdelay $0x1  }
0x1b3: {  	v3 =	vsub.f32 $0.0e+00, v3;
	_ =	sdelay $0x1  }
0x1b4: {  	v3 =	vmul.f32 v3, v0;
	_ =	sdelay $0x1  }
0x1b5: {  	v3 =	vmul.f32 $1.442695020e+00, v3;
	_ =	sdelay $0x1  }
0x1b6: {  	(erf) = vpow2.f32 v3;
	_ =	sdelay $0x8  }
0x1b7: {  	v3 =	vpop (erf)  }
0x1b8: {  	v3 =	vmul.f32 v3, v1;
	_ =	sdelay $0x1  }
0x1b9: {  	[tilespmem:s1+$0xFFFFFF70] =	vst v3  }
0x1ba: {  	v3 =	vld [tilespmem:$0x80];
	_ =	sdelay $0x4  }
0x1bb: {  	v3 =	vsub.f32 v3, v2;
	_ =	sdelay $0x1  }
0x1bc: {  	v3 =	vmul.f32 v3, v3;
	_ =	sdelay $0x1  }
0x1bd: {  	v3 =	vsub.f32 $0.0e+00, v3;
	_ =	sdelay $0x1  }
0x1be: {  	v3 =	vmul.f32 v3, v0;
	_ =	sdelay $0x1  }
0x1bf: {  	v3 =	vmul.f32 $1.442695020e+00, v3;
	_ =	sdelay $0x1  }
0x1c0: {  	(erf) = vpow2.f32 v3;
	_ =	sdelay $0x8  }
0x1c1: {  	v3 =	vpop (erf)  }
0x1c2: {  	v3 =	vmul.f32 v3, v1;
	_ =	sdelay $0x1  }
0x1c3: {  	[tilespmem:s1+$0xFFFFFF80] =	vst v3  }
0x1c4: {  	v3 =	vld [tilespmem:$0x90];
	_ =	sdelay $0x4  }
0x1c5: {  	v3 =	vsub.f32 v3, v2;
	_ =	sdelay $0x1  }
0x1c6: {  	v3 =	vmul.f32 v3, v3;
	_ =	sdelay $0x1  }
0x1c7: {  	v3 =	vsub.f32 $0.0e+00, v3;
	_ =	sdelay $0x1  }
0x1c8: {  	v3 =	vmul.f32 v3, v0;
	_ =	sdelay $0x1  }
0x1c9: {  	v3 =	vmul.f32 $1.442695020e+00, v3;
	_ =	sdelay $0x1  }
0x1ca: {  	(erf) = vpow2.f32 v3;
	_ =	sdelay $0x8  }
0x1cb: {  	v3 =	vpop (erf)  }
0x1cc: {  	v3 =	vmul.f32 v3, v1;
	_ =	sdelay $0x1  }
0x1cd: {  	[tilespmem:s1+$0xFFFFFF90] =	vst v3  }
0x1ce: {  	v3 =	vld [tilespmem:$0xA0];
	_ =	sdelay $0x4  }
0x1cf: {  	v3 =	vsub.f32 v3, v2;
	_ =	sdelay $0x1  }
0x1d0: {  	v3 =	vmul.f32 v3, v3;
	_ =	sdelay $0x1  }
0x1d1: {  	v3 =	vsub.f32 $0.0e+00, v3;
	_ =	sdelay $0x1  }
0x1d2: {  	v3 =	vmul.f32 v3, v0;
	_ =	sdelay $0x1  }
0x1d3: {  	v3 =	vmul.f32 $1.442695020e+00, v3;
	_ =	sdelay $0x1  }
0x1d4: {  	(erf) = vpow2.f32 v3;
	_ =	sdelay $0x8  }
0x1d5: {  	v3 =	vpop (erf)  }
0x1d6: {  	v3 =	vmul.f32 v3, v1;
	_ =	sdelay $0x1  }
0x1d7: {  	[tilespmem:s1+$0xFFFFFFA0] =	vst v3  }
0x1d8: {  	v3 =	vld [tilespmem:$0xB0];
	_ =	sdelay $0x4  }
0x1d9: {  	v3 =	vsub.f32 v3, v2;
	_ =	sdelay $0x1  }
0x1da: {  	v3 =	vmul.f32 v3, v3;
	_ =	sdelay $0x1  }
0x1db: {  	v3 =	vsub.f32 $0.0e+00, v3;
	_ =	sdelay $0x1  }
0x1dc: {  	v3 =	vmul.f32 v3, v0;
	_ =	sdelay $0x1  }
0x1dd: {  	v3 =	vmul.f32 $1.442695020e+00, v3;
	_ =	sdelay $0x1  }
0x1de: {  	(erf) = vpow2.f32 v3;
	_ =	sdelay $0x8  }
0x1df: {  	v3 =	vpop (erf)  }
0x1e0: {  	v3 =	vmul.f32 v3, v1;
	_ =	sdelay $0x1  }
0x1e1: {  	[tilespmem:s1+$0xFFFFFFB0] =	vst v3  }
0x1e2: {  	v3 =	vld [tilespmem:$0xC0];
	_ =	sdelay $0x4  }
0x1e3: {  	v3 =	vsub.f32 v3, v2;
	_ =	sdelay $0x1  }
0x1e4: {  	v3 =	vmul.f32 v3, v3;
	_ =	sdelay $0x1  }
0x1e5: {  	v3 =	vsub.f32 $0.0e+00, v3;
	_ =	sdelay $0x1  }
0x1e6: {  	v3 =	vmul.f32 v3, v0;
	_ =	sdelay $0x1  }
0x1e7: {  	v3 =	vmul.f32 $1.442695020e+00, v3;
	_ =	sdelay $0x1  }
0x1e8: {  	(erf) = vpow2.f32 v3;
	_ =	sdelay $0x8  }
0x1e9: {  	v3 =	vpop (erf)  }
0x1ea: {  	v3 =	vmul.f32 v3, v1;
	_ =	sdelay $0x1  }
0x1eb: {  	[tilespmem:s1+$0xFFFFFFC0] =	vst v3  }
0x1ec: {  	v3 =	vld [tilespmem:$0xD0];
	_ =	sdelay $0x4  }
0x1ed: {  	v3 =	vsub.f32 v3, v2;
	_ =	sdelay $0x1  }
0x1ee: {  	v3 =	vmul.f32 v3, v3;
	_ =	sdelay $0x1  }
0x1ef: {  	v3 =	vsub.f32 $0.0e+00, v3;
	_ =	sdelay $0x1  }
0x1f0: {  	v3 =	vmul.f32 v3, v0;
	_ =	sdelay $0x1  }
0x1f1: {  	v3 =	vmul.f32 $1.442695020e+00, v3;
	_ =	sdelay $0x1  }
0x1f2: {  	(erf) = vpow2.f32 v3;
	_ =	sdelay $0x8  }
0x1f3: {  	v3 =	vpop (erf)  }
0x1f4: {  	v3 =	vmul.f32 v3, v1;
	_ =	sdelay $0x1  }
0x1f5: {  	[tilespmem:s1+$0xFFFFFFD0] =	vst v3  }
0x1f6: {  	v3 =	vld [tilespmem:$0xE0];
	_ =	sdelay $0x4  }
0x1f7: {  	v3 =	vsub.f32 v3, v2;
	_ =	sdelay $0x1  }
0x1f8: {  	v3 =	vmul.f32 v3, v3;
	_ =	sdelay $0x1  }
0x1f9: {  	v3 =	vsub.f32 $0.0e+00, v3;
	_ =	sdelay $0x1  }
0x1fa: {  	v3 =	vmul.f32 v3, v0;
	_ =	sdelay $0x1  }
0x1fb: {  	v3 =	vmul.f32 $1.442695020e+00, v3;
	_ =	sdelay $0x1  }
0x1fc: {  	(erf) = vpow2.f32 v3;
	_ =	sdelay $0x8  }
0x1fd: {  	v3 =	vpop (erf)  }
0x1fe: {  	v3 =	vmul.f32 v3, v1;
	_ =	sdelay $0x1  }
0x1ff: {  	[tilespmem:s1+$0xFFFFFFE0] =	vst v3  }
0x200: {  	v3 =	vld [tilespmem:$0xF0];
	_ =	sdelay $0x4  }
0x201: {  	v3 =	vsub.f32 v3, v2;
	_ =	sdelay $0x1  }
0x202: {  	v3 =	vmul.f32 v3, v3;
	_ =	sdelay $0x1  }
0x203: {  	v3 =	vsub.f32 $0.0e+00, v3;
	_ =	sdelay $0x1  }
0x204: {  	v3 =	vmul.f32 v3, v0;
	_ =	sdelay $0x1  }
0x205: {  	v3 =	vmul.f32 $1.442695020e+00, v3;
	_ =	sdelay $0x1  }
0x206: {  	(erf) = vpow2.f32 v3;
	_ =	sdelay $0x8  }
0x207: {  	v3 =	vpop (erf)  }
0x208: {  	v3 =	vmul.f32 v3, v1;
	_ =	sdelay $0x1  }
0x209: {  	[tilespmem:s1+$0xFFFFFFF0] =	vst v3  }
0x20a: {  	v3 =	vld [tilespmem:$0x100];
	_ =	sdelay $0x4  }
0x20b: {  	v3 =	vsub.f32 v3, v2;
	_ =	sdelay $0x1  }
0x20c: {  	v3 =	vmul.f32 v3, v3;
	_ =	sdelay $0x1  }
0x20d: {  	v3 =	vsub.f32 $0.0e+00, v3;
	_ =	sdelay $0x1  }
0x20e: {  	v3 =	vmul.f32 v3, v0;
	_ =	sdelay $0x1  }
0x20f: {  	v3 =	vmul.f32 $1.442695020e+00, v3;
	_ =	sdelay $0x1  }
0x210: {  	(erf) = vpow2.f32 v3;
	_ =	sdelay $0x8  }
0x211: {  	v3 =	vpop (erf)  }
0x212: {  	v3 =	vmul.f32 v3, v1;
	_ =	sdelay $0x1  }
0x213: {  	[tilespmem:s1+$0x0] =	vst v3  }
0x214: {  	v3 =	vld [tilespmem:$0x110];
	_ =	sdelay $0x4  }
0x215: {  	v3 =	vsub.f32 v3, v2;
	_ =	sdelay $0x1  }
0x216: {  	v3 =	vmul.f32 v3, v3;
	_ =	sdelay $0x1  }
0x217: {  	v3 =	vsub.f32 $0.0e+00, v3;
	_ =	sdelay $0x1  }
0x218: {  	v3 =	vmul.f32 v3, v0;
	_ =	sdelay $0x1  }
0x219: {  	v3 =	vmul.f32 $1.442695020e+00, v3;
	_ =	sdelay $0x1  }
0x21a: {  	(erf) = vpow2.f32 v3;
	_ =	sdelay $0x8  }
0x21b: {  	v3 =	vpop (erf)  }
0x21c: {  	v3 =	vmul.f32 v3, v1;
	_ =	sdelay $0x1  }
0x21d: {  	[tilespmem:s1+$0x10] =	vst v3  }
0x21e: {  	v3 =	vld [tilespmem:$0x120];
	_ =	sdelay $0x4  }
0x21f: {  	v3 =	vsub.f32 v3, v2;
	_ =	sdelay $0x1  }
0x220: {  	v3 =	vmul.f32 v3, v3;
	_ =	sdelay $0x1  }
0x221: {  	v3 =	vsub.f32 $0.0e+00, v3;
	_ =	sdelay $0x1  }
0x222: {  	v3 =	vmul.f32 v3, v0;
	_ =	sdelay $0x1  }
0x223: {  	v3 =	vmul.f32 $1.442695020e+00, v3;
	_ =	sdelay $0x1  }
0x224: {  	(erf) = vpow2.f32 v3;
	_ =	sdelay $0x8  }
0x225: {  	v3 =	vpop (erf)  }
0x226: {  	v3 =	vmul.f32 v3, v1;
	_ =	sdelay $0x1  }
0x227: {  	[tilespmem:s1+$0x20] =	vst v3  }
0x228: {  	v3 =	vld [tilespmem:$0x130];
	_ =	sdelay $0x4  }
0x229: {  	v3 =	vsub.f32 v3, v2;
	_ =	sdelay $0x1  }
0x22a: {  	v3 =	vmul.f32 v3, v3;
	_ =	sdelay $0x1  }
0x22b: {  	v3 =	vsub.f32 $0.0e+00, v3;
	_ =	sdelay $0x1  }
0x22c: {  	v3 =	vmul.f32 v3, v0;
	_ =	sdelay $0x1  }
0x22d: {  	v3 =	vmul.f32 $1.442695020e+00, v3;
	_ =	sdelay $0x1  }
0x22e: {  	(erf) = vpow2.f32 v3;
	_ =	sdelay $0x8  }
0x22f: {  	v3 =	vpop (erf)  }
0x230: {  	v3 =	vmul.f32 v3, v1;
	_ =	sdelay $0x1  }
0x231: {  	[tilespmem:s1+$0x30] =	vst v3  }
0x232: {  	v3 =	vld [tilespmem:$0x140];
	_ =	sdelay $0x4  }
0x233: {  	v3 =	vsub.f32 v3, v2;
	_ =	sdelay $0x1  }
0x234: {  	v3 =	vmul.f32 v3, v3;
	_ =	sdelay $0x1  }
0x235: {  	v3 =	vsub.f32 $0.0e+00, v3;
	_ =	sdelay $0x1  }
0x236: {  	v3 =	vmul.f32 v3, v0;
	_ =	sdelay $0x1  }
0x237: {  	v3 =	vmul.f32 $1.442695020e+00, v3;
	_ =	sdelay $0x1  }
0x238: {  	(erf) = vpow2.f32 v3;
	_ =	sdelay $0x8  }
0x239: {  	v3 =	vpop (erf)  }
0x23a: {  	v3 =	vmul.f32 v3, v1;
	_ =	sdelay $0x1  }
0x23b: {  	[tilespmem:s1+$0x40] =	vst v3  }
0x23c: {  	v3 =	vld [tilespmem:$0x150];
	_ =	sdelay $0x4  }
0x23d: {  	v3 =	vsub.f32 v3, v2;
	_ =	sdelay $0x1  }
0x23e: {  	v3 =	vmul.f32 v3, v3;
	_ =	sdelay $0x1  }
0x23f: {  	v3 =	vsub.f32 $0.0e+00, v3;
	_ =	sdelay $0x1  }
0x240: {  	v3 =	vmul.f32 v3, v0;
	_ =	sdelay $0x1  }
0x241: {  	v3 =	vmul.f32 $1.442695020e+00, v3;
	_ =	sdelay $0x1  }
0x242: {  	(erf) = vpow2.f32 v3;
	_ =	sdelay $0x8  }
0x243: {  	v3 =	vpop (erf)  }
0x244: {  	v3 =	vmul.f32 v3, v1;
	_ =	sdelay $0x1  }
0x245: {  	[tilespmem:s1+$0x50] =	vst v3  }
0x246: {  	v3 =	vld [tilespmem:$0x160];
	_ =	sdelay $0x4  }
0x247: {  	v3 =	vsub.f32 v3, v2;
	_ =	sdelay $0x1  }
0x248: {  	v3 =	vmul.f32 v3, v3;
	_ =	sdelay $0x1  }
0x249: {  	v3 =	vsub.f32 $0.0e+00, v3;
	_ =	sdelay $0x1  }
0x24a: {  	v3 =	vmul.f32 v3, v0;
	_ =	sdelay $0x1  }
0x24b: {  	v3 =	vmul.f32 $1.442695020e+00, v3;
	_ =	sdelay $0x1  }
0x24c: {  	(erf) = vpow2.f32 v3;
	_ =	sdelay $0x8  }
0x24d: {  	v3 =	vpop (erf)  }
0x24e: {  	v3 =	vmul.f32 v3, v1;
	_ =	sdelay $0x1  }
0x24f: {  	[tilespmem:s1+$0x60] =	vst v3  }
0x250: {  	v3 =	vld [tilespmem:$0x170];
	_ =	sdelay $0x4  }
0x251: {  	v3 =	vsub.f32 v3, v2;
	_ =	sdelay $0x1  }
0x252: {  	v3 =	vmul.f32 v3, v3;
	_ =	sdelay $0x1  }
0x253: {  	v3 =	vsub.f32 $0.0e+00, v3;
	_ =	sdelay $0x1  }
0x254: {  	v3 =	vmul.f32 v3, v0;
	_ =	sdelay $0x1  }
0x255: {  	v3 =	vmul.f32 $1.442695020e+00, v3;
	_ =	sdelay $0x1  }
0x256: {  	(erf) = vpow2.f32 v3;
	_ =	sdelay $0x8  }
0x257: {  	v3 =	vpop (erf)  }
0x258: {  	v3 =	vmul.f32 v3, v1;
	_ =	sdelay $0x1  }
0x259: {  	[tilespmem:s1+$0x70] =	vst v3  }
0x25a: {  	v3 =	vld [tilespmem:$0x180];
	_ =	sdelay $0x4  }
0x25b: {  	v3 =	vsub.f32 v3, v2;
	_ =	sdelay $0x1  }
0x25c: {  	v3 =	vmul.f32 v3, v3;
	_ =	sdelay $0x1  }
0x25d: {  	v3 =	vsub.f32 $0.0e+00, v3;
	_ =	sdelay $0x1  }
0x25e: {  	v3 =	vmul.f32 v3, v0;
	_ =	sdelay $0x1  }
0x25f: {  	v3 =	vmul.f32 $1.442695020e+00, v3;
	_ =	sdelay $0x1  }
0x260: {  	(erf) = vpow2.f32 v3;
	_ =	sdelay $0x8  }
0x261: {  	v3 =	vpop (erf)  }
0x262: {  	v3 =	vmul.f32 v3, v1;
	_ =	sdelay $0x1  }
0x263: {  	[tilespmem:s1+$0x80] =	vst v3  }
0x264: {  	v3 =	vld [tilespmem:$0x190];
	_ =	sdelay $0x4  }
0x265: {  	v3 =	vsub.f32 v3, v2;
	_ =	sdelay $0x1  }
0x266: {  	v3 =	vmul.f32 v3, v3;
	_ =	sdelay $0x1  }
0x267: {  	v3 =	vsub.f32 $0.0e+00, v3;
	_ =	sdelay $0x1  }
0x268: {  	v3 =	vmul.f32 v3, v0;
	_ =	sdelay $0x1  }
0x269: {  	v3 =	vmul.f32 $1.442695020e+00, v3;
	_ =	sdelay $0x1  }
0x26a: {  	(erf) = vpow2.f32 v3;
	_ =	sdelay $0x8  }
0x26b: {  	v3 =	vpop (erf)  }
0x26c: {  	v3 =	vmul.f32 v3, v1;
	_ =	sdelay $0x1  }
0x26d: {  	[tilespmem:s1+$0x90] =	vst v3  }
0x26e: {  	v3 =	vld [tilespmem:$0x1A0];
	_ =	sdelay $0x4  }
0x26f: {  	v3 =	vsub.f32 v3, v2;
	_ =	sdelay $0x1  }
0x270: {  	v3 =	vmul.f32 v3, v3;
	_ =	sdelay $0x1  }
0x271: {  	v3 =	vsub.f32 $0.0e+00, v3;
	_ =	sdelay $0x1  }
0x272: {  	v3 =	vmul.f32 v3, v0;
	_ =	sdelay $0x1  }
0x273: {  	v3 =	vmul.f32 $1.442695020e+00, v3;
	_ =	sdelay $0x1  }
0x274: {  	(erf) = vpow2.f32 v3;
	_ =	sdelay $0x8  }
0x275: {  	v3 =	vpop (erf)  }
0x276: {  	v3 =	vmul.f32 v3, v1;
	_ =	sdelay $0x1  }
0x277: {  	[tilespmem:s1+$0xA0] =	vst v3  }
0x278: {  	v3 =	vld [tilespmem:$0x1B0];
	_ =	sdelay $0x4  }
0x279: {  	v3 =	vsub.f32 v3, v2;
	_ =	sdelay $0x1  }
0x27a: {  	v3 =	vmul.f32 v3, v3;
	_ =	sdelay $0x1  }
0x27b: {  	v3 =	vsub.f32 $0.0e+00, v3;
	_ =	sdelay $0x1  }
0x27c: {  	v3 =	vmul.f32 v3, v0;
	_ =	sdelay $0x1  }
0x27d: {  	v3 =	vmul.f32 $1.442695020e+00, v3;
	_ =	sdelay $0x1  }
0x27e: {  	(erf) = vpow2.f32 v3;
	_ =	sdelay $0x8  }
0x27f: {  	v3 =	vpop (erf)  }
0x280: {  	v3 =	vmul.f32 v3, v1;
	_ =	sdelay $0x1  }
0x281: {  	[tilespmem:s1+$0xB0] =	vst v3  }
0x282: {  	v3 =	vld [tilespmem:$0x1C0];
	_ =	sdelay $0x4  }
0x283: {  	v3 =	vsub.f32 v3, v2;
	_ =	sdelay $0x1  }
0x284: {  	v3 =	vmul.f32 v3, v3;
	_ =	sdelay $0x1  }
0x285: {  	v3 =	vsub.f32 $0.0e+00, v3;
	_ =	sdelay $0x1  }
0x286: {  	v3 =	vmul.f32 v3, v0;
	_ =	sdelay $0x1  }
0x287: {  	v3 =	vmul.f32 $1.442695020e+00, v3;
	_ =	sdelay $0x1  }
0x288: {  	(erf) = vpow2.f32 v3;
	_ =	sdelay $0x8  }
0x289: {  	v3 =	vpop (erf)  }
0x28a: {  	v3 =	vmul.f32 v3, v1;
	_ =	sdelay $0x1  }
0x28b: {  	[tilespmem:s1+$0xC0] =	vst v3  }
0x28c: {  	v3 =	vld [tilespmem:$0x1D0];
	_ =	sdelay $0x4  }
0x28d: {  	v3 =	vsub.f32 v3, v2;
	_ =	sdelay $0x1  }
0x28e: {  	v3 =	vmul.f32 v3, v3;
	_ =	sdelay $0x1  }
0x28f: {  	v3 =	vsub.f32 $0.0e+00, v3;
	_ =	sdelay $0x1  }
0x290: {  	v3 =	vmul.f32 v3, v0;
	_ =	sdelay $0x1  }
0x291: {  	v3 =	vmul.f32 $1.442695020e+00, v3;
	_ =	sdelay $0x1  }
0x292: {  	(erf) = vpow2.f32 v3;
	_ =	sdelay $0x8  }
0x293: {  	v3 =	vpop (erf)  }
0x294: {  	v3 =	vmul.f32 v3, v1;
	_ =	sdelay $0x1  }
0x295: {  	[tilespmem:s1+$0xD0] =	vst v3  }
0x296: {  	v3 =	vld [tilespmem:$0x1E0];
	_ =	sdelay $0x4  }
0x297: {  	v3 =	vsub.f32 v3, v2;
	_ =	sdelay $0x1  }
0x298: {  	v3 =	vmul.f32 v3, v3;
	_ =	sdelay $0x1  }
0x299: {  	v3 =	vsub.f32 $0.0e+00, v3;
	_ =	sdelay $0x1  }
0x29a: {  	v3 =	vmul.f32 v3, v0;
	_ =	sdelay $0x1  }
0x29b: {  	v3 =	vmul.f32 $1.442695020e+00, v3;
	_ =	sdelay $0x1  }
0x29c: {  	(erf) = vpow2.f32 v3;
	_ =	sdelay $0x8  }
0x29d: {  	v3 =	vpop (erf)  }
0x29e: {  	v3 =	vmul.f32 v3, v1;
	_ =	sdelay $0x1  }
0x29f: {  	[tilespmem:s1+$0xE0] =	vst v3  }
0x2a0: {  	v3 =	vld [tilespmem:$0x1F0];
	_ =	sdelay $0x4  }
0x2a1: {  	v2 =	vsub.f32 v3, v2;
	_ =	sdelay $0x1  }
0x2a2: {  	v2 =	vmul.f32 v2, v2;
	_ =	sdelay $0x1  }
0x2a3: {  	v2 =	vsub.f32 $0.0e+00, v2;
	_ =	sdelay $0x1  }
0x2a4: {  	v2 =	vmul.f32 v2, v0;
	_ =	sdelay $0x1  }
0x2a5: {  	v2 =	vmul.f32 $1.442695020e+00, v2;
	_ =	sdelay $0x1  }
0x2a6: {  	(erf) = vpow2.f32 v2;
	_ =	sdelay $0x8  }
.Ltmp0:
0x2a7: {  	v2 =	vpop (erf);
	(pc) =	sbr.rel @p0 .LBB2_2-.Ltmp0, $3  }
0x2a8: {  	v2 =	vmul.f32 v2, v1;
	_ =	sdelay $0x1  }
0x2a9: {  	[tilespmem:s1+$0xF0] =	vst v2  }
0x2aa: {  	s26 =	scvt.s32.f32 s25;
	s25 =	sadd.s32 $0x1, s25;
	v3 =	vld [tilespmem:$0x0]  }
0x2ab: {  	_ = 	snop  }
0x2ac: {  	s25 =	smul.f32 $1.562500000e-02, s26;
	_ =	sdelay $0x1  }
0x2ad: {  	v2 =	vmov s25  }
0x2ae: {  	v3 =	vsub.f32 v3, v2;
	_ =	sdelay $0x1  }
0x2af: {  	v3 =	vmul.f32 v3, v3;
	_ =	sdelay $0x1  }
0x2b0: {  	v3 =	vsub.f32 $0.0e+00, v3;
	_ =	sdelay $0x1  }
0x2b1: {  	v3 =	vmul.f32 v3, v0;
	_ =	sdelay $0x1  }
0x2b2: {  	v3 =	vmul.f32 $1.442695020e+00, v3;
	_ =	sdelay $0x1  }
0x2b3: {  	(erf) = vpow2.f32 v3;
	_ =	sdelay $0x8  }
0x2b4: {  	v3 =	vpop (erf)  }
0x2b5: {  	v3 =	vmul.f32 v3, v1  }
0x2b6: {  	s1 =	sadd.s32 $0x200, s1  }
0x2b7: {  	[tilespmem:s1+$0xFFFFFF00] =	vst v3  }
0x2b8: {  	v3 =	vld [tilespmem:$0x10];
	_ =	sdelay $0x4  }
0x2b9: {  	v3 =	vsub.f32 v3, v2;
	_ =	sdelay $0x1  }
0x2ba: {  	v3 =	vmul.f32 v3, v3;
	_ =	sdelay $0x1  }
0x2bb: {  	v3 =	vsub.f32 $0.0e+00, v3;
	_ =	sdelay $0x1  }
0x2bc: {  	v3 =	vmul.f32 v3, v0;
	_ =	sdelay $0x1  }
0x2bd: {  	v3 =	vmul.f32 $1.442695020e+00, v3;
	_ =	sdelay $0x1  }
0x2be: {  	(erf) = vpow2.f32 v3;
	_ =	sdelay $0x8  }
0x2bf: {  	v3 =	vpop (erf)  }
0x2c0: {  	v3 =	vmul.f32 v3, v1;
	_ =	sdelay $0x1  }
0x2c1: {  	[tilespmem:s1+$0xFFFFFF10] =	vst v3  }
0x2c2: {  	v3 =	vld [tilespmem:$0x20];
	_ =	sdelay $0x4  }
0x2c3: {  	v3 =	vsub.f32 v3, v2;
	_ =	sdelay $0x1  }
0x2c4: {  	v3 =	vmul.f32 v3, v3;
	_ =	sdelay $0x1  }
0x2c5: {  	v3 =	vsub.f32 $0.0e+00, v3;
	_ =	sdelay $0x1  }
0x2c6: {  	v3 =	vmul.f32 v3, v0;
	_ =	sdelay $0x1  }
0x2c7: {  	v3 =	vmul.f32 $1.442695020e+00, v3;
	_ =	sdelay $0x1  }
0x2c8: {  	(erf) = vpow2.f32 v3;
	_ =	sdelay $0x8  }
0x2c9: {  	v3 =	vpop (erf)  }
0x2ca: {  	v3 =	vmul.f32 v3, v1;
	_ =	sdelay $0x1  }
0x2cb: {  	[tilespmem:s1+$0xFFFFFF20] =	vst v3  }
0x2cc: {  	v3 =	vld [tilespmem:$0x30];
	_ =	sdelay $0x4  }
0x2cd: {  	v3 =	vsub.f32 v3, v2;
	_ =	sdelay $0x1  }
0x2ce: {  	v3 =	vmul.f32 v3, v3;
	_ =	sdelay $0x1  }
0x2cf: {  	v3 =	vsub.f32 $0.0e+00, v3;
	_ =	sdelay $0x1  }
0x2d0: {  	v3 =	vmul.f32 v3, v0;
	_ =	sdelay $0x1  }
0x2d1: {  	v3 =	vmul.f32 $1.442695020e+00, v3;
	_ =	sdelay $0x1  }
0x2d2: {  	(erf) = vpow2.f32 v3;
	_ =	sdelay $0x8  }
0x2d3: {  	v3 =	vpop (erf)  }
0x2d4: {  	v3 =	vmul.f32 v3, v1;
	_ =	sdelay $0x1  }
0x2d5: {  	[tilespmem:s1+$0xFFFFFF30] =	vst v3  }
0x2d6: {  	v3 =	vld [tilespmem:$0x40];
	_ =	sdelay $0x4  }
0x2d7: {  	v3 =	vsub.f32 v3, v2;
	_ =	sdelay $0x1  }
0x2d8: {  	v3 =	vmul.f32 v3, v3;
	_ =	sdelay $0x1  }
0x2d9: {  	v3 =	vsub.f32 $0.0e+00, v3;
	_ =	sdelay $0x1  }
0x2da: {  	v3 =	vmul.f32 v3, v0;
	_ =	sdelay $0x1  }
0x2db: {  	v3 =	vmul.f32 $1.442695020e+00, v3;
	_ =	sdelay $0x1  }
0x2dc: {  	(erf) = vpow2.f32 v3;
	_ =	sdelay $0x8  }
0x2dd: {  	v3 =	vpop (erf)  }
0x2de: {  	v3 =	vmul.f32 v3, v1;
	_ =	sdelay $0x1  }
0x2df: {  	[tilespmem:s1+$0xFFFFFF40] =	vst v3  }
0x2e0: {  	v3 =	vld [tilespmem:$0x50];
	_ =	sdelay $0x4  }
0x2e1: {  	v3 =	vsub.f32 v3, v2;
	_ =	sdelay $0x1  }
0x2e2: {  	v3 =	vmul.f32 v3, v3;
	_ =	sdelay $0x1  }
0x2e3: {  	v3 =	vsub.f32 $0.0e+00, v3;
	_ =	sdelay $0x1  }
0x2e4: {  	v3 =	vmul.f32 v3, v0;
	_ =	sdelay $0x1  }
0x2e5: {  	v3 =	vmul.f32 $1.442695020e+00, v3;
	_ =	sdelay $0x1  }
0x2e6: {  	(erf) = vpow2.f32 v3;
	_ =	sdelay $0x8  }
0x2e7: {  	v3 =	vpop (erf)  }
0x2e8: {  	v3 =	vmul.f32 v3, v1;
	_ =	sdelay $0x1  }
0x2e9: {  	[tilespmem:s1+$0xFFFFFF50] =	vst v3  }
0x2ea: {  	v3 =	vld [tilespmem:$0x60];
	_ =	sdelay $0x4  }
0x2eb: {  	v3 =	vsub.f32 v3, v2;
	_ =	sdelay $0x1  }
0x2ec: {  	v3 =	vmul.f32 v3, v3;
	_ =	sdelay $0x1  }
0x2ed: {  	v3 =	vsub.f32 $0.0e+00, v3;
	_ =	sdelay $0x1  }
0x2ee: {  	v3 =	vmul.f32 v3, v0;
	_ =	sdelay $0x1  }
0x2ef: {  	v3 =	vmul.f32 $1.442695020e+00, v3;
	_ =	sdelay $0x1  }
0x2f0: {  	(erf) = vpow2.f32 v3;
	_ =	sdelay $0x8  }
0x2f1: {  	v3 =	vpop (erf)  }
0x2f2: {  	v3 =	vmul.f32 v3, v1;
	_ =	sdelay $0x1  }
0x2f3: {  	[tilespmem:s1+$0xFFFFFF60] =	vst v3  }
0x2f4: {  	v3 =	vld [tilespmem:$0x70];
	_ =	sdelay $0x4  }
0x2f5: {  	v3 =	vsub.f32 v3, v2;
	_ =	sdelay $0x1  }
0x2f6: {  	v3 =	vmul.f32 v3, v3;
	_ =	sdelay $0x1  }
0x2f7: {  	v3 =	vsub.f32 $0.0e+00, v3;
	_ =	sdelay $0x1  }
0x2f8: {  	v3 =	vmul.f32 v3, v0;
	_ =	sdelay $0x1  }
0x2f9: {  	v3 =	vmul.f32 $1.442695020e+00, v3;
	_ =	sdelay $0x1  }
0x2fa: {  	(erf) = vpow2.f32 v3;
	_ =	sdelay $0x8  }
0x2fb: {  	v3 =	vpop (erf)  }
0x2fc: {  	v3 =	vmul.f32 v3, v1;
	_ =	sdelay $0x1  }
0x2fd: {  	[tilespmem:s1+$0xFFFFFF70] =	vst v3  }
0x2fe: {  	v3 =	vld [tilespmem:$0x80];
	_ =	sdelay $0x4  }
0x2ff: {  	v3 =	vsub.f32 v3, v2;
	_ =	sdelay $0x1  }
0x300: {  	v3 =	vmul.f32 v3, v3;
	_ =	sdelay $0x1  }
0x301: {  	v3 =	vsub.f32 $0.0e+00, v3;
	_ =	sdelay $0x1  }
0x302: {  	v3 =	vmul.f32 v3, v0;
	_ =	sdelay $0x1  }
0x303: {  	v3 =	vmul.f32 $1.442695020e+00, v3;
	_ =	sdelay $0x1  }
0x304: {  	(erf) = vpow2.f32 v3;
	_ =	sdelay $0x8  }
0x305: {  	v3 =	vpop (erf)  }
0x306: {  	v3 =	vmul.f32 v3, v1;
	_ =	sdelay $0x1  }
0x307: {  	[tilespmem:s1+$0xFFFFFF80] =	vst v3  }
0x308: {  	v3 =	vld [tilespmem:$0x90];
	_ =	sdelay $0x4  }
0x309: {  	v3 =	vsub.f32 v3, v2;
	_ =	sdelay $0x1  }
0x30a: {  	v3 =	vmul.f32 v3, v3;
	_ =	sdelay $0x1  }
0x30b: {  	v3 =	vsub.f32 $0.0e+00, v3;
	_ =	sdelay $0x1  }
0x30c: {  	v3 =	vmul.f32 v3, v0;
	_ =	sdelay $0x1  }
0x30d: {  	v3 =	vmul.f32 $1.442695020e+00, v3;
	_ =	sdelay $0x1  }
0x30e: {  	(erf) = vpow2.f32 v3;
	_ =	sdelay $0x8  }
0x30f: {  	v3 =	vpop (erf)  }
0x310: {  	v3 =	vmul.f32 v3, v1;
	_ =	sdelay $0x1  }
0x311: {  	[tilespmem:s1+$0xFFFFFF90] =	vst v3  }
0x312: {  	v3 =	vld [tilespmem:$0xA0];
	_ =	sdelay $0x4  }
0x313: {  	v3 =	vsub.f32 v3, v2;
	_ =	sdelay $0x1  }
0x314: {  	v3 =	vmul.f32 v3, v3;
	_ =	sdelay $0x1  }
0x315: {  	v3 =	vsub.f32 $0.0e+00, v3;
	_ =	sdelay $0x1  }
0x316: {  	v3 =	vmul.f32 v3, v0;
	_ =	sdelay $0x1  }
0x317: {  	v3 =	vmul.f32 $1.442695020e+00, v3;
	_ =	sdelay $0x1  }
0x318: {  	(erf) = vpow2.f32 v3;
	_ =	sdelay $0x8  }
0x319: {  	v3 =	vpop (erf)  }
0x31a: {  	v3 =	vmul.f32 v3, v1;
	_ =	sdelay $0x1  }
0x31b: {  	[tilespmem:s1+$0xFFFFFFA0] =	vst v3  }
0x31c: {  	v3 =	vld [tilespmem:$0xB0];
	_ =	sdelay $0x4  }
0x31d: {  	v3 =	vsub.f32 v3, v2;
	_ =	sdelay $0x1  }
0x31e: {  	v3 =	vmul.f32 v3, v3;
	_ =	sdelay $0x1  }
0x31f: {  	v3 =	vsub.f32 $0.0e+00, v3;
	_ =	sdelay $0x1  }
0x320: {  	v3 =	vmul.f32 v3, v0;
	_ =	sdelay $0x1  }
0x321: {  	v3 =	vmul.f32 $1.442695020e+00, v3;
	_ =	sdelay $0x1  }
0x322: {  	(erf) = vpow2.f32 v3;
	_ =	sdelay $0x8  }
0x323: {  	v3 =	vpop (erf)  }
0x324: {  	v3 =	vmul.f32 v3, v1;
	_ =	sdelay $0x1  }
0x325: {  	[tilespmem:s1+$0xFFFFFFB0] =	vst v3  }
0x326: {  	v3 =	vld [tilespmem:$0xC0];
	_ =	sdelay $0x4  }
0x327: {  	v3 =	vsub.f32 v3, v2;
	_ =	sdelay $0x1  }
0x328: {  	v3 =	vmul.f32 v3, v3;
	_ =	sdelay $0x1  }
0x329: {  	v3 =	vsub.f32 $0.0e+00, v3;
	_ =	sdelay $0x1  }
0x32a: {  	v3 =	vmul.f32 v3, v0;
	_ =	sdelay $0x1  }
0x32b: {  	v3 =	vmul.f32 $1.442695020e+00, v3;
	_ =	sdelay $0x1  }
0x32c: {  	(erf) = vpow2.f32 v3;
	_ =	sdelay $0x8  }
0x32d: {  	v3 =	vpop (erf)  }
0x32e: {  	v3 =	vmul.f32 v3, v1;
	_ =	sdelay $0x1  }
0x32f: {  	[tilespmem:s1+$0xFFFFFFC0] =	vst v3  }
0x330: {  	v3 =	vld [tilespmem:$0xD0];
	_ =	sdelay $0x4  }
0x331: {  	v3 =	vsub.f32 v3, v2;
	_ =	sdelay $0x1  }
0x332: {  	v3 =	vmul.f32 v3, v3;
	_ =	sdelay $0x1  }
0x333: {  	v3 =	vsub.f32 $0.0e+00, v3;
	_ =	sdelay $0x1  }
0x334: {  	v3 =	vmul.f32 v3, v0;
	_ =	sdelay $0x1  }
0x335: {  	v3 =	vmul.f32 $1.442695020e+00, v3;
	_ =	sdelay $0x1  }
0x336: {  	(erf) = vpow2.f32 v3;
	_ =	sdelay $0x8  }
0x337: {  	v3 =	vpop (erf)  }
0x338: {  	v3 =	vmul.f32 v3, v1;
	_ =	sdelay $0x1  }
0x339: {  	[tilespmem:s1+$0xFFFFFFD0] =	vst v3  }
0x33a: {  	v3 =	vld [tilespmem:$0xE0];
	_ =	sdelay $0x4  }
0x33b: {  	v3 =	vsub.f32 v3, v2;
	_ =	sdelay $0x1  }
0x33c: {  	v3 =	vmul.f32 v3, v3;
	_ =	sdelay $0x1  }
0x33d: {  	v3 =	vsub.f32 $0.0e+00, v3;
	_ =	sdelay $0x1  }
0x33e: {  	v3 =	vmul.f32 v3, v0;
	_ =	sdelay $0x1  }
0x33f: {  	v3 =	vmul.f32 $1.442695020e+00, v3;
	_ =	sdelay $0x1  }
0x340: {  	(erf) = vpow2.f32 v3;
	_ =	sdelay $0x8  }
0x341: {  	v3 =	vpop (erf)  }
0x342: {  	v3 =	vmul.f32 v3, v1;
	_ =	sdelay $0x1  }
0x343: {  	[tilespmem:s1+$0xFFFFFFE0] =	vst v3  }
0x344: {  	v3 =	vld [tilespmem:$0xF0];
	_ =	sdelay $0x4  }
0x345: {  	v3 =	vsub.f32 v3, v2;
	_ =	sdelay $0x1  }
0x346: {  	v3 =	vmul.f32 v3, v3;
	_ =	sdelay $0x1  }
0x347: {  	v3 =	vsub.f32 $0.0e+00, v3;
	_ =	sdelay $0x1  }
0x348: {  	v3 =	vmul.f32 v3, v0;
	_ =	sdelay $0x1  }
0x349: {  	v3 =	vmul.f32 $1.442695020e+00, v3;
	_ =	sdelay $0x1  }
0x34a: {  	(erf) = vpow2.f32 v3;
	_ =	sdelay $0x8  }
0x34b: {  	v3 =	vpop (erf)  }
0x34c: {  	v3 =	vmul.f32 v3, v1;
	_ =	sdelay $0x1  }
0x34d: {  	[tilespmem:s1+$0xFFFFFFF0] =	vst v3  }
0x34e: {  	v3 =	vld [tilespmem:$0x100];
	_ =	sdelay $0x4  }
0x34f: {  	v3 =	vsub.f32 v3, v2;
	_ =	sdelay $0x1  }
0x350: {  	v3 =	vmul.f32 v3, v3;
	_ =	sdelay $0x1  }
0x351: {  	v3 =	vsub.f32 $0.0e+00, v3;
	_ =	sdelay $0x1  }
0x352: {  	v3 =	vmul.f32 v3, v0;
	_ =	sdelay $0x1  }
0x353: {  	v3 =	vmul.f32 $1.442695020e+00, v3;
	_ =	sdelay $0x1  }
0x354: {  	(erf) = vpow2.f32 v3;
	_ =	sdelay $0x8  }
0x355: {  	v3 =	vpop (erf)  }
0x356: {  	v3 =	vmul.f32 v3, v1;
	_ =	sdelay $0x1  }
0x357: {  	[tilespmem:s1+$0x0] =	vst v3  }
0x358: {  	v3 =	vld [tilespmem:$0x110];
	_ =	sdelay $0x4  }
0x359: {  	v3 =	vsub.f32 v3, v2;
	_ =	sdelay $0x1  }
0x35a: {  	v3 =	vmul.f32 v3, v3;
	_ =	sdelay $0x1  }
0x35b: {  	v3 =	vsub.f32 $0.0e+00, v3;
	_ =	sdelay $0x1  }
0x35c: {  	v3 =	vmul.f32 v3, v0;
	_ =	sdelay $0x1  }
0x35d: {  	v3 =	vmul.f32 $1.442695020e+00, v3;
	_ =	sdelay $0x1  }
0x35e: {  	(erf) = vpow2.f32 v3;
	_ =	sdelay $0x8  }
0x35f: {  	v3 =	vpop (erf)  }
0x360: {  	v3 =	vmul.f32 v3, v1;
	_ =	sdelay $0x1  }
0x361: {  	[tilespmem:s1+$0x10] =	vst v3  }
0x362: {  	v3 =	vld [tilespmem:$0x120];
	_ =	sdelay $0x4  }
0x363: {  	v3 =	vsub.f32 v3, v2;
	_ =	sdelay $0x1  }
0x364: {  	v3 =	vmul.f32 v3, v3;
	_ =	sdelay $0x1  }
0x365: {  	v3 =	vsub.f32 $0.0e+00, v3;
	_ =	sdelay $0x1  }
0x366: {  	v3 =	vmul.f32 v3, v0;
	_ =	sdelay $0x1  }
0x367: {  	v3 =	vmul.f32 $1.442695020e+00, v3;
	_ =	sdelay $0x1  }
0x368: {  	(erf) = vpow2.f32 v3;
	_ =	sdelay $0x8  }
0x369: {  	v3 =	vpop (erf)  }
0x36a: {  	v3 =	vmul.f32 v3, v1;
	_ =	sdelay $0x1  }
0x36b: {  	[tilespmem:s1+$0x20] =	vst v3  }
0x36c: {  	v3 =	vld [tilespmem:$0x130];
	_ =	sdelay $0x4  }
0x36d: {  	v3 =	vsub.f32 v3, v2;
	_ =	sdelay $0x1  }
0x36e: {  	v3 =	vmul.f32 v3, v3;
	_ =	sdelay $0x1  }
0x36f: {  	v3 =	vsub.f32 $0.0e+00, v3;
	_ =	sdelay $0x1  }
0x370: {  	v3 =	vmul.f32 v3, v0;
	_ =	sdelay $0x1  }
0x371: {  	v3 =	vmul.f32 $1.442695020e+00, v3;
	_ =	sdelay $0x1  }
0x372: {  	(erf) = vpow2.f32 v3;
	_ =	sdelay $0x8  }
0x373: {  	v3 =	vpop (erf)  }
0x374: {  	v3 =	vmul.f32 v3, v1;
	_ =	sdelay $0x1  }
0x375: {  	[tilespmem:s1+$0x30] =	vst v3  }
0x376: {  	v3 =	vld [tilespmem:$0x140];
	_ =	sdelay $0x4  }
0x377: {  	v3 =	vsub.f32 v3, v2;
	_ =	sdelay $0x1  }
0x378: {  	v3 =	vmul.f32 v3, v3;
	_ =	sdelay $0x1  }
0x379: {  	v3 =	vsub.f32 $0.0e+00, v3;
	_ =	sdelay $0x1  }
0x37a: {  	v3 =	vmul.f32 v3, v0;
	_ =	sdelay $0x1  }
0x37b: {  	v3 =	vmul.f32 $1.442695020e+00, v3;
	_ =	sdelay $0x1  }
0x37c: {  	(erf) = vpow2.f32 v3;
	_ =	sdelay $0x8  }
0x37d: {  	v3 =	vpop (erf)  }
0x37e: {  	v3 =	vmul.f32 v3, v1;
	_ =	sdelay $0x1  }
0x37f: {  	[tilespmem:s1+$0x40] =	vst v3  }
0x380: {  	v3 =	vld [tilespmem:$0x150];
	_ =	sdelay $0x4  }
0x381: {  	v3 =	vsub.f32 v3, v2;
	_ =	sdelay $0x1  }
0x382: {  	v3 =	vmul.f32 v3, v3;
	_ =	sdelay $0x1  }
0x383: {  	v3 =	vsub.f32 $0.0e+00, v3;
	_ =	sdelay $0x1  }
0x384: {  	v3 =	vmul.f32 v3, v0;
	_ =	sdelay $0x1  }
0x385: {  	v3 =	vmul.f32 $1.442695020e+00, v3;
	_ =	sdelay $0x1  }
0x386: {  	(erf) = vpow2.f32 v3;
	_ =	sdelay $0x8  }
0x387: {  	v3 =	vpop (erf)  }
0x388: {  	v3 =	vmul.f32 v3, v1;
	_ =	sdelay $0x1  }
0x389: {  	[tilespmem:s1+$0x50] =	vst v3  }
0x38a: {  	v3 =	vld [tilespmem:$0x160];
	_ =	sdelay $0x4  }
0x38b: {  	v3 =	vsub.f32 v3, v2;
	_ =	sdelay $0x1  }
0x38c: {  	v3 =	vmul.f32 v3, v3;
	_ =	sdelay $0x1  }
0x38d: {  	v3 =	vsub.f32 $0.0e+00, v3;
	_ =	sdelay $0x1  }
0x38e: {  	v3 =	vmul.f32 v3, v0;
	_ =	sdelay $0x1  }
0x38f: {  	v3 =	vmul.f32 $1.442695020e+00, v3;
	_ =	sdelay $0x1  }
0x390: {  	(erf) = vpow2.f32 v3;
	_ =	sdelay $0x8  }
0x391: {  	v3 =	vpop (erf)  }
0x392: {  	v3 =	vmul.f32 v3, v1;
	_ =	sdelay $0x1  }
0x393: {  	[tilespmem:s1+$0x60] =	vst v3  }
0x394: {  	v3 =	vld [tilespmem:$0x170];
	_ =	sdelay $0x4  }
0x395: {  	v3 =	vsub.f32 v3, v2;
	_ =	sdelay $0x1  }
0x396: {  	v3 =	vmul.f32 v3, v3;
	_ =	sdelay $0x1  }
0x397: {  	v3 =	vsub.f32 $0.0e+00, v3;
	_ =	sdelay $0x1  }
0x398: {  	v3 =	vmul.f32 v3, v0;
	_ =	sdelay $0x1  }
0x399: {  	v3 =	vmul.f32 $1.442695020e+00, v3;
	_ =	sdelay $0x1  }
0x39a: {  	(erf) = vpow2.f32 v3;
	_ =	sdelay $0x8  }
0x39b: {  	v3 =	vpop (erf)  }
0x39c: {  	v3 =	vmul.f32 v3, v1;
	_ =	sdelay $0x1  }
0x39d: {  	[tilespmem:s1+$0x70] =	vst v3  }
0x39e: {  	v3 =	vld [tilespmem:$0x180];
	_ =	sdelay $0x4  }
0x39f: {  	v3 =	vsub.f32 v3, v2;
	_ =	sdelay $0x1  }
0x3a0: {  	v3 =	vmul.f32 v3, v3;
	_ =	sdelay $0x1  }
0x3a1: {  	v3 =	vsub.f32 $0.0e+00, v3;
	_ =	sdelay $0x1  }
0x3a2: {  	v3 =	vmul.f32 v3, v0;
	_ =	sdelay $0x1  }
0x3a3: {  	v3 =	vmul.f32 $1.442695020e+00, v3;
	_ =	sdelay $0x1  }
0x3a4: {  	(erf) = vpow2.f32 v3;
	_ =	sdelay $0x8  }
0x3a5: {  	v3 =	vpop (erf)  }
0x3a6: {  	v3 =	vmul.f32 v3, v1;
	_ =	sdelay $0x1  }
0x3a7: {  	[tilespmem:s1+$0x80] =	vst v3  }
0x3a8: {  	v3 =	vld [tilespmem:$0x190];
	_ =	sdelay $0x4  }
0x3a9: {  	v3 =	vsub.f32 v3, v2;
	_ =	sdelay $0x1  }
0x3aa: {  	v3 =	vmul.f32 v3, v3;
	_ =	sdelay $0x1  }
0x3ab: {  	v3 =	vsub.f32 $0.0e+00, v3;
	_ =	sdelay $0x1  }
0x3ac: {  	v3 =	vmul.f32 v3, v0;
	_ =	sdelay $0x1  }
0x3ad: {  	v3 =	vmul.f32 $1.442695020e+00, v3;
	_ =	sdelay $0x1  }
0x3ae: {  	(erf) = vpow2.f32 v3;
	_ =	sdelay $0x8  }
0x3af: {  	v3 =	vpop (erf)  }
0x3b0: {  	v3 =	vmul.f32 v3, v1;
	_ =	sdelay $0x1  }
0x3b1: {  	[tilespmem:s1+$0x90] =	vst v3  }
0x3b2: {  	v3 =	vld [tilespmem:$0x1A0];
	_ =	sdelay $0x4  }
0x3b3: {  	v3 =	vsub.f32 v3, v2;
	_ =	sdelay $0x1  }
0x3b4: {  	v3 =	vmul.f32 v3, v3;
	_ =	sdelay $0x1  }
0x3b5: {  	v3 =	vsub.f32 $0.0e+00, v3;
	_ =	sdelay $0x1  }
0x3b6: {  	v3 =	vmul.f32 v3, v0;
	_ =	sdelay $0x1  }
0x3b7: {  	v3 =	vmul.f32 $1.442695020e+00, v3;
	_ =	sdelay $0x1  }
0x3b8: {  	(erf) = vpow2.f32 v3;
	_ =	sdelay $0x8  }
0x3b9: {  	v3 =	vpop (erf)  }
0x3ba: {  	v3 =	vmul.f32 v3, v1;
	_ =	sdelay $0x1  }
0x3bb: {  	[tilespmem:s1+$0xA0] =	vst v3  }
0x3bc: {  	v3 =	vld [tilespmem:$0x1B0];
	_ =	sdelay $0x4  }
0x3bd: {  	v3 =	vsub.f32 v3, v2;
	_ =	sdelay $0x1  }
0x3be: {  	v3 =	vmul.f32 v3, v3;
	_ =	sdelay $0x1  }
0x3bf: {  	v3 =	vsub.f32 $0.0e+00, v3;
	_ =	sdelay $0x1  }
0x3c0: {  	v3 =	vmul.f32 v3, v0;
	_ =	sdelay $0x1  }
0x3c1: {  	v3 =	vmul.f32 $1.442695020e+00, v3;
	_ =	sdelay $0x1  }
0x3c2: {  	(erf) = vpow2.f32 v3;
	_ =	sdelay $0x8  }
0x3c3: {  	v3 =	vpop (erf)  }
0x3c4: {  	v3 =	vmul.f32 v3, v1;
	_ =	sdelay $0x1  }
0x3c5: {  	[tilespmem:s1+$0xB0] =	vst v3  }
0x3c6: {  	v3 =	vld [tilespmem:$0x1C0];
	_ =	sdelay $0x4  }
0x3c7: {  	v3 =	vsub.f32 v3, v2;
	_ =	sdelay $0x1  }
0x3c8: {  	v3 =	vmul.f32 v3, v3;
	_ =	sdelay $0x1  }
0x3c9: {  	v3 =	vsub.f32 $0.0e+00, v3;
	_ =	sdelay $0x1  }
0x3ca: {  	v3 =	vmul.f32 v3, v0;
	_ =	sdelay $0x1  }
0x3cb: {  	v3 =	vmul.f32 $1.442695020e+00, v3;
	_ =	sdelay $0x1  }
0x3cc: {  	(erf) = vpow2.f32 v3;
	_ =	sdelay $0x8  }
0x3cd: {  	v3 =	vpop (erf)  }
0x3ce: {  	v3 =	vmul.f32 v3, v1;
	_ =	sdelay $0x1  }
0x3cf: {  	[tilespmem:s1+$0xC0] =	vst v3  }
0x3d0: {  	v3 =	vld [tilespmem:$0x1D0];
	_ =	sdelay $0x4  }
0x3d1: {  	v3 =	vsub.f32 v3, v2;
	_ =	sdelay $0x1  }
0x3d2: {  	v3 =	vmul.f32 v3, v3;
	_ =	sdelay $0x1  }
0x3d3: {  	v3 =	vsub.f32 $0.0e+00, v3;
	_ =	sdelay $0x1  }
0x3d4: {  	v3 =	vmul.f32 v3, v0;
	_ =	sdelay $0x1  }
0x3d5: {  	v3 =	vmul.f32 $1.442695020e+00, v3;
	_ =	sdelay $0x1  }
0x3d6: {  	(erf) = vpow2.f32 v3;
	_ =	sdelay $0x8  }
0x3d7: {  	v3 =	vpop (erf)  }
0x3d8: {  	v3 =	vmul.f32 v3, v1;
	_ =	sdelay $0x1  }
0x3d9: {  	[tilespmem:s1+$0xD0] =	vst v3  }
0x3da: {  	v3 =	vld [tilespmem:$0x1E0];
	_ =	sdelay $0x4  }
0x3db: {  	v3 =	vsub.f32 v3, v2;
	_ =	sdelay $0x1  }
0x3dc: {  	v3 =	vmul.f32 v3, v3;
	_ =	sdelay $0x1  }
0x3dd: {  	v3 =	vsub.f32 $0.0e+00, v3;
	_ =	sdelay $0x1  }
0x3de: {  	v3 =	vmul.f32 v3, v0;
	_ =	sdelay $0x1  }
0x3df: {  	v3 =	vmul.f32 $1.442695020e+00, v3;
	_ =	sdelay $0x1  }
0x3e0: {  	(erf) = vpow2.f32 v3;
	_ =	sdelay $0x8  }
0x3e1: {  	v3 =	vpop (erf)  }
0x3e2: {  	v3 =	vmul.f32 v3, v1;
	_ =	sdelay $0x1  }
0x3e3: {  	[tilespmem:s1+$0xE0] =	vst v3  }
0x3e4: {  	v3 =	vld [tilespmem:$0x1F0];
	_ =	sdelay $0x4  }
0x3e5: {  	v2 =	vsub.f32 v3, v2;
	_ =	sdelay $0x1  }
0x3e6: {  	v2 =	vmul.f32 v2, v2;
	_ =	sdelay $0x1  }
0x3e7: {  	v2 =	vsub.f32 $0.0e+00, v2;
	_ =	sdelay $0x1  }
0x3e8: {  	v2 =	vmul.f32 v2, v0;
	_ =	sdelay $0x1  }
0x3e9: {  	v2 =	vmul.f32 $1.442695020e+00, v2;
	_ =	sdelay $0x1  }
0x3ea: {  	(erf) = vpow2.f32 v2;
	_ =	sdelay $0x8  }
0x3eb: {  	v2 =	vpop (erf)  }
0x3ec: {  	v1 =	vmul.f32 v2, v1;
	_ =	sdelay $0x1  }
0x3ed: {  	s25 =	simm.s32 $0x8580;
	[tilespmem:s1+$0xF0] =	vst v1;
	s1 =	simm.s32 $0x0  }
.LBB2_4:
0x3ee: {  	v1 =	vld [tilespmem:$0x200]  }
0x3ef: {  	v2 =	vld [tilespmem:$0x0]  }
0x3f0: {  	s26 =	sadd.s32 s1, s23  }
0x3f1: {  	s26 =	scvt.s32.f32 s26;
	_ =	sdelay $0x1  }
0x3f2: {  	s26 =	smul.f32 $1.562500000e-02, s26  }
0x3f3: {  	v2 =	vsub.f32 v1, v2  }
0x3f4: {  	v1 =	vmov s26  }
0x3f5: {  	v2 =	vsub.f32 v2, v1;
	_ =	sdelay $0x1  }
0x3f6: {  	v2 =	vmul.f32 v2, v2;
	_ =	sdelay $0x1  }
0x3f7: {  	v2 =	vsub.f32 $0.0e+00, v2;
	_ =	sdelay $0x1  }
0x3f8: {  	v2 =	vmul.f32 v2, v0;
	_ =	sdelay $0x1  }
0x3f9: {  	v2 =	vmul.f32 $1.442695020e+00, v2;
	_ =	sdelay $0x1  }
0x3fa: {  	(erf) = vpow2.f32 v2;
	_ =	sdelay $0x8  }
0x3fb: {  	v2 =	vpop (erf)  }
0x3fc: {  	[tilespmem:s25+$0xFFFFFF00] =	vst v2  }
0x3fd: {  	v2 =	vld [tilespmem:$0x210]  }
0x3fe: {  	v3 =	vld [tilespmem:$0x10];
	_ =	sdelay $0x4  }
0x3ff: {  	v2 =	vsub.f32 v2, v3;
	_ =	sdelay $0x1  }
0x400: {  	v2 =	vsub.f32 v2, v1;
	_ =	sdelay $0x1  }
0x401: {  	v2 =	vmul.f32 v2, v2;
	_ =	sdelay $0x1  }
0x402: {  	v2 =	vsub.f32 $0.0e+00, v2;
	_ =	sdelay $0x1  }
0x403: {  	v2 =	vmul.f32 v2, v0;
	_ =	sdelay $0x1  }
0x404: {  	v2 =	vmul.f32 $1.442695020e+00, v2;
	_ =	sdelay $0x1  }
0x405: {  	(erf) = vpow2.f32 v2;
	_ =	sdelay $0x8  }
0x406: {  	v2 =	vpop (erf)  }
0x407: {  	[tilespmem:s25+$0xFFFFFF10] =	vst v2  }
0x408: {  	v2 =	vld [tilespmem:$0x220]  }
0x409: {  	v3 =	vld [tilespmem:$0x20];
	_ =	sdelay $0x4  }
0x40a: {  	v2 =	vsub.f32 v2, v3;
	_ =	sdelay $0x1  }
0x40b: {  	v2 =	vsub.f32 v2, v1;
	_ =	sdelay $0x1  }
0x40c: {  	v2 =	vmul.f32 v2, v2;
	_ =	sdelay $0x1  }
0x40d: {  	v2 =	vsub.f32 $0.0e+00, v2;
	_ =	sdelay $0x1  }
0x40e: {  	v2 =	vmul.f32 v2, v0;
	_ =	sdelay $0x1  }
0x40f: {  	v2 =	vmul.f32 $1.442695020e+00, v2;
	_ =	sdelay $0x1  }
0x410: {  	(erf) = vpow2.f32 v2;
	_ =	sdelay $0x8  }
0x411: {  	v2 =	vpop (erf)  }
0x412: {  	[tilespmem:s25+$0xFFFFFF20] =	vst v2  }
0x413: {  	v2 =	vld [tilespmem:$0x230]  }
0x414: {  	v3 =	vld [tilespmem:$0x30];
	_ =	sdelay $0x4  }
0x415: {  	v2 =	vsub.f32 v2, v3;
	_ =	sdelay $0x1  }
0x416: {  	v2 =	vsub.f32 v2, v1;
	_ =	sdelay $0x1  }
0x417: {  	v2 =	vmul.f32 v2, v2;
	_ =	sdelay $0x1  }
0x418: {  	v2 =	vsub.f32 $0.0e+00, v2;
	_ =	sdelay $0x1  }
0x419: {  	v2 =	vmul.f32 v2, v0;
	_ =	sdelay $0x1  }
0x41a: {  	v2 =	vmul.f32 $1.442695020e+00, v2;
	_ =	sdelay $0x1  }
0x41b: {  	(erf) = vpow2.f32 v2;
	_ =	sdelay $0x8  }
0x41c: {  	v2 =	vpop (erf)  }
0x41d: {  	[tilespmem:s25+$0xFFFFFF30] =	vst v2  }
0x41e: {  	v2 =	vld [tilespmem:$0x240]  }
0x41f: {  	v3 =	vld [tilespmem:$0x40];
	_ =	sdelay $0x4  }
0x420: {  	v2 =	vsub.f32 v2, v3;
	_ =	sdelay $0x1  }
0x421: {  	v2 =	vsub.f32 v2, v1;
	_ =	sdelay $0x1  }
0x422: {  	v2 =	vmul.f32 v2, v2;
	_ =	sdelay $0x1  }
0x423: {  	v2 =	vsub.f32 $0.0e+00, v2;
	_ =	sdelay $0x1  }
0x424: {  	v2 =	vmul.f32 v2, v0;
	_ =	sdelay $0x1  }
0x425: {  	v2 =	vmul.f32 $1.442695020e+00, v2;
	_ =	sdelay $0x1  }
0x426: {  	(erf) = vpow2.f32 v2;
	_ =	sdelay $0x8  }
0x427: {  	v2 =	vpop (erf)  }
0x428: {  	[tilespmem:s25+$0xFFFFFF40] =	vst v2  }
0x429: {  	v2 =	vld [tilespmem:$0x250]  }
0x42a: {  	v3 =	vld [tilespmem:$0x50];
	_ =	sdelay $0x4  }
0x42b: {  	v2 =	vsub.f32 v2, v3;
	_ =	sdelay $0x1  }
0x42c: {  	v2 =	vsub.f32 v2, v1;
	_ =	sdelay $0x1  }
0x42d: {  	v2 =	vmul.f32 v2, v2;
	_ =	sdelay $0x1  }
0x42e: {  	v2 =	vsub.f32 $0.0e+00, v2;
	_ =	sdelay $0x1  }
0x42f: {  	v2 =	vmul.f32 v2, v0;
	_ =	sdelay $0x1  }
0x430: {  	v2 =	vmul.f32 $1.442695020e+00, v2;
	_ =	sdelay $0x1  }
0x431: {  	(erf) = vpow2.f32 v2;
	_ =	sdelay $0x8  }
0x432: {  	v2 =	vpop (erf)  }
0x433: {  	[tilespmem:s25+$0xFFFFFF50] =	vst v2  }
0x434: {  	v2 =	vld [tilespmem:$0x260]  }
0x435: {  	v3 =	vld [tilespmem:$0x60];
	_ =	sdelay $0x4  }
0x436: {  	v2 =	vsub.f32 v2, v3;
	_ =	sdelay $0x1  }
0x437: {  	v2 =	vsub.f32 v2, v1;
	_ =	sdelay $0x1  }
0x438: {  	v2 =	vmul.f32 v2, v2;
	_ =	sdelay $0x1  }
0x439: {  	v2 =	vsub.f32 $0.0e+00, v2;
	_ =	sdelay $0x1  }
0x43a: {  	v2 =	vmul.f32 v2, v0;
	_ =	sdelay $0x1  }
0x43b: {  	v2 =	vmul.f32 $1.442695020e+00, v2;
	_ =	sdelay $0x1  }
0x43c: {  	(erf) = vpow2.f32 v2;
	_ =	sdelay $0x8  }
0x43d: {  	v2 =	vpop (erf)  }
0x43e: {  	[tilespmem:s25+$0xFFFFFF60] =	vst v2  }
0x43f: {  	v2 =	vld [tilespmem:$0x270]  }
0x440: {  	v3 =	vld [tilespmem:$0x70];
	_ =	sdelay $0x4  }
0x441: {  	v2 =	vsub.f32 v2, v3;
	_ =	sdelay $0x1  }
0x442: {  	v2 =	vsub.f32 v2, v1;
	_ =	sdelay $0x1  }
0x443: {  	v2 =	vmul.f32 v2, v2;
	_ =	sdelay $0x1  }
0x444: {  	v2 =	vsub.f32 $0.0e+00, v2;
	_ =	sdelay $0x1  }
0x445: {  	v2 =	vmul.f32 v2, v0;
	_ =	sdelay $0x1  }
0x446: {  	v2 =	vmul.f32 $1.442695020e+00, v2;
	_ =	sdelay $0x1  }
0x447: {  	(erf) = vpow2.f32 v2;
	_ =	sdelay $0x8  }
0x448: {  	v2 =	vpop (erf)  }
0x449: {  	[tilespmem:s25+$0xFFFFFF70] =	vst v2  }
0x44a: {  	v2 =	vld [tilespmem:$0x280]  }
0x44b: {  	v3 =	vld [tilespmem:$0x80];
	_ =	sdelay $0x4  }
0x44c: {  	v2 =	vsub.f32 v2, v3;
	_ =	sdelay $0x1  }
0x44d: {  	v2 =	vsub.f32 v2, v1;
	_ =	sdelay $0x1  }
0x44e: {  	v2 =	vmul.f32 v2, v2;
	_ =	sdelay $0x1  }
0x44f: {  	v2 =	vsub.f32 $0.0e+00, v2;
	_ =	sdelay $0x1  }
0x450: {  	v2 =	vmul.f32 v2, v0;
	_ =	sdelay $0x1  }
0x451: {  	v2 =	vmul.f32 $1.442695020e+00, v2;
	_ =	sdelay $0x1  }
0x452: {  	(erf) = vpow2.f32 v2;
	_ =	sdelay $0x8  }
0x453: {  	v2 =	vpop (erf)  }
0x454: {  	[tilespmem:s25+$0xFFFFFF80] =	vst v2  }
0x455: {  	v2 =	vld [tilespmem:$0x290]  }
0x456: {  	v3 =	vld [tilespmem:$0x90];
	_ =	sdelay $0x4  }
0x457: {  	v2 =	vsub.f32 v2, v3;
	_ =	sdelay $0x1  }
0x458: {  	v2 =	vsub.f32 v2, v1;
	_ =	sdelay $0x1  }
0x459: {  	v2 =	vmul.f32 v2, v2;
	_ =	sdelay $0x1  }
0x45a: {  	v2 =	vsub.f32 $0.0e+00, v2;
	_ =	sdelay $0x1  }
0x45b: {  	v2 =	vmul.f32 v2, v0;
	_ =	sdelay $0x1  }
0x45c: {  	v2 =	vmul.f32 $1.442695020e+00, v2;
	_ =	sdelay $0x1  }
0x45d: {  	(erf) = vpow2.f32 v2;
	_ =	sdelay $0x8  }
0x45e: {  	v2 =	vpop (erf)  }
0x45f: {  	[tilespmem:s25+$0xFFFFFF90] =	vst v2  }
0x460: {  	v2 =	vld [tilespmem:$0x2A0]  }
0x461: {  	v3 =	vld [tilespmem:$0xA0];
	_ =	sdelay $0x4  }
0x462: {  	v2 =	vsub.f32 v2, v3;
	_ =	sdelay $0x1  }
0x463: {  	v2 =	vsub.f32 v2, v1;
	_ =	sdelay $0x1  }
0x464: {  	v2 =	vmul.f32 v2, v2;
	_ =	sdelay $0x1  }
0x465: {  	v2 =	vsub.f32 $0.0e+00, v2;
	_ =	sdelay $0x1  }
0x466: {  	v2 =	vmul.f32 v2, v0;
	_ =	sdelay $0x1  }
0x467: {  	v2 =	vmul.f32 $1.442695020e+00, v2;
	_ =	sdelay $0x1  }
0x468: {  	(erf) = vpow2.f32 v2;
	_ =	sdelay $0x8  }
0x469: {  	v2 =	vpop (erf)  }
0x46a: {  	[tilespmem:s25+$0xFFFFFFA0] =	vst v2  }
0x46b: {  	v2 =	vld [tilespmem:$0x2B0]  }
0x46c: {  	v3 =	vld [tilespmem:$0xB0];
	_ =	sdelay $0x4  }
0x46d: {  	v2 =	vsub.f32 v2, v3;
	_ =	sdelay $0x1  }
0x46e: {  	v2 =	vsub.f32 v2, v1;
	_ =	sdelay $0x1  }
0x46f: {  	v2 =	vmul.f32 v2, v2;
	_ =	sdelay $0x1  }
0x470: {  	v2 =	vsub.f32 $0.0e+00, v2;
	_ =	sdelay $0x1  }
0x471: {  	v2 =	vmul.f32 v2, v0;
	_ =	sdelay $0x1  }
0x472: {  	v2 =	vmul.f32 $1.442695020e+00, v2;
	_ =	sdelay $0x1  }
0x473: {  	(erf) = vpow2.f32 v2;
	_ =	sdelay $0x8  }
0x474: {  	v2 =	vpop (erf)  }
0x475: {  	[tilespmem:s25+$0xFFFFFFB0] =	vst v2  }
0x476: {  	v2 =	vld [tilespmem:$0x2C0]  }
0x477: {  	v3 =	vld [tilespmem:$0xC0];
	_ =	sdelay $0x4  }
0x478: {  	v2 =	vsub.f32 v2, v3;
	_ =	sdelay $0x1  }
0x479: {  	v2 =	vsub.f32 v2, v1;
	_ =	sdelay $0x1  }
0x47a: {  	v2 =	vmul.f32 v2, v2;
	_ =	sdelay $0x1  }
0x47b: {  	v2 =	vsub.f32 $0.0e+00, v2;
	_ =	sdelay $0x1  }
0x47c: {  	v2 =	vmul.f32 v2, v0;
	_ =	sdelay $0x1  }
0x47d: {  	v2 =	vmul.f32 $1.442695020e+00, v2;
	_ =	sdelay $0x1  }
0x47e: {  	(erf) = vpow2.f32 v2;
	_ =	sdelay $0x8  }
0x47f: {  	v2 =	vpop (erf)  }
0x480: {  	[tilespmem:s25+$0xFFFFFFC0] =	vst v2  }
0x481: {  	v2 =	vld [tilespmem:$0x2D0]  }
0x482: {  	v3 =	vld [tilespmem:$0xD0];
	_ =	sdelay $0x4  }
0x483: {  	v2 =	vsub.f32 v2, v3;
	_ =	sdelay $0x1  }
0x484: {  	v2 =	vsub.f32 v2, v1;
	_ =	sdelay $0x1  }
0x485: {  	v2 =	vmul.f32 v2, v2;
	_ =	sdelay $0x1  }
0x486: {  	v2 =	vsub.f32 $0.0e+00, v2;
	_ =	sdelay $0x1  }
0x487: {  	v2 =	vmul.f32 v2, v0;
	_ =	sdelay $0x1  }
0x488: {  	v2 =	vmul.f32 $1.442695020e+00, v2;
	_ =	sdelay $0x1  }
0x489: {  	(erf) = vpow2.f32 v2;
	_ =	sdelay $0x8  }
0x48a: {  	v2 =	vpop (erf)  }
0x48b: {  	[tilespmem:s25+$0xFFFFFFD0] =	vst v2  }
0x48c: {  	v2 =	vld [tilespmem:$0x2E0]  }
0x48d: {  	v3 =	vld [tilespmem:$0xE0];
	_ =	sdelay $0x4  }
0x48e: {  	v2 =	vsub.f32 v2, v3;
	_ =	sdelay $0x1  }
0x48f: {  	v2 =	vsub.f32 v2, v1;
	_ =	sdelay $0x1  }
0x490: {  	v2 =	vmul.f32 v2, v2;
	_ =	sdelay $0x1  }
0x491: {  	v2 =	vsub.f32 $0.0e+00, v2;
	_ =	sdelay $0x1  }
0x492: {  	v2 =	vmul.f32 v2, v0;
	_ =	sdelay $0x1  }
0x493: {  	v2 =	vmul.f32 $1.442695020e+00, v2;
	_ =	sdelay $0x1  }
0x494: {  	(erf) = vpow2.f32 v2;
	_ =	sdelay $0x8  }
0x495: {  	v2 =	vpop (erf)  }
0x496: {  	[tilespmem:s25+$0xFFFFFFE0] =	vst v2  }
0x497: {  	v2 =	vld [tilespmem:$0x2F0]  }
0x498: {  	v3 =	vld [tilespmem:$0xF0];
	_ =	sdelay $0x4  }
0x499: {  	v2 =	vsub.f32 v2, v3;
	_ =	sdelay $0x1  }
0x49a: {  	v2 =	vsub.f32 v2, v1;
	_ =	sdelay $0x1  }
0x49b: {  	v2 =	vmul.f32 v2, v2;
	_ =	sdelay $0x1  }
0x49c: {  	v2 =	vsub.f32 $0.0e+00, v2;
	_ =	sdelay $0x1  }
0x49d: {  	v2 =	vmul.f32 v2, v0;
	_ =	sdelay $0x1  }
0x49e: {  	v2 =	vmul.f32 $1.442695020e+00, v2;
	_ =	sdelay $0x1  }
0x49f: {  	(erf) = vpow2.f32 v2;
	_ =	sdelay $0x8  }
0x4a0: {  	v2 =	vpop (erf)  }
0x4a1: {  	[tilespmem:s25+$0xFFFFFFF0] =	vst v2  }
0x4a2: {  	v2 =	vld [tilespmem:$0x300]  }
0x4a3: {  	v3 =	vld [tilespmem:$0x100];
	_ =	sdelay $0x4  }
0x4a4: {  	v2 =	vsub.f32 v2, v3;
	_ =	sdelay $0x1  }
0x4a5: {  	v2 =	vsub.f32 v2, v1;
	_ =	sdelay $0x1  }
0x4a6: {  	v2 =	vmul.f32 v2, v2;
	_ =	sdelay $0x1  }
0x4a7: {  	v2 =	vsub.f32 $0.0e+00, v2;
	_ =	sdelay $0x1  }
0x4a8: {  	v2 =	vmul.f32 v2, v0;
	_ =	sdelay $0x1  }
0x4a9: {  	v2 =	vmul.f32 $1.442695020e+00, v2;
	_ =	sdelay $0x1  }
0x4aa: {  	(erf) = vpow2.f32 v2;
	_ =	sdelay $0x8  }
0x4ab: {  	v2 =	vpop (erf)  }
0x4ac: {  	[tilespmem:s25+$0x0] =	vst v2  }
0x4ad: {  	v2 =	vld [tilespmem:$0x310]  }
0x4ae: {  	v3 =	vld [tilespmem:$0x110];
	_ =	sdelay $0x4  }
0x4af: {  	v2 =	vsub.f32 v2, v3;
	_ =	sdelay $0x1  }
0x4b0: {  	v2 =	vsub.f32 v2, v1;
	_ =	sdelay $0x1  }
0x4b1: {  	v2 =	vmul.f32 v2, v2;
	_ =	sdelay $0x1  }
0x4b2: {  	v2 =	vsub.f32 $0.0e+00, v2;
	_ =	sdelay $0x1  }
0x4b3: {  	v2 =	vmul.f32 v2, v0;
	_ =	sdelay $0x1  }
0x4b4: {  	v2 =	vmul.f32 $1.442695020e+00, v2;
	_ =	sdelay $0x1  }
0x4b5: {  	(erf) = vpow2.f32 v2;
	_ =	sdelay $0x8  }
0x4b6: {  	v2 =	vpop (erf)  }
0x4b7: {  	[tilespmem:s25+$0x10] =	vst v2  }
0x4b8: {  	v2 =	vld [tilespmem:$0x320]  }
0x4b9: {  	v3 =	vld [tilespmem:$0x120];
	_ =	sdelay $0x4  }
0x4ba: {  	v2 =	vsub.f32 v2, v3;
	_ =	sdelay $0x1  }
0x4bb: {  	v2 =	vsub.f32 v2, v1;
	_ =	sdelay $0x1  }
0x4bc: {  	v2 =	vmul.f32 v2, v2;
	_ =	sdelay $0x1  }
0x4bd: {  	v2 =	vsub.f32 $0.0e+00, v2;
	_ =	sdelay $0x1  }
0x4be: {  	v2 =	vmul.f32 v2, v0;
	_ =	sdelay $0x1  }
0x4bf: {  	v2 =	vmul.f32 $1.442695020e+00, v2;
	_ =	sdelay $0x1  }
0x4c0: {  	(erf) = vpow2.f32 v2;
	_ =	sdelay $0x8  }
0x4c1: {  	v2 =	vpop (erf)  }
0x4c2: {  	[tilespmem:s25+$0x20] =	vst v2  }
0x4c3: {  	v2 =	vld [tilespmem:$0x330]  }
0x4c4: {  	v3 =	vld [tilespmem:$0x130];
	_ =	sdelay $0x4  }
0x4c5: {  	v2 =	vsub.f32 v2, v3;
	_ =	sdelay $0x1  }
0x4c6: {  	v2 =	vsub.f32 v2, v1;
	_ =	sdelay $0x1  }
0x4c7: {  	v2 =	vmul.f32 v2, v2;
	_ =	sdelay $0x1  }
0x4c8: {  	v2 =	vsub.f32 $0.0e+00, v2;
	_ =	sdelay $0x1  }
0x4c9: {  	v2 =	vmul.f32 v2, v0;
	_ =	sdelay $0x1  }
0x4ca: {  	v2 =	vmul.f32 $1.442695020e+00, v2;
	_ =	sdelay $0x1  }
0x4cb: {  	(erf) = vpow2.f32 v2;
	_ =	sdelay $0x8  }
0x4cc: {  	v2 =	vpop (erf)  }
0x4cd: {  	[tilespmem:s25+$0x30] =	vst v2  }
0x4ce: {  	v2 =	vld [tilespmem:$0x340]  }
0x4cf: {  	v3 =	vld [tilespmem:$0x140];
	_ =	sdelay $0x4  }
0x4d0: {  	v2 =	vsub.f32 v2, v3;
	_ =	sdelay $0x1  }
0x4d1: {  	v2 =	vsub.f32 v2, v1;
	_ =	sdelay $0x1  }
0x4d2: {  	v2 =	vmul.f32 v2, v2;
	_ =	sdelay $0x1  }
0x4d3: {  	v2 =	vsub.f32 $0.0e+00, v2;
	_ =	sdelay $0x1  }
0x4d4: {  	v2 =	vmul.f32 v2, v0;
	_ =	sdelay $0x1  }
0x4d5: {  	v2 =	vmul.f32 $1.442695020e+00, v2;
	_ =	sdelay $0x1  }
0x4d6: {  	(erf) = vpow2.f32 v2;
	_ =	sdelay $0x8  }
0x4d7: {  	v2 =	vpop (erf)  }
0x4d8: {  	[tilespmem:s25+$0x40] =	vst v2  }
0x4d9: {  	v2 =	vld [tilespmem:$0x350]  }
0x4da: {  	v3 =	vld [tilespmem:$0x150];
	_ =	sdelay $0x4  }
0x4db: {  	v2 =	vsub.f32 v2, v3;
	_ =	sdelay $0x1  }
0x4dc: {  	v2 =	vsub.f32 v2, v1;
	_ =	sdelay $0x1  }
0x4dd: {  	v2 =	vmul.f32 v2, v2;
	_ =	sdelay $0x1  }
0x4de: {  	v2 =	vsub.f32 $0.0e+00, v2;
	_ =	sdelay $0x1  }
0x4df: {  	v2 =	vmul.f32 v2, v0;
	_ =	sdelay $0x1  }
0x4e0: {  	v2 =	vmul.f32 $1.442695020e+00, v2;
	_ =	sdelay $0x1  }
0x4e1: {  	(erf) = vpow2.f32 v2;
	_ =	sdelay $0x8  }
0x4e2: {  	v2 =	vpop (erf)  }
0x4e3: {  	[tilespmem:s25+$0x50] =	vst v2  }
0x4e4: {  	v2 =	vld [tilespmem:$0x360]  }
0x4e5: {  	v3 =	vld [tilespmem:$0x160];
	_ =	sdelay $0x4  }
0x4e6: {  	v2 =	vsub.f32 v2, v3;
	_ =	sdelay $0x1  }
0x4e7: {  	v2 =	vsub.f32 v2, v1;
	_ =	sdelay $0x1  }
0x4e8: {  	v2 =	vmul.f32 v2, v2;
	_ =	sdelay $0x1  }
0x4e9: {  	v2 =	vsub.f32 $0.0e+00, v2;
	_ =	sdelay $0x1  }
0x4ea: {  	v2 =	vmul.f32 v2, v0;
	_ =	sdelay $0x1  }
0x4eb: {  	v2 =	vmul.f32 $1.442695020e+00, v2;
	_ =	sdelay $0x1  }
0x4ec: {  	(erf) = vpow2.f32 v2;
	_ =	sdelay $0x8  }
0x4ed: {  	v2 =	vpop (erf)  }
0x4ee: {  	[tilespmem:s25+$0x60] =	vst v2  }
0x4ef: {  	v2 =	vld [tilespmem:$0x370]  }
0x4f0: {  	v3 =	vld [tilespmem:$0x170];
	_ =	sdelay $0x4  }
0x4f1: {  	v2 =	vsub.f32 v2, v3;
	_ =	sdelay $0x1  }
0x4f2: {  	v2 =	vsub.f32 v2, v1;
	_ =	sdelay $0x1  }
0x4f3: {  	v2 =	vmul.f32 v2, v2;
	_ =	sdelay $0x1  }
0x4f4: {  	v2 =	vsub.f32 $0.0e+00, v2;
	_ =	sdelay $0x1  }
0x4f5: {  	v2 =	vmul.f32 v2, v0;
	_ =	sdelay $0x1  }
0x4f6: {  	v2 =	vmul.f32 $1.442695020e+00, v2;
	_ =	sdelay $0x1  }
0x4f7: {  	(erf) = vpow2.f32 v2;
	_ =	sdelay $0x8  }
0x4f8: {  	v2 =	vpop (erf)  }
0x4f9: {  	[tilespmem:s25+$0x70] =	vst v2  }
0x4fa: {  	v2 =	vld [tilespmem:$0x380]  }
0x4fb: {  	v3 =	vld [tilespmem:$0x180];
	_ =	sdelay $0x4  }
0x4fc: {  	v2 =	vsub.f32 v2, v3;
	_ =	sdelay $0x1  }
0x4fd: {  	v2 =	vsub.f32 v2, v1;
	_ =	sdelay $0x1  }
0x4fe: {  	v2 =	vmul.f32 v2, v2;
	_ =	sdelay $0x1  }
0x4ff: {  	v2 =	vsub.f32 $0.0e+00, v2;
	_ =	sdelay $0x1  }
0x500: {  	v2 =	vmul.f32 v2, v0;
	_ =	sdelay $0x1  }
0x501: {  	v2 =	vmul.f32 $1.442695020e+00, v2;
	_ =	sdelay $0x1  }
0x502: {  	(erf) = vpow2.f32 v2;
	_ =	sdelay $0x8  }
0x503: {  	v2 =	vpop (erf)  }
0x504: {  	[tilespmem:s25+$0x80] =	vst v2  }
0x505: {  	v2 =	vld [tilespmem:$0x390]  }
0x506: {  	v3 =	vld [tilespmem:$0x190];
	_ =	sdelay $0x4  }
0x507: {  	v2 =	vsub.f32 v2, v3;
	_ =	sdelay $0x1  }
0x508: {  	v2 =	vsub.f32 v2, v1;
	_ =	sdelay $0x1  }
0x509: {  	v2 =	vmul.f32 v2, v2;
	_ =	sdelay $0x1  }
0x50a: {  	v2 =	vsub.f32 $0.0e+00, v2;
	_ =	sdelay $0x1  }
0x50b: {  	v2 =	vmul.f32 v2, v0;
	_ =	sdelay $0x1  }
0x50c: {  	v2 =	vmul.f32 $1.442695020e+00, v2;
	_ =	sdelay $0x1  }
0x50d: {  	(erf) = vpow2.f32 v2;
	_ =	sdelay $0x8  }
0x50e: {  	v2 =	vpop (erf)  }
0x50f: {  	[tilespmem:s25+$0x90] =	vst v2  }
0x510: {  	v2 =	vld [tilespmem:$0x3A0]  }
0x511: {  	v3 =	vld [tilespmem:$0x1A0];
	_ =	sdelay $0x4  }
0x512: {  	v2 =	vsub.f32 v2, v3;
	_ =	sdelay $0x1  }
0x513: {  	v2 =	vsub.f32 v2, v1;
	_ =	sdelay $0x1  }
0x514: {  	v2 =	vmul.f32 v2, v2;
	_ =	sdelay $0x1  }
0x515: {  	v2 =	vsub.f32 $0.0e+00, v2;
	_ =	sdelay $0x1  }
0x516: {  	v2 =	vmul.f32 v2, v0;
	_ =	sdelay $0x1  }
0x517: {  	v2 =	vmul.f32 $1.442695020e+00, v2;
	_ =	sdelay $0x1  }
0x518: {  	(erf) = vpow2.f32 v2;
	_ =	sdelay $0x8  }
0x519: {  	v2 =	vpop (erf)  }
0x51a: {  	[tilespmem:s25+$0xA0] =	vst v2  }
0x51b: {  	v2 =	vld [tilespmem:$0x3B0]  }
0x51c: {  	v3 =	vld [tilespmem:$0x1B0];
	_ =	sdelay $0x4  }
0x51d: {  	v2 =	vsub.f32 v2, v3;
	_ =	sdelay $0x1  }
0x51e: {  	v2 =	vsub.f32 v2, v1;
	_ =	sdelay $0x1  }
0x51f: {  	v2 =	vmul.f32 v2, v2;
	_ =	sdelay $0x1  }
0x520: {  	v2 =	vsub.f32 $0.0e+00, v2;
	_ =	sdelay $0x1  }
0x521: {  	v2 =	vmul.f32 v2, v0;
	_ =	sdelay $0x1  }
0x522: {  	v2 =	vmul.f32 $1.442695020e+00, v2;
	_ =	sdelay $0x1  }
0x523: {  	(erf) = vpow2.f32 v2;
	_ =	sdelay $0x8  }
0x524: {  	v2 =	vpop (erf)  }
0x525: {  	[tilespmem:s25+$0xB0] =	vst v2  }
0x526: {  	v2 =	vld [tilespmem:$0x3C0]  }
0x527: {  	v3 =	vld [tilespmem:$0x1C0];
	_ =	sdelay $0x4  }
0x528: {  	v2 =	vsub.f32 v2, v3;
	_ =	sdelay $0x1  }
0x529: {  	v2 =	vsub.f32 v2, v1;
	_ =	sdelay $0x1  }
0x52a: {  	v2 =	vmul.f32 v2, v2;
	_ =	sdelay $0x1  }
0x52b: {  	v2 =	vsub.f32 $0.0e+00, v2;
	_ =	sdelay $0x1  }
0x52c: {  	v2 =	vmul.f32 v2, v0;
	_ =	sdelay $0x1  }
0x52d: {  	v2 =	vmul.f32 $1.442695020e+00, v2;
	_ =	sdelay $0x1  }
0x52e: {  	(erf) = vpow2.f32 v2;
	_ =	sdelay $0x8  }
0x52f: {  	v2 =	vpop (erf)  }
0x530: {  	[tilespmem:s25+$0xC0] =	vst v2  }
0x531: {  	v2 =	vld [tilespmem:$0x3D0]  }
0x532: {  	v3 =	vld [tilespmem:$0x1D0];
	_ =	sdelay $0x4  }
0x533: {  	v2 =	vsub.f32 v2, v3;
	_ =	sdelay $0x1  }
0x534: {  	v2 =	vsub.f32 v2, v1;
	_ =	sdelay $0x1  }
0x535: {  	v2 =	vmul.f32 v2, v2;
	_ =	sdelay $0x1  }
0x536: {  	v2 =	vsub.f32 $0.0e+00, v2;
	_ =	sdelay $0x1  }
0x537: {  	v2 =	vmul.f32 v2, v0;
	_ =	sdelay $0x1  }
0x538: {  	v2 =	vmul.f32 $1.442695020e+00, v2;
	_ =	sdelay $0x1  }
0x539: {  	(erf) = vpow2.f32 v2;
	_ =	sdelay $0x8  }
0x53a: {  	v2 =	vpop (erf)  }
0x53b: {  	[tilespmem:s25+$0xD0] =	vst v2  }
0x53c: {  	v2 =	vld [tilespmem:$0x3E0]  }
0x53d: {  	v3 =	vld [tilespmem:$0x1E0];
	_ =	sdelay $0x4  }
0x53e: {  	v2 =	vsub.f32 v2, v3;
	_ =	sdelay $0x1  }
0x53f: {  	v2 =	vsub.f32 v2, v1;
	_ =	sdelay $0x1  }
0x540: {  	v2 =	vmul.f32 v2, v2;
	_ =	sdelay $0x1  }
0x541: {  	v2 =	vsub.f32 $0.0e+00, v2;
	_ =	sdelay $0x1  }
0x542: {  	v2 =	vmul.f32 v2, v0;
	_ =	sdelay $0x1  }
0x543: {  	v2 =	vmul.f32 $1.442695020e+00, v2;
	_ =	sdelay $0x1  }
0x544: {  	(erf) = vpow2.f32 v2;
	_ =	sdelay $0x8  }
0x545: {  	v2 =	vpop (erf)  }
0x546: {  	[tilespmem:s25+$0xE0] =	vst v2  }
0x547: {  	v2 =	vld [tilespmem:$0x3F0]  }
0x548: {  	v3 =	vld [tilespmem:$0x1F0];
	_ =	sdelay $0x4  }
0x549: {  	v2 =	vsub.f32 v2, v3;
	_ =	sdelay $0x1  }
0x54a: {  	v1 =	vsub.f32 v2, v1;
	_ =	sdelay $0x1  }
0x54b: {  	v1 =	vmul.f32 v1, v1;
	_ =	sdelay $0x1  }
0x54c: {  	v1 =	vsub.f32 $0.0e+00, v1;
	_ =	sdelay $0x1  }
0x54d: {  	v1 =	vmul.f32 v1, v0;
	_ =	sdelay $0x1  }
0x54e: {  	v1 =	vmul.f32 $1.442695020e+00, v1;
	_ =	sdelay $0x1  }
0x54f: {  	(erf) = vpow2.f32 v1;
	_ =	sdelay $0x4  }
0x550: {  	p0 =	sne.s32 s1, $0xF  }
.Ltmp1:
0x551: {  	_ = 	snop;
	(pc) =	sbr.rel @p0 .LBB2_4-.Ltmp1, $3  }
0x552: {  	_ =	sdelay $0x1  }
0x553: {  	v1 =	vpop (erf)  }
0x554: {  	s1 =	sadd.s32 $0x1, s1;
	[tilespmem:s25+$0xF0] =	vst v1;
	s25 =	sadd.s32 $0x200, s25  }
0x555: {  	[hbm4b:s6+s2] =	stream.linear.scatter [tilespmem:s28], [sflag:$0x1], $0x8000, $0x38;
	[tilespmem:$0x1A480] =	vst v63  }
0x556: {  	_ = 	snop  }
0x557: {  	[hbm4b:s8+s2] =	stream.linear.scatter [tilespmem:s29], [sflag:$0x2], $0x8000, $0x38;
	[tilespmem:$0x1A480] =	vst v63  }
0x558: {  	_ =	swait.ge [sflag:s30], $0x8000  }
0x559: {  	[sflag:s30] =	ssyncset.done $0x0  }
0x55a: {  	[sflag:s30] =	ssyncadd.s32 $0xFFFF8000  }
0x55b: {  	[hbm4b:s9+s2] =	stream.linear.scatter [tilespmem:s28], [sflag:$0x1], $0x8000, $0x38;
	[tilespmem:$0x1A480] =	vst v63  }
0x55c: {  	_ =	swait.ge [sflag:s31], $0x8000  }
0x55d: {  	[sflag:s31] =	ssyncset.done $0x0  }
0x55e: {  	[sflag:s31] =	ssyncadd.s32 $0xFFFF8000  }
0x55f: {  	[hbm4b:s10+s2] =	stream.linear.scatter [tilespmem:s29], [sflag:$0x2], $0x8000, $0x38;
	[tilespmem:$0x1A480] =	vst v63  }
0x560: {  	_ =	swait.ge [sflag:s30], $0x8000  }
0x561: {  	[sflag:s30] =	ssyncset.done $0x0  }
0x562: {  	[sflag:s30] =	ssyncadd.s32 $0xFFFF8000  }
0x563: {  	[hbm4b:s11+s2] =	stream.linear.scatter [tilespmem:s28], [sflag:$0x1], $0x8000, $0x38;
	[tilespmem:$0x1A480] =	vst v63  }
0x564: {  	_ =	swait.ge [sflag:s31], $0x8000  }
0x565: {  	[sflag:s31] =	ssyncset.done $0x0  }
0x566: {  	[sflag:s31] =	ssyncadd.s32 $0xFFFF8000  }
0x567: {  	[hbm4b:s12+s2] =	stream.linear.scatter [tilespmem:s29], [sflag:$0x2], $0x8000, $0x38;
	[tilespmem:$0x1A480] =	vst v63  }
0x568: {  	_ =	swait.ge [sflag:s30], $0x8000  }
0x569: {  	[sflag:s30] =	ssyncset.done $0x0  }
0x56a: {  	[sflag:s30] =	ssyncadd.s32 $0xFFFF8000  }
0x56b: {  	[hbm4b:s13+s2] =	stream.linear.scatter [tilespmem:s28], [sflag:$0x1], $0x8000, $0x38;
	[tilespmem:$0x1A480] =	vst v63  }
0x56c: {  	_ =	swait.ge [sflag:s31], $0x8000  }
0x56d: {  	[sflag:s31] =	ssyncset.done $0x0  }
0x56e: {  	[sflag:s31] =	ssyncadd.s32 $0xFFFF8000  }
0x56f: {  	[hbm4b:s14+s2] =	stream.linear.scatter [tilespmem:s29], [sflag:$0x2], $0x8000, $0x38;
	[tilespmem:$0x1A480] =	vst v63  }
0x570: {  	_ =	swait.ge [sflag:s30], $0x8000  }
0x571: {  	[sflag:s30] =	ssyncset.done $0x0  }
0x572: {  	[sflag:s30] =	ssyncadd.s32 $0xFFFF8000  }
0x573: {  	[hbm4b:s15+s2] =	stream.linear.scatter [tilespmem:s28], [sflag:$0x1], $0x8000, $0x38;
	[tilespmem:$0x1A480] =	vst v63  }
0x574: {  	_ =	swait.ge [sflag:s31], $0x8000  }
0x575: {  	[sflag:s31] =	ssyncset.done $0x0  }
0x576: {  	[sflag:s31] =	ssyncadd.s32 $0xFFFF8000  }
0x577: {  	[hbm4b:s16+s2] =	stream.linear.scatter [tilespmem:s29], [sflag:$0x2], $0x8000, $0x38;
	[tilespmem:$0x1A480] =	vst v63  }
0x578: {  	_ =	swait.ge [sflag:s30], $0x8000  }
0x579: {  	[sflag:s30] =	ssyncset.done $0x0  }
0x57a: {  	[sflag:s30] =	ssyncadd.s32 $0xFFFF8000  }
0x57b: {  	[hbm4b:s17+s2] =	stream.linear.scatter [tilespmem:s28], [sflag:$0x1], $0x8000, $0x38;
	[tilespmem:$0x1A480] =	vst v63  }
0x57c: {  	_ =	swait.ge [sflag:s31], $0x8000  }
0x57d: {  	[sflag:s31] =	ssyncset.done $0x0  }
0x57e: {  	[sflag:s31] =	ssyncadd.s32 $0xFFFF8000  }
0x57f: {  	[hbm4b:s18+s2] =	stream.linear.scatter [tilespmem:s29], [sflag:$0x2], $0x8000, $0x38;
	[tilespmem:$0x1A480] =	vst v63  }
0x580: {  	_ =	swait.ge [sflag:s30], $0x8000  }
0x581: {  	[sflag:s30] =	ssyncset.done $0x0  }
0x582: {  	[sflag:s30] =	ssyncadd.s32 $0xFFFF8000  }
0x583: {  	[hbm4b:s19+s2] =	stream.linear.scatter [tilespmem:s28], [sflag:$0x1], $0x8000, $0x38;
	[tilespmem:$0x1A480] =	vst v63  }
0x584: {  	_ =	swait.ge [sflag:s31], $0x8000  }
0x585: {  	[sflag:s31] =	ssyncset.done $0x0  }
0x586: {  	[sflag:s31] =	ssyncadd.s32 $0xFFFF8000  }
0x587: {  	[hbm4b:s20+s2] =	stream.linear.scatter [tilespmem:s29], [sflag:$0x2], $0x8000, $0x38;
	[tilespmem:$0x1A480] =	vst v63  }
0x588: {  	_ =	swait.ge [sflag:s30], $0x8000  }
0x589: {  	[sflag:s30] =	ssyncset.done $0x0  }
0x58a: {  	[sflag:s30] =	ssyncadd.s32 $0xFFFF8000  }
0x58b: {  	[hbm4b:s21+s2] =	stream.linear.scatter [tilespmem:s28], [sflag:$0x1], $0x8000, $0x38;
	[tilespmem:$0x1A480] =	vst v63  }
0x58c: {  	_ =	swait.ge [sflag:s31], $0x8000  }
0x58d: {  	[sflag:s31] =	ssyncset.done $0x0  }
0x58e: {  	s0 =	sadd.s32 $0x1, s0;
	[sflag:s31] =	ssyncadd.s32 $0xFFFF8000  }
0x58f: {  	[hbm4b:s22+s2] =	stream.linear.scatter [tilespmem:s29], [sflag:$0x2], $0x8000, $0x38;
	[tilespmem:$0x1A480] =	vst v63  }
0x590: {  	p0 =	sne.s32 s0, s7;
	_ =	swait.ge [sflag:s30], $0x8000  }
.Ltmp2:
0x591: {  	[sflag:s30] =	ssyncset.done $0x0;
	(pc) =	sbr.rel @p0 .LBB2_1-.Ltmp2, $4  }
0x592: {  	[sflag:s30] =	ssyncadd.s32 $0xFFFF8000  }
0x593: {  	_ =	swait.ge [sflag:s31], $0x8000  }
0x594: {  	[sflag:s31] =	ssyncset.done $0x0  }
0x595: {  	[sflag:s31] =	ssyncadd.s32 $0xFFFF8000  }
0x596: {  	_ =	sfence.sel $0x180000  }
0x597: {  	[bflag:$0x0] =	sbarrier.arrive $0xFFFF  }
0x598: {  	_ =	strace $0x90000047  }
0x599: {  	s0 =	stileid.u32;
	[bflag:$0x2] =	sbarrier.arrive $0xFFFF  }
0x59a: {  	p0 =	sne.s32 s0, $0x0;
	s0 =	rddreg [dreg:$0x2]  }
0x59b: {  	s0 =	sadd.s32 @!p0 $0x100000, s0  }
0x59c: {  	[sflag:s0] =	ssyncadd.tile.s32 @!p0 $0x1;
	_ =	shalt  }
.Lfunc_end2:
_tile_overlayer_lowered:
.L_overlay_start_2:
0x59d: {  	(tag) =	ssettag $0x2  }
0x59e: {  	s0 =	rddreg [dreg:$0x0];
	s2 =	stileid.u32  }
0x59f: {  	s1 =	rddreg [dreg:$0x1];
	p0 =	sne.s32 s2, $0x0  }
0x5a0: {  	s3 =	rddreg [dreg:$0x2];
	[bflag:$0x3] =	sbarrier.arrive $0xFFFF;
	s2 =	simm.s32 @!p0 $0x1C03  }
0x5a1: {  	[timem:s3], [sflag:s2] =	dma.local @!p0 [hbm:s0], s1  }
0x5a2: {  	s0 =	simm.s32 @!p0 $0x3  }
0x5a3: {  	_ =	swait.ge @!p0 [sflag:s0], s1  }
0x5a4: {  	s1 =	ssub.s32 @!p0 $0x0, s1;
	[sflag:s0] =	ssyncset.done @!p0 $0x0  }
0x5a5: {  	[sflag:s0] =	ssyncadd.s32 @!p0 s1  }
0x5a6: {  	[bflag:$0x3] =	sbarrier.arrive $0xFFFF  }
0x5a7: {  	_ =	shalt  }

</sc_bundles>
